<compile_context>
chip_gen: v7x
topology: tpu7x:2x2x1
jax: 0.10.2.dev20260603
libtpu: 0.0.44.dev20260713+nightly
codegen_flags: <defaults>
</compile_context>

<pallas_src>
import functools

import jax
import jax.numpy as jnp
from jax import lax
from jax.experimental import pallas as pl
from jax.experimental.pallas import tpu as pltpu
from jax.experimental.pallas import tpu_sc as plsc

N = 10000
D_IN = 128
D_H = 128
N_CLS = 10

NC = 2
NS = 16
NW = NC * NS
CHUNK = 128
GB = 2
STRIPE = 632
NPAD = NS * STRIPE

_mesh = plsc.VectorSubcoreMesh(
    core_axis_name="c", subcore_axis_name="s", num_cores=NC, num_subcores=NS)


def _wid():
    return lax.axis_index("s") * NC + lax.axis_index("c")


def _make_deg_kernel(cpt):
    @functools.partial(
        pl.kernel,
        out_type=jax.ShapeDtypeStruct((NC * NPAD,), jnp.float32),
        mesh=_mesh,
        scratch_types=[
            pltpu.VMEM((cpt, CHUNK), jnp.int32),
            pltpu.VMEM((CHUNK,), jnp.float32),
            pltpu.VMEM((640,), jnp.float32),
            pltpu.VMEM_SHARED((NPAD,), jnp.float32),
            pltpu.SemaphoreType.DMA,
        ],
    )
    def deg_kernel(dst_hbm, degp_out, dst_idx, ones_v, zb_v, deg_sh, sem):
        c = lax.axis_index("c")
        s = lax.axis_index("s")
        w = _wid()
        pltpu.sync_copy(dst_hbm.at[pl.ds(w * cpt, cpt)], dst_idx)
        for j in range(CHUNK // 16):
            ones_v[pl.ds(j * 16, 16)] = jnp.ones((16,), jnp.float32)
        for j in range(640 // 16):
            zb_v[pl.ds(j * 16, 16)] = jnp.zeros((16,), jnp.float32)
        pltpu.sync_copy(zb_v.at[pl.ds(0, STRIPE)],
                        deg_sh.at[pl.ds(s * STRIPE, STRIPE)])
        plsc.subcore_barrier()

        def body(i, carry):
            pltpu.sync_copy(ones_v, deg_sh.at[dst_idx.at[i]], add=True)
            return carry

        lax.fori_loop(0, cpt, body, 0)
        plsc.subcore_barrier()
        pltpu.sync_copy(deg_sh.at[pl.ds(s * STRIPE, STRIPE)],
                        zb_v.at[pl.ds(0, STRIPE)])
        pltpu.sync_copy(zb_v.at[pl.ds(0, STRIPE)],
                        degp_out.at[pl.ds(c * NPAD + s * STRIPE, STRIPE)])

    return deg_kernel


def _make_agg_kernel(cpt, do_u):
    acc_type = jax.ShapeDtypeStruct((NC, NPAD, D_H), jnp.float32)
    out_type = ([acc_type, jax.ShapeDtypeStruct((NC * NPAD,), jnp.float32)]
                if do_u else acc_type)
    half = cpt // 2
    scratch = [
        pltpu.VMEM((half, CHUNK), jnp.int32),
        pltpu.VMEM((half, CHUNK), jnp.int32),
        pltpu.VMEM((GB * CHUNK, D_H), jnp.float32),
        pltpu.VMEM_SHARED((NPAD, D_H), jnp.float32),
        pltpu.SemaphoreType.DMA,
        pltpu.SemaphoreType.DMA,
        pltpu.VMEM((640,), jnp.float32),
    ]
    if do_u:
        scratch += [
            pltpu.VMEM((GB * CHUNK,), jnp.float32),
            pltpu.VMEM_SHARED((NPAD,), jnp.float32),
        ]

    @functools.partial(pl.kernel, out_type=out_type, mesh=_mesh,
                       scratch_types=scratch)
    def agg_kernel(src_hbm, dst_hbm, hn_hbm, dis_hbm, z2_hbm, *rest):
        if do_u:
            acc_out, u_out = rest[0], rest[1]
            (src_idx, dst_idx, rows_v, acc_sh, sem, sem2, zb_v,
             dvals_v, u_sh) = rest[2:]
        else:
            acc_out = rest[0]
            src_idx, dst_idx, rows_v, acc_sh, sem, sem2, zb_v = rest[1:]
        c = lax.axis_index("c")
        s = lax.axis_index("s")
        w = _wid()

        rbase = s * STRIPE

        @pl.when(c == 0)
        def _():
            pltpu.sync_copy(hn_hbm.at[pl.ds(rbase, STRIPE)],
                            acc_sh.at[pl.ds(rbase, STRIPE)])

        @pl.when(c == 1)
        def _():
            for j in range(5):
                m = min(128, STRIPE - j * 128)
                pltpu.sync_copy(z2_hbm.at[pl.ds(0, m)],
                                acc_sh.at[pl.ds(rbase + j * 128, m)])

        if do_u:
            for j in range(640 // 16):
                zb_v[pl.ds(j * 16, 16)] = jnp.zeros((16,), jnp.float32)
            pltpu.sync_copy(zb_v.at[pl.ds(0, STRIPE)],
                            u_sh.at[pl.ds(s * STRIPE, STRIPE)])
        plsc.subcore_barrier()

        def half_body(h, carry):
            pltpu.sync_copy(src_hbm.at[pl.ds(w * cpt + h * half, half)],
                            src_idx)
            pltpu.sync_copy(dst_hbm.at[pl.ds(w * cpt + h * half, half)],
                            dst_idx)

            def body(g, carry2):
                base = g * GB
                gds = []
                for j in range(GB):
                    gds.append(pltpu.async_copy(
                        hn_hbm.at[src_idx.at[base + j]],
                        rows_v.at[pl.ds(j * CHUNK, CHUNK)], sem))
                if do_u:
                    for j in range(GB):
                        gds.append(pltpu.async_copy(
                            dis_hbm.at[dst_idx.at[base + j]],
                            dvals_v.at[pl.ds(j * CHUNK, CHUNK)], sem))
                sds = []
                for j in range(GB):
                    gds[j].wait()
                    sds.append(pltpu.async_copy(
                        rows_v.at[pl.ds(j * CHUNK, CHUNK)],
                        acc_sh.at[dst_idx.at[base + j]], sem2, add=True))
                if do_u:
                    for j in range(GB):
                        gds[GB + j].wait()
                        sds.append(pltpu.async_copy(
                            dvals_v.at[pl.ds(j * CHUNK, CHUNK)],
                            u_sh.at[src_idx.at[base + j]], sem2, add=True))
                for d in sds:
                    d.wait()
                return carry2

            lax.fori_loop(0, half // GB, body, 0)
            return carry

        lax.fori_loop(0, 2, half_body, 0)
        plsc.subcore_barrier()
        pltpu.sync_copy(acc_sh.at[pl.ds(rbase, STRIPE)],
                        acc_out.at[c, pl.ds(rbase, STRIPE)])
        if do_u:
            pltpu.sync_copy(u_sh.at[pl.ds(s * STRIPE, STRIPE)],
                            zb_v.at[pl.ds(0, STRIPE)])
            pltpu.sync_copy(zb_v.at[pl.ds(0, STRIPE)],
                            u_out.at[pl.ds(c * NPAD + s * STRIPE, STRIPE)])

    return agg_kernel


BR = 1000
GRID = N // BR
BR1 = STRIPE
GRID1 = NPAD // BR1


def _dis_body(degp_ref, dis_ref):
    d = degp_ref[0, :] + degp_ref[1, :] + 1.0
    r = lax.rsqrt(d)
    col = lax.broadcasted_iota(jnp.int32, (1, NPAD), 1)
    dis_ref[...] = jnp.where(col < N, r, 0.0)


def _dis_call(degp):
    return pl.pallas_call(
        _dis_body,
        out_shape=jax.ShapeDtypeStruct((1, NPAD), jnp.float32),
    )(degp.reshape(1 * NC, NPAD))


def _mm1_body(x_ref, w_ref, dis_ref, out_ref):
    h = jnp.dot(x_ref[...], w_ref[...], preferred_element_type=jnp.float32)
    out_ref[...] = h * dis_ref[...]


def _mm1_call(xp, W1, dis_col):
    return pl.pallas_call(
        _mm1_body,
        grid=(GRID1,),
        in_specs=[
            pl.BlockSpec((BR1, D_IN), lambda i: (i, 0)),
            pl.BlockSpec((D_IN, D_H), lambda i: (0, 0)),
            pl.BlockSpec((BR1, 1), lambda i: (i, 0)),
        ],
        out_specs=pl.BlockSpec((BR1, D_H), lambda i: (i, 0)),
        out_shape=jax.ShapeDtypeStruct((NPAD, D_H), jnp.float32),
    )(xp, W1, dis_col)


def _mid_body(acc_ref, dis_ref, b_ref, w_ref, out_ref):
    agg = acc_ref[0] + acc_ref[1]
    h = jnp.maximum(agg * dis_ref[...] + b_ref[...], 0.0)
    hw = jnp.dot(h, w_ref[...], preferred_element_type=jnp.float32)
    out_ref[...] = hw * dis_ref[...]


def _mid_call(accp, dis_col, b1, W2):
    return pl.pallas_call(
        _mid_body,
        grid=(GRID,),
        in_specs=[
            pl.BlockSpec((NC, BR, D_H), lambda i: (0, i, 0)),
            pl.BlockSpec((BR, 1), lambda i: (i, 0)),
            pl.BlockSpec((1, D_H), lambda i: (0, 0)),
            pl.BlockSpec((D_H, D_H), lambda i: (0, 0)),
        ],
        out_specs=pl.BlockSpec((BR, D_H), lambda i: (i, 0)),
        out_shape=jax.ShapeDtypeStruct((NPAD, D_H), jnp.float32),
    )(accp, dis_col, b1.reshape(1, D_H), W2)


def _fin_body(acc_ref, dis_ref, b_ref, up_ref, w3_ref, b3_ref, out_ref,
              v_ref):
    i = pl.program_id(0)

    @pl.when(i == 0)
    def _():
        v_ref[...] = jnp.zeros_like(v_ref)

    agg = acc_ref[0] + acc_ref[1]
    dis = dis_ref[...]
    h2 = jnp.maximum(agg * dis + b_ref[...], 0.0)
    s = dis * (up_ref[0] + up_ref[1] + dis)
    v_ref[...] += jnp.sum(h2 * s, axis=0, keepdims=True)

    @pl.when(i == GRID - 1)
    def _():
        v = v_ref[...] * (1.0 / N)
        logits = jnp.dot(v, w3_ref[...],
                         preferred_element_type=jnp.float32) + b3_ref[...]
        m = jnp.max(logits, axis=1, keepdims=True)
        e = jnp.exp(logits - m)
        lse = jnp.log(jnp.sum(e, axis=1, keepdims=True)) + m
        out_ref[...] = logits - lse


def _fin_call(accp, dis_col, b2, up, W3, b3):
    return pl.pallas_call(
        _fin_body,
        grid=(GRID,),
        in_specs=[
            pl.BlockSpec((NC, BR, D_H), lambda i: (0, i, 0)),
            pl.BlockSpec((BR, 1), lambda i: (i, 0)),
            pl.BlockSpec((1, D_H), lambda i: (0, 0)),
            pl.BlockSpec((NC, BR, 1), lambda i: (0, i, 0)),
            pl.BlockSpec((D_H, N_CLS), lambda i: (0, 0)),
            pl.BlockSpec((1, N_CLS), lambda i: (0, 0)),
        ],
        out_specs=pl.BlockSpec((1, N_CLS), lambda i: (0, 0)),
        out_shape=jax.ShapeDtypeStruct((1, N_CLS), jnp.float32),
        scratch_shapes=[pltpu.VMEM((1, D_H), jnp.float32)],
    )(accp, dis_col, b2.reshape(1, D_H), up, W3, b3.reshape(1, N_CLS))


def kernel(x, edge_index, W1, b1, W2, b2, W3, b3):
    E = edge_index.shape[1]
    cpt = -(-E // (CHUNK * NW))
    cpt = -(-cpt // 8) * 8
    nchunks = cpt * NW
    epad = nchunks * CHUNK - E

    src = jnp.concatenate(
        [edge_index[0], jnp.zeros((epad,), jnp.int32)]).reshape(nchunks, CHUNK)
    dst = jnp.concatenate(
        [edge_index[1], jnp.full((epad,), N, jnp.int32)]).reshape(nchunks,
                                                                  CHUNK)
    z2 = jnp.zeros((CHUNK, D_H), jnp.float32)
    xp = jnp.concatenate(
        [x, jnp.zeros((NPAD - N, D_IN), jnp.float32)], axis=0)

    degp = _make_deg_kernel(cpt)(dst).reshape(NC, NPAD)
    dis_row = _dis_call(degp)
    dis_flat = dis_row.reshape(NPAD)
    dis_col = dis_row.reshape(NPAD, 1)

    hn1 = _mm1_call(xp, W1, dis_col)
    acc1, up = _make_agg_kernel(cpt, True)(src, dst, hn1, dis_flat, z2)
    hn2 = _mid_call(acc1, dis_col, b1, W2)
    acc2 = _make_agg_kernel(cpt, False)(src, dst, hn2, dis_flat, z2)
    up_col = up.reshape(NC, NPAD, 1)
    return _fin_call(acc2, dis_col, b2, up_col, W3, b3)

# --- scband reference (transcript-rebuilt; emitter-appended) ---
"""Pipeline reference for scband-gcnmodel-31817117729398 (READ-ONLY COPY).

The authoritative reference and input builder live on the scoring server;
editing this copy changes nothing except your own understanding.
"""

import jax, jax.numpy as jnp
import numpy as np

N = 10000
E = 320000
D_IN = 128
D_H = 128
N_CLS = 10


def setup_inputs(seed: int = 0) -> dict:
    key = jax.random.key(seed)
    ks = jax.random.split(key, 9)
    x = jax.random.normal(ks[0], (N, D_IN), dtype=jnp.float32)
    edge_index = jax.random.randint(ks[1], (2, E), 0, N, dtype=jnp.int32)
    W1 = jax.random.normal(ks[2], (D_IN, D_H), dtype=jnp.float32) / np.sqrt(D_IN)
    b1 = jnp.zeros((D_H,), dtype=jnp.float32)
    W2 = jax.random.normal(ks[3], (D_H, D_H), dtype=jnp.float32) / np.sqrt(D_H)
    b2 = jnp.zeros((D_H,), dtype=jnp.float32)
    W3 = jax.random.normal(ks[4], (D_H, N_CLS), dtype=jnp.float32) / np.sqrt(D_H)
    b3 = jnp.zeros((N_CLS,), dtype=jnp.float32)
    return {"x": x, "edge_index": edge_index, "W1": W1, "b1": b1, "W2": W2, "b2": b2, "W3": W3, "b3": b3}


def gcn_conv(x, edge_index, W, b):
    # PyG GCNConv: add self-loops, symmetric normalization, linear transform, scatter-add aggregate
    n = x.shape[0]
    loop = jnp.arange(n, dtype=edge_index.dtype)
    src = jnp.concatenate([edge_index[0], loop])
    dst = jnp.concatenate([edge_index[1], loop])
    deg = jnp.zeros((n,), dtype=x.dtype).at[dst].add(1.0)
    deg_inv_sqrt = jnp.where(deg > 0, 1.0 / jnp.sqrt(deg), 0.0)
    norm = deg_inv_sqrt[src] * deg_inv_sqrt[dst]
    h = x @ W
    msg = h[src] * norm[:, None]
    out = jnp.zeros((n, h.shape[1]), dtype=h.dtype).at[dst].add(msg)
    return out + b


def reference(x, edge_index, W1, b1, W2, b2, W3, b3):
    # dropout is identity in eval mode
    h = jax.nn.relu(gcn_conv(x, edge_index, W1, b1))
    h = jax.nn.relu(gcn_conv(h, edge_index, W2, b2))
    h = gcn_conv(h, edge_index, W3, b3)
    out = jnp.mean(h, axis=0, keepdims=True)
    return jax.nn.log_softmax(out, axis=1)

if __name__ == "__main__":
    import jax
    _d = setup_inputs()
    print(jax.jit(kernel)(*tuple(_d.values())))

</pallas_src>

<mosaic_0001>
#map = affine_map<(d0, d1) -> (0, 0)>
#map1 = affine_map<(d0, d1) -> (0)>
module attributes {stable_mosaic.version = 14 : i64} {
  func.func @deg_kernel(%arg0: i32, %arg1: i32, %arg2: memref<2560x128xi32, #tpu.memory_space<hbm>>, %arg3: memref<20224xf32, #tpu.memory_space<hbm>>, %arg4: memref<80x128xi32, #tpu.memory_space<vmem>>, %arg5: memref<128xf32, #tpu.memory_space<vmem>>, %arg6: memref<640xf32, #tpu.memory_space<vmem>>, %arg7: memref<10112xf32, #tpu.memory_space<vmem_shared>>, %arg8: memref<!tpu.dma_semaphore, #tpu.memory_space<semaphore_mem>>) attributes {dimension_semantics = [#tpu.dimension_semantics<core_parallel>, #tpu.dimension_semantics<subcore_parallel>], iteration_bounds = array<i64: 2, 16>, scalar_prefetch = 0 : i64, scratch_operands = 5 : i64, tpu.core_type = #tpu.core_type<sc_vector_subcore>, window_params = [{transform_indices = #map}, {transform_indices = #map1}]} {
    %mul3A = arith.constant 2 : i32
    %mul3A_0 = arith.muli %arg1, %mul3A : i32
    %add3A = arith.addi %mul3A_0, %arg0 : i32
    %mul3A_1 = arith.constant 80 : i32
    %mul3A_2 = arith.muli %add3A, %mul3A_1 : i32
    "tpu.region"() ({
      %run_scoped3A = tpu.sem_alloc : memref<!tpu.dma_semaphore, #tpu.memory_space<semaphore_mem>>
      %dma_start3A = arith.constant 0 : i32
      %dma_start3A_304 = tpu.memref_slice %arg2[%mul3A_2, %dma_start3A] : memref<2560x128xi32, #tpu.memory_space<hbm>> -> memref<80x128xi32, #tpu.memory_space<hbm>>
      %dma_start3A_305 = arith.constant 0 : i32
      %dma_start3A_306 = tpu.memref_slice %arg2[%mul3A_2, %dma_start3A_305] : memref<2560x128xi32, #tpu.memory_space<hbm>> -> memref<80x128xi32, #tpu.memory_space<hbm>>
      tpu.enqueue_dma source(%dma_start3A_306 : memref<80x128xi32, #tpu.memory_space<hbm>>) target(%arg4 : memref<80x128xi32, #tpu.memory_space<vmem>>) target_semaphore(%run_scoped3A : memref<!tpu.dma_semaphore, #tpu.memory_space<semaphore_mem>>)
      %dma_wait3A = arith.constant 0 : i32
      %dma_wait3A_307 = tpu.memref_slice %arg2[%mul3A_2, %dma_wait3A] : memref<2560x128xi32, #tpu.memory_space<hbm>> -> memref<80x128xi32, #tpu.memory_space<hbm>>
      %dma_wait3A_308 = arith.constant 0 : i32
      %dma_wait3A_309 = tpu.memref_slice %arg2[%mul3A_2, %dma_wait3A_308] : memref<2560x128xi32, #tpu.memory_space<hbm>> -> memref<80x128xi32, #tpu.memory_space<hbm>>
      tpu.wait_dma2 semaphore(%run_scoped3A : memref<!tpu.dma_semaphore, #tpu.memory_space<semaphore_mem>>) src(%dma_wait3A_309 : memref<80x128xi32, #tpu.memory_space<hbm>>) dst(%arg4 : memref<80x128xi32, #tpu.memory_space<vmem>>)
      tpu.yield
    }) : () -> ()
    %broadcast_in_dim3A = arith.constant 1.000000e+00 : f32
    %broadcast_in_dim3A_3 = vector.broadcast %broadcast_in_dim3A : f32 to vector<16xf32>
    %swap3A = arith.constant 0 : index
    %swap3A_4 = tpu.vector_load %arg5[%swap3A] {strides = array<i32>} : memref<128xf32, #tpu.memory_space<vmem>>, vector<16xf32>,
    %swap3A_5 = vector.shape_cast %swap3A_4 : vector<16xf32> to vector<16xf32>
    %swap3A_6 = vector.shape_cast %broadcast_in_dim3A_3 : vector<16xf32> to vector<16xf32>
    tpu.vector_store %arg5[%swap3A], %swap3A_6 {strides = array<i32>} : memref<128xf32, #tpu.memory_space<vmem>>, vector<16xf32>,
    %broadcast_in_dim3A_7 = arith.constant 1.000000e+00 : f32
    %broadcast_in_dim3A_8 = vector.broadcast %broadcast_in_dim3A_7 : f32 to vector<16xf32>
    %swap3A_9 = arith.constant 16 : index
    %swap3A_10 = tpu.vector_load %arg5[%swap3A_9] {strides = array<i32>} : memref<128xf32, #tpu.memory_space<vmem>>, vector<16xf32>,
    %swap3A_11 = vector.shape_cast %swap3A_10 : vector<16xf32> to vector<16xf32>
    %swap3A_12 = vector.shape_cast %broadcast_in_dim3A_8 : vector<16xf32> to vector<16xf32>
    tpu.vector_store %arg5[%swap3A_9], %swap3A_12 {strides = array<i32>} : memref<128xf32, #tpu.memory_space<vmem>>, vector<16xf32>,
    %broadcast_in_dim3A_13 = arith.constant 1.000000e+00 : f32
    %broadcast_in_dim3A_14 = vector.broadcast %broadcast_in_dim3A_13 : f32 to vector<16xf32>
    %swap3A_15 = arith.constant 32 : index
    %swap3A_16 = tpu.vector_load %arg5[%swap3A_15] {strides = array<i32>} : memref<128xf32, #tpu.memory_space<vmem>>, vector<16xf32>,
    %swap3A_17 = vector.shape_cast %swap3A_16 : vector<16xf32> to vector<16xf32>
    %swap3A_18 = vector.shape_cast %broadcast_in_dim3A_14 : vector<16xf32> to vector<16xf32>
    tpu.vector_store %arg5[%swap3A_15], %swap3A_18 {strides = array<i32>} : memref<128xf32, #tpu.memory_space<vmem>>, vector<16xf32>,
    %broadcast_in_dim3A_19 = arith.constant 1.000000e+00 : f32
    %broadcast_in_dim3A_20 = vector.broadcast %broadcast_in_dim3A_19 : f32 to vector<16xf32>
    %swap3A_21 = arith.constant 48 : index
    %swap3A_22 = tpu.vector_load %arg5[%swap3A_21] {strides = array<i32>} : memref<128xf32, #tpu.memory_space<vmem>>, vector<16xf32>,
    %swap3A_23 = vector.shape_cast %swap3A_22 : vector<16xf32> to vector<16xf32>
    %swap3A_24 = vector.shape_cast %broadcast_in_dim3A_20 : vector<16xf32> to vector<16xf32>
    tpu.vector_store %arg5[%swap3A_21], %swap3A_24 {strides = array<i32>} : memref<128xf32, #tpu.memory_space<vmem>>, vector<16xf32>,
    %broadcast_in_dim3A_25 = arith.constant 1.000000e+00 : f32
    %broadcast_in_dim3A_26 = vector.broadcast %broadcast_in_dim3A_25 : f32 to vector<16xf32>
    %swap3A_27 = arith.constant 64 : index
    %swap3A_28 = tpu.vector_load %arg5[%swap3A_27] {strides = array<i32>} : memref<128xf32, #tpu.memory_space<vmem>>, vector<16xf32>,
    %swap3A_29 = vector.shape_cast %swap3A_28 : vector<16xf32> to vector<16xf32>
    %swap3A_30 = vector.shape_cast %broadcast_in_dim3A_26 : vector<16xf32> to vector<16xf32>
    tpu.vector_store %arg5[%swap3A_27], %swap3A_30 {strides = array<i32>} : memref<128xf32, #tpu.memory_space<vmem>>, vector<16xf32>,
    %broadcast_in_dim3A_31 = arith.constant 1.000000e+00 : f32
    %broadcast_in_dim3A_32 = vector.broadcast %broadcast_in_dim3A_31 : f32 to vector<16xf32>
    %swap3A_33 = arith.constant 80 : index
    %swap3A_34 = tpu.vector_load %arg5[%swap3A_33] {strides = array<i32>} : memref<128xf32, #tpu.memory_space<vmem>>, vector<16xf32>,
    %swap3A_35 = vector.shape_cast %swap3A_34 : vector<16xf32> to vector<16xf32>
    %swap3A_36 = vector.shape_cast %broadcast_in_dim3A_32 : vector<16xf32> to vector<16xf32>
    tpu.vector_store %arg5[%swap3A_33], %swap3A_36 {strides = array<i32>} : memref<128xf32, #tpu.memory_space<vmem>>, vector<16xf32>,
    %broadcast_in_dim3A_37 = arith.constant 1.000000e+00 : f32
    %broadcast_in_dim3A_38 = vector.broadcast %broadcast_in_dim3A_37 : f32 to vector<16xf32>
    %swap3A_39 = arith.constant 96 : index
    %swap3A_40 = tpu.vector_load %arg5[%swap3A_39] {strides = array<i32>} : memref<128xf32, #tpu.memory_space<vmem>>, vector<16xf32>,
    %swap3A_41 = vector.shape_cast %swap3A_40 : vector<16xf32> to vector<16xf32>
    %swap3A_42 = vector.shape_cast %broadcast_in_dim3A_38 : vector<16xf32> to vector<16xf32>
    tpu.vector_store %arg5[%swap3A_39], %swap3A_42 {strides = array<i32>} : memref<128xf32, #tpu.memory_space<vmem>>, vector<16xf32>,
    %broadcast_in_dim3A_43 = arith.constant 1.000000e+00 : f32
    %broadcast_in_dim3A_44 = vector.broadcast %broadcast_in_dim3A_43 : f32 to vector<16xf32>
    %swap3A_45 = arith.constant 112 : index
    %swap3A_46 = tpu.vector_load %arg5[%swap3A_45] {strides = array<i32>} : memref<128xf32, #tpu.memory_space<vmem>>, vector<16xf32>,
    %swap3A_47 = vector.shape_cast %swap3A_46 : vector<16xf32> to vector<16xf32>
    %swap3A_48 = vector.shape_cast %broadcast_in_dim3A_44 : vector<16xf32> to vector<16xf32>
    tpu.vector_store %arg5[%swap3A_45], %swap3A_48 {strides = array<i32>} : memref<128xf32, #tpu.memory_space<vmem>>, vector<16xf32>,
    %broadcast_in_dim3A_49 = arith.constant 0.000000e+00 : f32
    %broadcast_in_dim3A_50 = vector.broadcast %broadcast_in_dim3A_49 : f32 to vector<16xf32>
    %swap3A_51 = arith.constant 0 : index
    %swap3A_52 = tpu.vector_load %arg6[%swap3A_51] {strides = array<i32>} : memref<640xf32, #tpu.memory_space<vmem>>, vector<16xf32>,
    %swap3A_53 = vector.shape_cast %swap3A_52 : vector<16xf32> to vector<16xf32>
    %swap3A_54 = vector.shape_cast %broadcast_in_dim3A_50 : vector<16xf32> to vector<16xf32>
    tpu.vector_store %arg6[%swap3A_51], %swap3A_54 {strides = array<i32>} : memref<640xf32, #tpu.memory_space<vmem>>, vector<16xf32>,
    %broadcast_in_dim3A_55 = arith.constant 0.000000e+00 : f32
    %broadcast_in_dim3A_56 = vector.broadcast %broadcast_in_dim3A_55 : f32 to vector<16xf32>
    %swap3A_57 = arith.constant 16 : index
    %swap3A_58 = tpu.vector_load %arg6[%swap3A_57] {strides = array<i32>} : memref<640xf32, #tpu.memory_space<vmem>>, vector<16xf32>,
    %swap3A_59 = vector.shape_cast %swap3A_58 : vector<16xf32> to vector<16xf32>
    %swap3A_60 = vector.shape_cast %broadcast_in_dim3A_56 : vector<16xf32> to vector<16xf32>
    tpu.vector_store %arg6[%swap3A_57], %swap3A_60 {strides = array<i32>} : memref<640xf32, #tpu.memory_space<vmem>>, vector<16xf32>,
    %broadcast_in_dim3A_61 = arith.constant 0.000000e+00 : f32
    %broadcast_in_dim3A_62 = vector.broadcast %broadcast_in_dim3A_61 : f32 to vector<16xf32>
    %swap3A_63 = arith.constant 32 : index
    %swap3A_64 = tpu.vector_load %arg6[%swap3A_63] {strides = array<i32>} : memref<640xf32, #tpu.memory_space<vmem>>, vector<16xf32>,
    %swap3A_65 = vector.shape_cast %swap3A_64 : vector<16xf32> to vector<16xf32>
    %swap3A_66 = vector.shape_cast %broadcast_in_dim3A_62 : vector<16xf32> to vector<16xf32>
    tpu.vector_store %arg6[%swap3A_63], %swap3A_66 {strides = array<i32>} : memref<640xf32, #tpu.memory_space<vmem>>, vector<16xf32>,
    %broadcast_in_dim3A_67 = arith.constant 0.000000e+00 : f32
    %broadcast_in_dim3A_68 = vector.broadcast %broadcast_in_dim3A_67 : f32 to vector<16xf32>
    %swap3A_69 = arith.constant 48 : index
    %swap3A_70 = tpu.vector_load %arg6[%swap3A_69] {strides = array<i32>} : memref<640xf32, #tpu.memory_space<vmem>>, vector<16xf32>,
    %swap3A_71 = vector.shape_cast %swap3A_70 : vector<16xf32> to vector<16xf32>
    %swap3A_72 = vector.shape_cast %broadcast_in_dim3A_68 : vector<16xf32> to vector<16xf32>
    tpu.vector_store %arg6[%swap3A_69], %swap3A_72 {strides = array<i32>} : memref<640xf32, #tpu.memory_space<vmem>>, vector<16xf32>,
    %broadcast_in_dim3A_73 = arith.constant 0.000000e+00 : f32
    %broadcast_in_dim3A_74 = vector.broadcast %broadcast_in_dim3A_73 : f32 to vector<16xf32>
    %swap3A_75 = arith.constant 64 : index
    %swap3A_76 = tpu.vector_load %arg6[%swap3A_75] {strides = array<i32>} : memref<640xf32, #tpu.memory_space<vmem>>, vector<16xf32>,
    %swap3A_77 = vector.shape_cast %swap3A_76 : vector<16xf32> to vector<16xf32>
    %swap3A_78 = vector.shape_cast %broadcast_in_dim3A_74 : vector<16xf32> to vector<16xf32>
    tpu.vector_store %arg6[%swap3A_75], %swap3A_78 {strides = array<i32>} : memref<640xf32, #tpu.memory_space<vmem>>, vector<16xf32>,
    %broadcast_in_dim3A_79 = arith.constant 0.000000e+00 : f32
    %broadcast_in_dim3A_80 = vector.broadcast %broadcast_in_dim3A_79 : f32 to vector<16xf32>
    %swap3A_81 = arith.constant 80 : index
    %swap3A_82 = tpu.vector_load %arg6[%swap3A_81] {strides = array<i32>} : memref<640xf32, #tpu.memory_space<vmem>>, vector<16xf32>,
    %swap3A_83 = vector.shape_cast %swap3A_82 : vector<16xf32> to vector<16xf32>
    %swap3A_84 = vector.shape_cast %broadcast_in_dim3A_80 : vector<16xf32> to vector<16xf32>
    tpu.vector_store %arg6[%swap3A_81], %swap3A_84 {strides = array<i32>} : memref<640xf32, #tpu.memory_space<vmem>>, vector<16xf32>,
    %broadcast_in_dim3A_85 = arith.constant 0.000000e+00 : f32
    %broadcast_in_dim3A_86 = vector.broadcast %broadcast_in_dim3A_85 : f32 to vector<16xf32>
    %swap3A_87 = arith.constant 96 : index
    %swap3A_88 = tpu.vector_load %arg6[%swap3A_87] {strides = array<i32>} : memref<640xf32, #tpu.memory_space<vmem>>, vector<16xf32>,
    %swap3A_89 = vector.shape_cast %swap3A_88 : vector<16xf32> to vector<16xf32>
    %swap3A_90 = vector.shape_cast %broadcast_in_dim3A_86 : vector<16xf32> to vector<16xf32>
    tpu.vector_store %arg6[%swap3A_87], %swap3A_90 {strides = array<i32>} : memref<640xf32, #tpu.memory_space<vmem>>, vector<16xf32>,
    %broadcast_in_dim3A_91 = arith.constant 0.000000e+00 : f32
    %broadcast_in_dim3A_92 = vector.broadcast %broadcast_in_dim3A_91 : f32 to vector<16xf32>
    %swap3A_93 = arith.constant 112 : index
    %swap3A_94 = tpu.vector_load %arg6[%swap3A_93] {strides = array<i32>} : memref<640xf32, #tpu.memory_space<vmem>>, vector<16xf32>,
    %swap3A_95 = vector.shape_cast %swap3A_94 : vector<16xf32> to vector<16xf32>
    %swap3A_96 = vector.shape_cast %broadcast_in_dim3A_92 : vector<16xf32> to vector<16xf32>
    tpu.vector_store %arg6[%swap3A_93], %swap3A_96 {strides = array<i32>} : memref<640xf32, #tpu.memory_space<vmem>>, vector<16xf32>,
    %broadcast_in_dim3A_97 = arith.constant 0.000000e+00 : f32
    %broadcast_in_dim3A_98 = vector.broadcast %broadcast_in_dim3A_97 : f32 to vector<16xf32>
    %swap3A_99 = arith.constant 128 : index
    %swap3A_100 = tpu.vector_load %arg6[%swap3A_99] {strides = array<i32>} : memref<640xf32, #tpu.memory_space<vmem>>, vector<16xf32>,
    %swap3A_101 = vector.shape_cast %swap3A_100 : vector<16xf32> to vector<16xf32>
    %swap3A_102 = vector.shape_cast %broadcast_in_dim3A_98 : vector<16xf32> to vector<16xf32>
    tpu.vector_store %arg6[%swap3A_99], %swap3A_102 {strides = array<i32>} : memref<640xf32, #tpu.memory_space<vmem>>, vector<16xf32>,
    %broadcast_in_dim3A_103 = arith.constant 0.000000e+00 : f32
    %broadcast_in_dim3A_104 = vector.broadcast %broadcast_in_dim3A_103 : f32 to vector<16xf32>
    %swap3A_105 = arith.constant 144 : index
    %swap3A_106 = tpu.vector_load %arg6[%swap3A_105] {strides = array<i32>} : memref<640xf32, #tpu.memory_space<vmem>>, vector<16xf32>,
    %swap3A_107 = vector.shape_cast %swap3A_106 : vector<16xf32> to vector<16xf32>
    %swap3A_108 = vector.shape_cast %broadcast_in_dim3A_104 : vector<16xf32> to vector<16xf32>
    tpu.vector_store %arg6[%swap3A_105], %swap3A_108 {strides = array<i32>} : memref<640xf32, #tpu.memory_space<vmem>>, vector<16xf32>,
    %broadcast_in_dim3A_109 = arith.constant 0.000000e+00 : f32
    %broadcast_in_dim3A_110 = vector.broadcast %broadcast_in_dim3A_109 : f32 to vector<16xf32>
    %swap3A_111 = arith.constant 160 : index
    %swap3A_112 = tpu.vector_load %arg6[%swap3A_111] {strides = array<i32>} : memref<640xf32, #tpu.memory_space<vmem>>, vector<16xf32>,
    %swap3A_113 = vector.shape_cast %swap3A_112 : vector<16xf32> to vector<16xf32>
    %swap3A_114 = vector.shape_cast %broadcast_in_dim3A_110 : vector<16xf32> to vector<16xf32>
    tpu.vector_store %arg6[%swap3A_111], %swap3A_114 {strides = array<i32>} : memref<640xf32, #tpu.memory_space<vmem>>, vector<16xf32>,
    %broadcast_in_dim3A_115 = arith.constant 0.000000e+00 : f32
    %broadcast_in_dim3A_116 = vector.broadcast %broadcast_in_dim3A_115 : f32 to vector<16xf32>
    %swap3A_117 = arith.constant 176 : index
    %swap3A_118 = tpu.vector_load %arg6[%swap3A_117] {strides = array<i32>} : memref<640xf32, #tpu.memory_space<vmem>>, vector<16xf32>,
    %swap3A_119 = vector.shape_cast %swap3A_118 : vector<16xf32> to vector<16xf32>
    %swap3A_120 = vector.shape_cast %broadcast_in_dim3A_116 : vector<16xf32> to vector<16xf32>
    tpu.vector_store %arg6[%swap3A_117], %swap3A_120 {strides = array<i32>} : memref<640xf32, #tpu.memory_space<vmem>>, vector<16xf32>,
    %broadcast_in_dim3A_121 = arith.constant 0.000000e+00 : f32
    %broadcast_in_dim3A_122 = vector.broadcast %broadcast_in_dim3A_121 : f32 to vector<16xf32>
    %swap3A_123 = arith.constant 192 : index
    %swap3A_124 = tpu.vector_load %arg6[%swap3A_123] {strides = array<i32>} : memref<640xf32, #tpu.memory_space<vmem>>, vector<16xf32>,
    %swap3A_125 = vector.shape_cast %swap3A_124 : vector<16xf32> to vector<16xf32>
    %swap3A_126 = vector.shape_cast %broadcast_in_dim3A_122 : vector<16xf32> to vector<16xf32>
    tpu.vector_store %arg6[%swap3A_123], %swap3A_126 {strides = array<i32>} : memref<640xf32, #tpu.memory_space<vmem>>, vector<16xf32>,
    %broadcast_in_dim3A_127 = arith.constant 0.000000e+00 : f32
    %broadcast_in_dim3A_128 = vector.broadcast %broadcast_in_dim3A_127 : f32 to vector<16xf32>
    %swap3A_129 = arith.constant 208 : index
    %swap3A_130 = tpu.vector_load %arg6[%swap3A_129] {strides = array<i32>} : memref<640xf32, #tpu.memory_space<vmem>>, vector<16xf32>,
    %swap3A_131 = vector.shape_cast %swap3A_130 : vector<16xf32> to vector<16xf32>
    %swap3A_132 = vector.shape_cast %broadcast_in_dim3A_128 : vector<16xf32> to vector<16xf32>
    tpu.vector_store %arg6[%swap3A_129], %swap3A_132 {strides = array<i32>} : memref<640xf32, #tpu.memory_space<vmem>>, vector<16xf32>,
    %broadcast_in_dim3A_133 = arith.constant 0.000000e+00 : f32
    %broadcast_in_dim3A_134 = vector.broadcast %broadcast_in_dim3A_133 : f32 to vector<16xf32>
    %swap3A_135 = arith.constant 224 : index
    %swap3A_136 = tpu.vector_load %arg6[%swap3A_135] {strides = array<i32>} : memref<640xf32, #tpu.memory_space<vmem>>, vector<16xf32>,
    %swap3A_137 = vector.shape_cast %swap3A_136 : vector<16xf32> to vector<16xf32>
    %swap3A_138 = vector.shape_cast %broadcast_in_dim3A_134 : vector<16xf32> to vector<16xf32>
    tpu.vector_store %arg6[%swap3A_135], %swap3A_138 {strides = array<i32>} : memref<640xf32, #tpu.memory_space<vmem>>, vector<16xf32>,
    %broadcast_in_dim3A_139 = arith.constant 0.000000e+00 : f32
    %broadcast_in_dim3A_140 = vector.broadcast %broadcast_in_dim3A_139 : f32 to vector<16xf32>
    %swap3A_141 = arith.constant 240 : index
    %swap3A_142 = tpu.vector_load %arg6[%swap3A_141] {strides = array<i32>} : memref<640xf32, #tpu.memory_space<vmem>>, vector<16xf32>,
    %swap3A_143 = vector.shape_cast %swap3A_142 : vector<16xf32> to vector<16xf32>
    %swap3A_144 = vector.shape_cast %broadcast_in_dim3A_140 : vector<16xf32> to vector<16xf32>
    tpu.vector_store %arg6[%swap3A_141], %swap3A_144 {strides = array<i32>} : memref<640xf32, #tpu.memory_space<vmem>>, vector<16xf32>,
    %broadcast_in_dim3A_145 = arith.constant 0.000000e+00 : f32
    %broadcast_in_dim3A_146 = vector.broadcast %broadcast_in_dim3A_145 : f32 to vector<16xf32>
    %swap3A_147 = arith.constant 256 : index
    %swap3A_148 = tpu.vector_load %arg6[%swap3A_147] {strides = array<i32>} : memref<640xf32, #tpu.memory_space<vmem>>, vector<16xf32>,
    %swap3A_149 = vector.shape_cast %swap3A_148 : vector<16xf32> to vector<16xf32>
    %swap3A_150 = vector.shape_cast %broadcast_in_dim3A_146 : vector<16xf32> to vector<16xf32>
    tpu.vector_store %arg6[%swap3A_147], %swap3A_150 {strides = array<i32>} : memref<640xf32, #tpu.memory_space<vmem>>, vector<16xf32>,
    %broadcast_in_dim3A_151 = arith.constant 0.000000e+00 : f32
    %broadcast_in_dim3A_152 = vector.broadcast %broadcast_in_dim3A_151 : f32 to vector<16xf32>
    %swap3A_153 = arith.constant 272 : index
    %swap3A_154 = tpu.vector_load %arg6[%swap3A_153] {strides = array<i32>} : memref<640xf32, #tpu.memory_space<vmem>>, vector<16xf32>,
    %swap3A_155 = vector.shape_cast %swap3A_154 : vector<16xf32> to vector<16xf32>
    %swap3A_156 = vector.shape_cast %broadcast_in_dim3A_152 : vector<16xf32> to vector<16xf32>
    tpu.vector_store %arg6[%swap3A_153], %swap3A_156 {strides = array<i32>} : memref<640xf32, #tpu.memory_space<vmem>>, vector<16xf32>,
    %broadcast_in_dim3A_157 = arith.constant 0.000000e+00 : f32
    %broadcast_in_dim3A_158 = vector.broadcast %broadcast_in_dim3A_157 : f32 to vector<16xf32>
    %swap3A_159 = arith.constant 288 : index
    %swap3A_160 = tpu.vector_load %arg6[%swap3A_159] {strides = array<i32>} : memref<640xf32, #tpu.memory_space<vmem>>, vector<16xf32>,
    %swap3A_161 = vector.shape_cast %swap3A_160 : vector<16xf32> to vector<16xf32>
    %swap3A_162 = vector.shape_cast %broadcast_in_dim3A_158 : vector<16xf32> to vector<16xf32>
    tpu.vector_store %arg6[%swap3A_159], %swap3A_162 {strides = array<i32>} : memref<640xf32, #tpu.memory_space<vmem>>, vector<16xf32>,
    %broadcast_in_dim3A_163 = arith.constant 0.000000e+00 : f32
    %broadcast_in_dim3A_164 = vector.broadcast %broadcast_in_dim3A_163 : f32 to vector<16xf32>
    %swap3A_165 = arith.constant 304 : index
    %swap3A_166 = tpu.vector_load %arg6[%swap3A_165] {strides = array<i32>} : memref<640xf32, #tpu.memory_space<vmem>>, vector<16xf32>,
    %swap3A_167 = vector.shape_cast %swap3A_166 : vector<16xf32> to vector<16xf32>
    %swap3A_168 = vector.shape_cast %broadcast_in_dim3A_164 : vector<16xf32> to vector<16xf32>
    tpu.vector_store %arg6[%swap3A_165], %swap3A_168 {strides = array<i32>} : memref<640xf32, #tpu.memory_space<vmem>>, vector<16xf32>,
    %broadcast_in_dim3A_169 = arith.constant 0.000000e+00 : f32
    %broadcast_in_dim3A_170 = vector.broadcast %broadcast_in_dim3A_169 : f32 to vector<16xf32>
    %swap3A_171 = arith.constant 320 : index
    %swap3A_172 = tpu.vector_load %arg6[%swap3A_171] {strides = array<i32>} : memref<640xf32, #tpu.memory_space<vmem>>, vector<16xf32>,
    %swap3A_173 = vector.shape_cast %swap3A_172 : vector<16xf32> to vector<16xf32>
    %swap3A_174 = vector.shape_cast %broadcast_in_dim3A_170 : vector<16xf32> to vector<16xf32>
    tpu.vector_store %arg6[%swap3A_171], %swap3A_174 {strides = array<i32>} : memref<640xf32, #tpu.memory_space<vmem>>, vector<16xf32>,
    %broadcast_in_dim3A_175 = arith.constant 0.000000e+00 : f32
    %broadcast_in_dim3A_176 = vector.broadcast %broadcast_in_dim3A_175 : f32 to vector<16xf32>
    %swap3A_177 = arith.constant 336 : index
    %swap3A_178 = tpu.vector_load %arg6[%swap3A_177] {strides = array<i32>} : memref<640xf32, #tpu.memory_space<vmem>>, vector<16xf32>,
    %swap3A_179 = vector.shape_cast %swap3A_178 : vector<16xf32> to vector<16xf32>
    %swap3A_180 = vector.shape_cast %broadcast_in_dim3A_176 : vector<16xf32> to vector<16xf32>
    tpu.vector_store %arg6[%swap3A_177], %swap3A_180 {strides = array<i32>} : memref<640xf32, #tpu.memory_space<vmem>>, vector<16xf32>,
    %broadcast_in_dim3A_181 = arith.constant 0.000000e+00 : f32
    %broadcast_in_dim3A_182 = vector.broadcast %broadcast_in_dim3A_181 : f32 to vector<16xf32>
    %swap3A_183 = arith.constant 352 : index
    %swap3A_184 = tpu.vector_load %arg6[%swap3A_183] {strides = array<i32>} : memref<640xf32, #tpu.memory_space<vmem>>, vector<16xf32>,
    %swap3A_185 = vector.shape_cast %swap3A_184 : vector<16xf32> to vector<16xf32>
    %swap3A_186 = vector.shape_cast %broadcast_in_dim3A_182 : vector<16xf32> to vector<16xf32>
    tpu.vector_store %arg6[%swap3A_183], %swap3A_186 {strides = array<i32>} : memref<640xf32, #tpu.memory_space<vmem>>, vector<16xf32>,
    %broadcast_in_dim3A_187 = arith.constant 0.000000e+00 : f32
    %broadcast_in_dim3A_188 = vector.broadcast %broadcast_in_dim3A_187 : f32 to vector<16xf32>
    %swap3A_189 = arith.constant 368 : index
    %swap3A_190 = tpu.vector_load %arg6[%swap3A_189] {strides = array<i32>} : memref<640xf32, #tpu.memory_space<vmem>>, vector<16xf32>,
    %swap3A_191 = vector.shape_cast %swap3A_190 : vector<16xf32> to vector<16xf32>
    %swap3A_192 = vector.shape_cast %broadcast_in_dim3A_188 : vector<16xf32> to vector<16xf32>
    tpu.vector_store %arg6[%swap3A_189], %swap3A_192 {strides = array<i32>} : memref<640xf32, #tpu.memory_space<vmem>>, vector<16xf32>,
    %broadcast_in_dim3A_193 = arith.constant 0.000000e+00 : f32
    %broadcast_in_dim3A_194 = vector.broadcast %broadcast_in_dim3A_193 : f32 to vector<16xf32>
    %swap3A_195 = arith.constant 384 : index
    %swap3A_196 = tpu.vector_load %arg6[%swap3A_195] {strides = array<i32>} : memref<640xf32, #tpu.memory_space<vmem>>, vector<16xf32>,
    %swap3A_197 = vector.shape_cast %swap3A_196 : vector<16xf32> to vector<16xf32>
    %swap3A_198 = vector.shape_cast %broadcast_in_dim3A_194 : vector<16xf32> to vector<16xf32>
    tpu.vector_store %arg6[%swap3A_195], %swap3A_198 {strides = array<i32>} : memref<640xf32, #tpu.memory_space<vmem>>, vector<16xf32>,
    %broadcast_in_dim3A_199 = arith.constant 0.000000e+00 : f32
    %broadcast_in_dim3A_200 = vector.broadcast %broadcast_in_dim3A_199 : f32 to vector<16xf32>
    %swap3A_201 = arith.constant 400 : index
    %swap3A_202 = tpu.vector_load %arg6[%swap3A_201] {strides = array<i32>} : memref<640xf32, #tpu.memory_space<vmem>>, vector<16xf32>,
    %swap3A_203 = vector.shape_cast %swap3A_202 : vector<16xf32> to vector<16xf32>
    %swap3A_204 = vector.shape_cast %broadcast_in_dim3A_200 : vector<16xf32> to vector<16xf32>
    tpu.vector_store %arg6[%swap3A_201], %swap3A_204 {strides = array<i32>} : memref<640xf32, #tpu.memory_space<vmem>>, vector<16xf32>,
    %broadcast_in_dim3A_205 = arith.constant 0.000000e+00 : f32
    %broadcast_in_dim3A_206 = vector.broadcast %broadcast_in_dim3A_205 : f32 to vector<16xf32>
    %swap3A_207 = arith.constant 416 : index
    %swap3A_208 = tpu.vector_load %arg6[%swap3A_207] {strides = array<i32>} : memref<640xf32, #tpu.memory_space<vmem>>, vector<16xf32>,
    %swap3A_209 = vector.shape_cast %swap3A_208 : vector<16xf32> to vector<16xf32>
    %swap3A_210 = vector.shape_cast %broadcast_in_dim3A_206 : vector<16xf32> to vector<16xf32>
    tpu.vector_store %arg6[%swap3A_207], %swap3A_210 {strides = array<i32>} : memref<640xf32, #tpu.memory_space<vmem>>, vector<16xf32>,
    %broadcast_in_dim3A_211 = arith.constant 0.000000e+00 : f32
    %broadcast_in_dim3A_212 = vector.broadcast %broadcast_in_dim3A_211 : f32 to vector<16xf32>
    %swap3A_213 = arith.constant 432 : index
    %swap3A_214 = tpu.vector_load %arg6[%swap3A_213] {strides = array<i32>} : memref<640xf32, #tpu.memory_space<vmem>>, vector<16xf32>,
    %swap3A_215 = vector.shape_cast %swap3A_214 : vector<16xf32> to vector<16xf32>
    %swap3A_216 = vector.shape_cast %broadcast_in_dim3A_212 : vector<16xf32> to vector<16xf32>
    tpu.vector_store %arg6[%swap3A_213], %swap3A_216 {strides = array<i32>} : memref<640xf32, #tpu.memory_space<vmem>>, vector<16xf32>,
    %broadcast_in_dim3A_217 = arith.constant 0.000000e+00 : f32
    %broadcast_in_dim3A_218 = vector.broadcast %broadcast_in_dim3A_217 : f32 to vector<16xf32>
    %swap3A_219 = arith.constant 448 : index
    %swap3A_220 = tpu.vector_load %arg6[%swap3A_219] {strides = array<i32>} : memref<640xf32, #tpu.memory_space<vmem>>, vector<16xf32>,
    %swap3A_221 = vector.shape_cast %swap3A_220 : vector<16xf32> to vector<16xf32>
    %swap3A_222 = vector.shape_cast %broadcast_in_dim3A_218 : vector<16xf32> to vector<16xf32>
    tpu.vector_store %arg6[%swap3A_219], %swap3A_222 {strides = array<i32>} : memref<640xf32, #tpu.memory_space<vmem>>, vector<16xf32>,
    %broadcast_in_dim3A_223 = arith.constant 0.000000e+00 : f32
    %broadcast_in_dim3A_224 = vector.broadcast %broadcast_in_dim3A_223 : f32 to vector<16xf32>
    %swap3A_225 = arith.constant 464 : index
    %swap3A_226 = tpu.vector_load %arg6[%swap3A_225] {strides = array<i32>} : memref<640xf32, #tpu.memory_space<vmem>>, vector<16xf32>,
    %swap3A_227 = vector.shape_cast %swap3A_226 : vector<16xf32> to vector<16xf32>
    %swap3A_228 = vector.shape_cast %broadcast_in_dim3A_224 : vector<16xf32> to vector<16xf32>
    tpu.vector_store %arg6[%swap3A_225], %swap3A_228 {strides = array<i32>} : memref<640xf32, #tpu.memory_space<vmem>>, vector<16xf32>,
    %broadcast_in_dim3A_229 = arith.constant 0.000000e+00 : f32
    %broadcast_in_dim3A_230 = vector.broadcast %broadcast_in_dim3A_229 : f32 to vector<16xf32>
    %swap3A_231 = arith.constant 480 : index
    %swap3A_232 = tpu.vector_load %arg6[%swap3A_231] {strides = array<i32>} : memref<640xf32, #tpu.memory_space<vmem>>, vector<16xf32>,
    %swap3A_233 = vector.shape_cast %swap3A_232 : vector<16xf32> to vector<16xf32>
    %swap3A_234 = vector.shape_cast %broadcast_in_dim3A_230 : vector<16xf32> to vector<16xf32>
    tpu.vector_store %arg6[%swap3A_231], %swap3A_234 {strides = array<i32>} : memref<640xf32, #tpu.memory_space<vmem>>, vector<16xf32>,
    %broadcast_in_dim3A_235 = arith.constant 0.000000e+00 : f32
    %broadcast_in_dim3A_236 = vector.broadcast %broadcast_in_dim3A_235 : f32 to vector<16xf32>
    %swap3A_237 = arith.constant 496 : index
    %swap3A_238 = tpu.vector_load %arg6[%swap3A_237] {strides = array<i32>} : memref<640xf32, #tpu.memory_space<vmem>>, vector<16xf32>,
    %swap3A_239 = vector.shape_cast %swap3A_238 : vector<16xf32> to vector<16xf32>
    %swap3A_240 = vector.shape_cast %broadcast_in_dim3A_236 : vector<16xf32> to vector<16xf32>
    tpu.vector_store %arg6[%swap3A_237], %swap3A_240 {strides = array<i32>} : memref<640xf32, #tpu.memory_space<vmem>>, vector<16xf32>,
    %broadcast_in_dim3A_241 = arith.constant 0.000000e+00 : f32
    %broadcast_in_dim3A_242 = vector.broadcast %broadcast_in_dim3A_241 : f32 to vector<16xf32>
    %swap3A_243 = arith.constant 512 : index
    %swap3A_244 = tpu.vector_load %arg6[%swap3A_243] {strides = array<i32>} : memref<640xf32, #tpu.memory_space<vmem>>, vector<16xf32>,
    %swap3A_245 = vector.shape_cast %swap3A_244 : vector<16xf32> to vector<16xf32>
    %swap3A_246 = vector.shape_cast %broadcast_in_dim3A_242 : vector<16xf32> to vector<16xf32>
    tpu.vector_store %arg6[%swap3A_243], %swap3A_246 {strides = array<i32>} : memref<640xf32, #tpu.memory_space<vmem>>, vector<16xf32>,
    %broadcast_in_dim3A_247 = arith.constant 0.000000e+00 : f32
    %broadcast_in_dim3A_248 = vector.broadcast %broadcast_in_dim3A_247 : f32 to vector<16xf32>
    %swap3A_249 = arith.constant 528 : index
    %swap3A_250 = tpu.vector_load %arg6[%swap3A_249] {strides = array<i32>} : memref<640xf32, #tpu.memory_space<vmem>>, vector<16xf32>,
    %swap3A_251 = vector.shape_cast %swap3A_250 : vector<16xf32> to vector<16xf32>
    %swap3A_252 = vector.shape_cast %broadcast_in_dim3A_248 : vector<16xf32> to vector<16xf32>
    tpu.vector_store %arg6[%swap3A_249], %swap3A_252 {strides = array<i32>} : memref<640xf32, #tpu.memory_space<vmem>>, vector<16xf32>,
    %broadcast_in_dim3A_253 = arith.constant 0.000000e+00 : f32
    %broadcast_in_dim3A_254 = vector.broadcast %broadcast_in_dim3A_253 : f32 to vector<16xf32>
    %swap3A_255 = arith.constant 544 : index
    %swap3A_256 = tpu.vector_load %arg6[%swap3A_255] {strides = array<i32>} : memref<640xf32, #tpu.memory_space<vmem>>, vector<16xf32>,
    %swap3A_257 = vector.shape_cast %swap3A_256 : vector<16xf32> to vector<16xf32>
    %swap3A_258 = vector.shape_cast %broadcast_in_dim3A_254 : vector<16xf32> to vector<16xf32>
    tpu.vector_store %arg6[%swap3A_255], %swap3A_258 {strides = array<i32>} : memref<640xf32, #tpu.memory_space<vmem>>, vector<16xf32>,
    %broadcast_in_dim3A_259 = arith.constant 0.000000e+00 : f32
    %broadcast_in_dim3A_260 = vector.broadcast %broadcast_in_dim3A_259 : f32 to vector<16xf32>
    %swap3A_261 = arith.constant 560 : index
    %swap3A_262 = tpu.vector_load %arg6[%swap3A_261] {strides = array<i32>} : memref<640xf32, #tpu.memory_space<vmem>>, vector<16xf32>,
    %swap3A_263 = vector.shape_cast %swap3A_262 : vector<16xf32> to vector<16xf32>
    %swap3A_264 = vector.shape_cast %broadcast_in_dim3A_260 : vector<16xf32> to vector<16xf32>
    tpu.vector_store %arg6[%swap3A_261], %swap3A_264 {strides = array<i32>} : memref<640xf32, #tpu.memory_space<vmem>>, vector<16xf32>,
    %broadcast_in_dim3A_265 = arith.constant 0.000000e+00 : f32
    %broadcast_in_dim3A_266 = vector.broadcast %broadcast_in_dim3A_265 : f32 to vector<16xf32>
    %swap3A_267 = arith.constant 576 : index
    %swap3A_268 = tpu.vector_load %arg6[%swap3A_267] {strides = array<i32>} : memref<640xf32, #tpu.memory_space<vmem>>, vector<16xf32>,
    %swap3A_269 = vector.shape_cast %swap3A_268 : vector<16xf32> to vector<16xf32>
    %swap3A_270 = vector.shape_cast %broadcast_in_dim3A_266 : vector<16xf32> to vector<16xf32>
    tpu.vector_store %arg6[%swap3A_267], %swap3A_270 {strides = array<i32>} : memref<640xf32, #tpu.memory_space<vmem>>, vector<16xf32>,
    %broadcast_in_dim3A_271 = arith.constant 0.000000e+00 : f32
    %broadcast_in_dim3A_272 = vector.broadcast %broadcast_in_dim3A_271 : f32 to vector<16xf32>
    %swap3A_273 = arith.constant 592 : index
    %swap3A_274 = tpu.vector_load %arg6[%swap3A_273] {strides = array<i32>} : memref<640xf32, #tpu.memory_space<vmem>>, vector<16xf32>,
    %swap3A_275 = vector.shape_cast %swap3A_274 : vector<16xf32> to vector<16xf32>
    %swap3A_276 = vector.shape_cast %broadcast_in_dim3A_272 : vector<16xf32> to vector<16xf32>
    tpu.vector_store %arg6[%swap3A_273], %swap3A_276 {strides = array<i32>} : memref<640xf32, #tpu.memory_space<vmem>>, vector<16xf32>,
    %broadcast_in_dim3A_277 = arith.constant 0.000000e+00 : f32
    %broadcast_in_dim3A_278 = vector.broadcast %broadcast_in_dim3A_277 : f32 to vector<16xf32>
    %swap3A_279 = arith.constant 608 : index
    %swap3A_280 = tpu.vector_load %arg6[%swap3A_279] {strides = array<i32>} : memref<640xf32, #tpu.memory_space<vmem>>, vector<16xf32>,
    %swap3A_281 = vector.shape_cast %swap3A_280 : vector<16xf32> to vector<16xf32>
    %swap3A_282 = vector.shape_cast %broadcast_in_dim3A_278 : vector<16xf32> to vector<16xf32>
    tpu.vector_store %arg6[%swap3A_279], %swap3A_282 {strides = array<i32>} : memref<640xf32, #tpu.memory_space<vmem>>, vector<16xf32>,
    %broadcast_in_dim3A_283 = arith.constant 0.000000e+00 : f32
    %broadcast_in_dim3A_284 = vector.broadcast %broadcast_in_dim3A_283 : f32 to vector<16xf32>
    %swap3A_285 = arith.constant 624 : index
    %swap3A_286 = tpu.vector_load %arg6[%swap3A_285] {strides = array<i32>} : memref<640xf32, #tpu.memory_space<vmem>>, vector<16xf32>,
    %swap3A_287 = vector.shape_cast %swap3A_286 : vector<16xf32> to vector<16xf32>
    %swap3A_288 = vector.shape_cast %broadcast_in_dim3A_284 : vector<16xf32> to vector<16xf32>
    tpu.vector_store %arg6[%swap3A_285], %swap3A_288 {strides = array<i32>} : memref<640xf32, #tpu.memory_space<vmem>>, vector<16xf32>,
    %mul3A_289 = arith.constant 632 : i32
    %mul3A_290 = arith.muli %arg1, %mul3A_289 : i32
    "tpu.region"() ({
      %run_scoped3A = tpu.sem_alloc : memref<!tpu.dma_semaphore, #tpu.memory_space<semaphore_mem>>
      %dma_start3A = arith.constant 0 : i32
      %dma_start3A_304 = tpu.memref_slice %arg6[%dma_start3A] : memref<640xf32, #tpu.memory_space<vmem>> -> memref<632xf32, #tpu.memory_space<vmem>>
      %dma_start3A_305 = tpu.memref_slice %arg7[%mul3A_290] : memref<10112xf32, #tpu.memory_space<vmem_shared>> -> memref<632xf32, #tpu.memory_space<vmem_shared>>
      %dma_start3A_306 = tpu.memref_slice %arg7[%mul3A_290] : memref<10112xf32, #tpu.memory_space<vmem_shared>> -> memref<632xf32, #tpu.memory_space<vmem_shared>>
      %dma_start3A_307 = arith.constant 0 : i32
      %dma_start3A_308 = tpu.memref_slice %arg6[%dma_start3A_307] : memref<640xf32, #tpu.memory_space<vmem>> -> memref<632xf32, #tpu.memory_space<vmem>>
      tpu.enqueue_dma source(%dma_start3A_308 : memref<632xf32, #tpu.memory_space<vmem>>) target(%dma_start3A_306 : memref<632xf32, #tpu.memory_space<vmem_shared>>) target_semaphore(%run_scoped3A : memref<!tpu.dma_semaphore, #tpu.memory_space<semaphore_mem>>)
      %dma_wait3A = arith.constant 0 : i32
      %dma_wait3A_309 = tpu.memref_slice %arg6[%dma_wait3A] : memref<640xf32, #tpu.memory_space<vmem>> -> memref<632xf32, #tpu.memory_space<vmem>>
      %dma_wait3A_310 = tpu.memref_slice %arg7[%mul3A_290] : memref<10112xf32, #tpu.memory_space<vmem_shared>> -> memref<632xf32, #tpu.memory_space<vmem_shared>>
      %dma_wait3A_311 = tpu.memref_slice %arg7[%mul3A_290] : memref<10112xf32, #tpu.memory_space<vmem_shared>> -> memref<632xf32, #tpu.memory_space<vmem_shared>>
      %dma_wait3A_312 = arith.constant 0 : i32
      %dma_wait3A_313 = tpu.memref_slice %arg6[%dma_wait3A_312] : memref<640xf32, #tpu.memory_space<vmem>> -> memref<632xf32, #tpu.memory_space<vmem>>
      tpu.wait_dma2 semaphore(%run_scoped3A : memref<!tpu.dma_semaphore, #tpu.memory_space<semaphore_mem>>) src(%dma_wait3A_313 : memref<632xf32, #tpu.memory_space<vmem>>) dst(%dma_wait3A_311 : memref<632xf32, #tpu.memory_space<vmem_shared>>)
      tpu.yield
    }) : () -> ()
    %barrier3A = arith.constant 0 : index
    tpu.barrier barrier_id(%barrier3A)
    %scan3A = arith.constant 0 : i32
    %scan3A_291 = arith.constant 0 : i32
    %scan3A_292 = arith.constant 80 : i32
    %scan3A_293 = arith.addi %scan3A_291, %scan3A_292 : i32
    %scan3A_294 = arith.constant 1 : i32
    scf.for %scan3A_304 = %scan3A_291 to %scan3A_293 step %scan3A_294  : i32 {
      "tpu.region"() ({
        %run_scoped3A = tpu.sem_alloc : memref<!tpu.dma_semaphore, #tpu.memory_space<semaphore_mem>>
        %dma_start3A = arith.constant 0 : i32
        %dma_start3A_305 = tpu.memref_slice %arg4[%scan3A_304, %dma_start3A] : memref<80x128xi32, #tpu.memory_space<vmem>> -> memref<1x128xi32, #tpu.memory_space<vmem>>
        %dma_start3A_306 = tpu.memref_squeeze %dma_start3A_305 : memref<1x128xi32, #tpu.memory_space<vmem>> -> memref<128xi32, #tpu.memory_space<vmem>>
        %dma_start3A_307 = arith.constant 0 : i32
        %dma_start3A_308 = tpu.memref_slice %arg7[%dma_start3A_307] : memref<10112xf32, #tpu.memory_space<vmem_shared>> -> memref<10112xf32, #tpu.memory_space<vmem_shared>>
        tpu.enqueue_indirect_dma source(%arg5 : memref<128xf32, #tpu.memory_space<vmem>>) target(%dma_start3A_308 : memref<10112xf32, #tpu.memory_space<vmem_shared>>) offsets(%dma_start3A_306 : memref<128xi32, #tpu.memory_space<vmem>>) semaphore(%run_scoped3A : memref<!tpu.dma_semaphore, #tpu.memory_space<semaphore_mem>>) {add = true}
        %dma_wait3A = arith.constant 0 : i32
        %dma_wait3A_309 = tpu.memref_slice %arg4[%scan3A_304, %dma_wait3A] : memref<80x128xi32, #tpu.memory_space<vmem>> -> memref<1x128xi32, #tpu.memory_space<vmem>>
        %dma_wait3A_310 = tpu.memref_squeeze %dma_wait3A_309 : memref<1x128xi32, #tpu.memory_space<vmem>> -> memref<128xi32, #tpu.memory_space<vmem>>
        %dma_wait3A_311 = arith.constant 0 : i32
        %dma_wait3A_312 = tpu.memref_slice %arg7[%dma_wait3A_311] : memref<10112xf32, #tpu.memory_space<vmem_shared>> -> memref<10112xf32, #tpu.memory_space<vmem_shared>>
        tpu.wait_indirect_dma semaphore(%run_scoped3A : memref<!tpu.dma_semaphore, #tpu.memory_space<semaphore_mem>>) src(%arg5 : memref<128xf32, #tpu.memory_space<vmem>>) dst(%dma_wait3A_312 : memref<10112xf32, #tpu.memory_space<vmem_shared>>)
        tpu.yield
      }) : () -> ()
    }
    %scan3A_295 = arith.constant 80 : i32
    %barrier3A_296 = arith.constant 0 : index
    tpu.barrier barrier_id(%barrier3A_296)
    %mul3A_297 = arith.constant 632 : i32
    %mul3A_298 = arith.muli %arg1, %mul3A_297 : i32
    "tpu.region"() ({
      %run_scoped3A = tpu.sem_alloc : memref<!tpu.dma_semaphore, #tpu.memory_space<semaphore_mem>>
      %dma_start3A = arith.constant 0 : i32
      %dma_start3A_304 = tpu.memref_slice %arg6[%dma_start3A] : memref<640xf32, #tpu.memory_space<vmem>> -> memref<632xf32, #tpu.memory_space<vmem>>
      %dma_start3A_305 = tpu.memref_slice %arg7[%mul3A_298] : memref<10112xf32, #tpu.memory_space<vmem_shared>> -> memref<632xf32, #tpu.memory_space<vmem_shared>>
      %dma_start3A_306 = arith.constant 0 : i32
      %dma_start3A_307 = tpu.memref_slice %arg6[%dma_start3A_306] : memref<640xf32, #tpu.memory_space<vmem>> -> memref<632xf32, #tpu.memory_space<vmem>>
      %dma_start3A_308 = tpu.memref_slice %arg7[%mul3A_298] : memref<10112xf32, #tpu.memory_space<vmem_shared>> -> memref<632xf32, #tpu.memory_space<vmem_shared>>
      tpu.enqueue_dma source(%dma_start3A_308 : memref<632xf32, #tpu.memory_space<vmem_shared>>) target(%dma_start3A_307 : memref<632xf32, #tpu.memory_space<vmem>>) target_semaphore(%run_scoped3A : memref<!tpu.dma_semaphore, #tpu.memory_space<semaphore_mem>>)
      %dma_wait3A = arith.constant 0 : i32
      %dma_wait3A_309 = tpu.memref_slice %arg6[%dma_wait3A] : memref<640xf32, #tpu.memory_space<vmem>> -> memref<632xf32, #tpu.memory_space<vmem>>
      %dma_wait3A_310 = tpu.memref_slice %arg7[%mul3A_298] : memref<10112xf32, #tpu.memory_space<vmem_shared>> -> memref<632xf32, #tpu.memory_space<vmem_shared>>
      %dma_wait3A_311 = arith.constant 0 : i32
      %dma_wait3A_312 = tpu.memref_slice %arg6[%dma_wait3A_311] : memref<640xf32, #tpu.memory_space<vmem>> -> memref<632xf32, #tpu.memory_space<vmem>>
      %dma_wait3A_313 = tpu.memref_slice %arg7[%mul3A_298] : memref<10112xf32, #tpu.memory_space<vmem_shared>> -> memref<632xf32, #tpu.memory_space<vmem_shared>>
      tpu.wait_dma2 semaphore(%run_scoped3A : memref<!tpu.dma_semaphore, #tpu.memory_space<semaphore_mem>>) src(%dma_wait3A_313 : memref<632xf32, #tpu.memory_space<vmem_shared>>) dst(%dma_wait3A_312 : memref<632xf32, #tpu.memory_space<vmem>>)
      tpu.yield
    }) : () -> ()
    %mul3A_299 = arith.constant 10112 : i32
    %mul3A_300 = arith.muli %arg0, %mul3A_299 : i32
    %mul3A_301 = arith.constant 632 : i32
    %mul3A_302 = arith.muli %arg1, %mul3A_301 : i32
    %add3A_303 = arith.addi %mul3A_300, %mul3A_302 : i32
    "tpu.region"() ({
      %run_scoped3A = tpu.sem_alloc : memref<!tpu.dma_semaphore, #tpu.memory_space<semaphore_mem>>
      %dma_start3A = arith.constant 0 : i32
      %dma_start3A_304 = tpu.memref_slice %arg6[%dma_start3A] : memref<640xf32, #tpu.memory_space<vmem>> -> memref<632xf32, #tpu.memory_space<vmem>>
      %dma_start3A_305 = tpu.memref_slice %arg3[%add3A_303] : memref<20224xf32, #tpu.memory_space<hbm>> -> memref<632xf32, #tpu.memory_space<hbm>>
      %dma_start3A_306 = tpu.memref_slice %arg3[%add3A_303] : memref<20224xf32, #tpu.memory_space<hbm>> -> memref<632xf32, #tpu.memory_space<hbm>>
      %dma_start3A_307 = arith.constant 0 : i32
      %dma_start3A_308 = tpu.memref_slice %arg6[%dma_start3A_307] : memref<640xf32, #tpu.memory_space<vmem>> -> memref<632xf32, #tpu.memory_space<vmem>>
      tpu.enqueue_dma source(%dma_start3A_308 : memref<632xf32, #tpu.memory_space<vmem>>) target(%dma_start3A_306 : memref<632xf32, #tpu.memory_space<hbm>>) target_semaphore(%run_scoped3A : memref<!tpu.dma_semaphore, #tpu.memory_space<semaphore_mem>>)
      %dma_wait3A = arith.constant 0 : i32
      %dma_wait3A_309 = tpu.memref_slice %arg6[%dma_wait3A] : memref<640xf32, #tpu.memory_space<vmem>> -> memref<632xf32, #tpu.memory_space<vmem>>
      %dma_wait3A_310 = tpu.memref_slice %arg3[%add3A_303] : memref<20224xf32, #tpu.memory_space<hbm>> -> memref<632xf32, #tpu.memory_space<hbm>>
      %dma_wait3A_311 = tpu.memref_slice %arg3[%add3A_303] : memref<20224xf32, #tpu.memory_space<hbm>> -> memref<632xf32, #tpu.memory_space<hbm>>
      %dma_wait3A_312 = arith.constant 0 : i32
      %dma_wait3A_313 = tpu.memref_slice %arg6[%dma_wait3A_312] : memref<640xf32, #tpu.memory_space<vmem>> -> memref<632xf32, #tpu.memory_space<vmem>>
      tpu.wait_dma2 semaphore(%run_scoped3A : memref<!tpu.dma_semaphore, #tpu.memory_space<semaphore_mem>>) src(%dma_wait3A_313 : memref<632xf32, #tpu.memory_space<vmem>>) dst(%dma_wait3A_311 : memref<632xf32, #tpu.memory_space<hbm>>)
      tpu.yield
    }) : () -> ()
    return
  }
}

#map = affine_map<(d0, d1) -> (0, 0)>
#map1 = affine_map<(d0, d1) -> (0)>
#map2 = affine_map<(d0, d1) -> (0, 0, 0)>
module attributes {stable_mosaic.version = 14 : i64} {
  func.func @agg_kernel(%arg0: i32, %arg1: i32, %arg2: memref<2560x128xi32, #tpu.memory_space<hbm>>, %arg3: memref<2560x128xi32, #tpu.memory_space<hbm>>, %arg4: memref<10112x128xf32, #tpu.memory_space<hbm>>, %arg5: memref<10112xf32, #tpu.memory_space<hbm>>, %arg6: memref<128x128xf32, #tpu.memory_space<hbm>>, %arg7: memref<2x10112x128xf32, #tpu.memory_space<hbm>>, %arg8: memref<40x128xi32, #tpu.memory_space<vmem>>, %arg9: memref<40x128xi32, #tpu.memory_space<vmem>>, %arg10: memref<256x128xf32, #tpu.memory_space<vmem>>, %arg11: memref<10112x128xf32, #tpu.memory_space<vmem_shared>>, %arg12: memref<!tpu.dma_semaphore, #tpu.memory_space<semaphore_mem>>, %arg13: memref<!tpu.dma_semaphore, #tpu.memory_space<semaphore_mem>>, %arg14: memref<640xf32, #tpu.memory_space<vmem>>) attributes {dimension_semantics = [#tpu.dimension_semantics<core_parallel>, #tpu.dimension_semantics<subcore_parallel>], iteration_bounds = array<i64: 2, 16>, scalar_prefetch = 0 : i64, scratch_operands = 7 : i64, tpu.core_type = #tpu.core_type<sc_vector_subcore>, window_params = [{transform_indices = #map}, {transform_indices = #map}, {transform_indices = #map}, {transform_indices = #map1}, {transform_indices = #map}, {transform_indices = #map2}]} {
    %mul3A = arith.constant 2 : i32
    %mul3A_0 = arith.muli %arg1, %mul3A : i32
    %add3A = arith.addi %mul3A_0, %arg0 : i32
    %mul3A_1 = arith.constant 632 : i32
    %mul3A_2 = arith.muli %arg1, %mul3A_1 : i32
    %eq3A = arith.constant 0 : i32
    %eq3A_3 = arith.cmpi eq, %arg0, %eq3A : i32
    %convert_element_type3A = arith.extui %eq3A_3 : i1 to i32
    %cond3A = arith.constant 0 : i32
    %cond3A_4 = arith.cmpi ne, %convert_element_type3A, %cond3A : i32
    scf.if %cond3A_4 {
      "tpu.region"() ({
        %run_scoped3A = tpu.sem_alloc : memref<!tpu.dma_semaphore, #tpu.memory_space<semaphore_mem>>
        %dma_start3A = arith.constant 0 : i32
        %dma_start3A_16 = tpu.memref_slice %arg11[%mul3A_2, %dma_start3A] : memref<10112x128xf32, #tpu.memory_space<vmem_shared>> -> memref<632x128xf32, #tpu.memory_space<vmem_shared>>
        %dma_start3A_17 = arith.constant 0 : i32
        %dma_start3A_18 = tpu.memref_slice %arg4[%mul3A_2, %dma_start3A_17] : memref<10112x128xf32, #tpu.memory_space<hbm>> -> memref<632x128xf32, #tpu.memory_space<hbm>>
        tpu.enqueue_dma source(%dma_start3A_18 : memref<632x128xf32, #tpu.memory_space<hbm>>) target(%dma_start3A_16 : memref<632x128xf32, #tpu.memory_space<vmem_shared>>) target_semaphore(%run_scoped3A : memref<!tpu.dma_semaphore, #tpu.memory_space<semaphore_mem>>)
        %dma_wait3A = arith.constant 0 : i32
        %dma_wait3A_19 = tpu.memref_slice %arg11[%mul3A_2, %dma_wait3A] : memref<10112x128xf32, #tpu.memory_space<vmem_shared>> -> memref<632x128xf32, #tpu.memory_space<vmem_shared>>
        %dma_wait3A_20 = arith.constant 0 : i32
        %dma_wait3A_21 = tpu.memref_slice %arg4[%mul3A_2, %dma_wait3A_20] : memref<10112x128xf32, #tpu.memory_space<hbm>> -> memref<632x128xf32, #tpu.memory_space<hbm>>
        tpu.wait_dma2 semaphore(%run_scoped3A : memref<!tpu.dma_semaphore, #tpu.memory_space<semaphore_mem>>) src(%dma_wait3A_21 : memref<632x128xf32, #tpu.memory_space<hbm>>) dst(%dma_wait3A_19 : memref<632x128xf32, #tpu.memory_space<vmem_shared>>)
        tpu.yield
      }) : () -> ()
    } else {
    }
    %eq3A_5 = arith.constant 1 : i32
    %eq3A_6 = arith.cmpi eq, %arg0, %eq3A_5 : i32
    %convert_element_type3A_7 = arith.extui %eq3A_6 : i1 to i32
    %cond3A_8 = arith.constant 0 : i32
    %cond3A_9 = arith.cmpi ne, %convert_element_type3A_7, %cond3A_8 : i32
    scf.if %cond3A_9 {
      %add3A_16 = arith.constant 0 : i32
      %add3A_17 = arith.addi %mul3A_2, %add3A_16 : i32
      "tpu.region"() ({
        %run_scoped3A = tpu.sem_alloc : memref<!tpu.dma_semaphore, #tpu.memory_space<semaphore_mem>>
        %dma_start3A = arith.constant 0 : i32
        %dma_start3A_26 = tpu.memref_slice %arg11[%add3A_17, %dma_start3A] : memref<10112x128xf32, #tpu.memory_space<vmem_shared>> -> memref<128x128xf32, #tpu.memory_space<vmem_shared>>
        %dma_start3A_27 = arith.constant 0 : i32
        %dma_start3A_28 = arith.constant 0 : i32
        %dma_start3A_29 = tpu.memref_slice %arg6[%dma_start3A_27, %dma_start3A_28] : memref<128x128xf32, #tpu.memory_space<hbm>> -> memref<128x128xf32, #tpu.memory_space<hbm>>
        tpu.enqueue_dma source(%dma_start3A_29 : memref<128x128xf32, #tpu.memory_space<hbm>>) target(%dma_start3A_26 : memref<128x128xf32, #tpu.memory_space<vmem_shared>>) target_semaphore(%run_scoped3A : memref<!tpu.dma_semaphore, #tpu.memory_space<semaphore_mem>>)
        %dma_wait3A = arith.constant 0 : i32
        %dma_wait3A_30 = tpu.memref_slice %arg11[%add3A_17, %dma_wait3A] : memref<10112x128xf32, #tpu.memory_space<vmem_shared>> -> memref<128x128xf32, #tpu.memory_space<vmem_shared>>
        %dma_wait3A_31 = arith.constant 0 : i32
        %dma_wait3A_32 = arith.constant 0 : i32
        %dma_wait3A_33 = tpu.memref_slice %arg6[%dma_wait3A_31, %dma_wait3A_32] : memref<128x128xf32, #tpu.memory_space<hbm>> -> memref<128x128xf32, #tpu.memory_space<hbm>>
        tpu.wait_dma2 semaphore(%run_scoped3A : memref<!tpu.dma_semaphore, #tpu.memory_space<semaphore_mem>>) src(%dma_wait3A_33 : memref<128x128xf32, #tpu.memory_space<hbm>>) dst(%dma_wait3A_30 : memref<128x128xf32, #tpu.memory_space<vmem_shared>>)
        tpu.yield
      }) : () -> ()
      %add3A_18 = arith.constant 128 : i32
      %add3A_19 = arith.addi %mul3A_2, %add3A_18 : i32
      "tpu.region"() ({
        %run_scoped3A = tpu.sem_alloc : memref<!tpu.dma_semaphore, #tpu.memory_space<semaphore_mem>>
        %dma_start3A = arith.constant 0 : i32
        %dma_start3A_26 = tpu.memref_slice %arg11[%add3A_19, %dma_start3A] : memref<10112x128xf32, #tpu.memory_space<vmem_shared>> -> memref<128x128xf32, #tpu.memory_space<vmem_shared>>
        %dma_start3A_27 = arith.constant 0 : i32
        %dma_start3A_28 = arith.constant 0 : i32
        %dma_start3A_29 = tpu.memref_slice %arg6[%dma_start3A_27, %dma_start3A_28] : memref<128x128xf32, #tpu.memory_space<hbm>> -> memref<128x128xf32, #tpu.memory_space<hbm>>
        tpu.enqueue_dma source(%dma_start3A_29 : memref<128x128xf32, #tpu.memory_space<hbm>>) target(%dma_start3A_26 : memref<128x128xf32, #tpu.memory_space<vmem_shared>>) target_semaphore(%run_scoped3A : memref<!tpu.dma_semaphore, #tpu.memory_space<semaphore_mem>>)
        %dma_wait3A = arith.constant 0 : i32
        %dma_wait3A_30 = tpu.memref_slice %arg11[%add3A_19, %dma_wait3A] : memref<10112x128xf32, #tpu.memory_space<vmem_shared>> -> memref<128x128xf32, #tpu.memory_space<vmem_shared>>
        %dma_wait3A_31 = arith.constant 0 : i32
        %dma_wait3A_32 = arith.constant 0 : i32
        %dma_wait3A_33 = tpu.memref_slice %arg6[%dma_wait3A_31, %dma_wait3A_32] : memref<128x128xf32, #tpu.memory_space<hbm>> -> memref<128x128xf32, #tpu.memory_space<hbm>>
        tpu.wait_dma2 semaphore(%run_scoped3A : memref<!tpu.dma_semaphore, #tpu.memory_space<semaphore_mem>>) src(%dma_wait3A_33 : memref<128x128xf32, #tpu.memory_space<hbm>>) dst(%dma_wait3A_30 : memref<128x128xf32, #tpu.memory_space<vmem_shared>>)
        tpu.yield
      }) : () -> ()
      %add3A_20 = arith.constant 256 : i32
      %add3A_21 = arith.addi %mul3A_2, %add3A_20 : i32
      "tpu.region"() ({
        %run_scoped3A = tpu.sem_alloc : memref<!tpu.dma_semaphore, #tpu.memory_space<semaphore_mem>>
        %dma_start3A = arith.constant 0 : i32
        %dma_start3A_26 = tpu.memref_slice %arg11[%add3A_21, %dma_start3A] : memref<10112x128xf32, #tpu.memory_space<vmem_shared>> -> memref<128x128xf32, #tpu.memory_space<vmem_shared>>
        %dma_start3A_27 = arith.constant 0 : i32
        %dma_start3A_28 = arith.constant 0 : i32
        %dma_start3A_29 = tpu.memref_slice %arg6[%dma_start3A_27, %dma_start3A_28] : memref<128x128xf32, #tpu.memory_space<hbm>> -> memref<128x128xf32, #tpu.memory_space<hbm>>
        tpu.enqueue_dma source(%dma_start3A_29 : memref<128x128xf32, #tpu.memory_space<hbm>>) target(%dma_start3A_26 : memref<128x128xf32, #tpu.memory_space<vmem_shared>>) target_semaphore(%run_scoped3A : memref<!tpu.dma_semaphore, #tpu.memory_space<semaphore_mem>>)
        %dma_wait3A = arith.constant 0 : i32
        %dma_wait3A_30 = tpu.memref_slice %arg11[%add3A_21, %dma_wait3A] : memref<10112x128xf32, #tpu.memory_space<vmem_shared>> -> memref<128x128xf32, #tpu.memory_space<vmem_shared>>
        %dma_wait3A_31 = arith.constant 0 : i32
        %dma_wait3A_32 = arith.constant 0 : i32
        %dma_wait3A_33 = tpu.memref_slice %arg6[%dma_wait3A_31, %dma_wait3A_32] : memref<128x128xf32, #tpu.memory_space<hbm>> -> memref<128x128xf32, #tpu.memory_space<hbm>>
        tpu.wait_dma2 semaphore(%run_scoped3A : memref<!tpu.dma_semaphore, #tpu.memory_space<semaphore_mem>>) src(%dma_wait3A_33 : memref<128x128xf32, #tpu.memory_space<hbm>>) dst(%dma_wait3A_30 : memref<128x128xf32, #tpu.memory_space<vmem_shared>>)
        tpu.yield
      }) : () -> ()
      %add3A_22 = arith.constant 384 : i32
      %add3A_23 = arith.addi %mul3A_2, %add3A_22 : i32
      "tpu.region"() ({
        %run_scoped3A = tpu.sem_alloc : memref<!tpu.dma_semaphore, #tpu.memory_space<semaphore_mem>>
        %dma_start3A = arith.constant 0 : i32
        %dma_start3A_26 = tpu.memref_slice %arg11[%add3A_23, %dma_start3A] : memref<10112x128xf32, #tpu.memory_space<vmem_shared>> -> memref<128x128xf32, #tpu.memory_space<vmem_shared>>
        %dma_start3A_27 = arith.constant 0 : i32
        %dma_start3A_28 = arith.constant 0 : i32
        %dma_start3A_29 = tpu.memref_slice %arg6[%dma_start3A_27, %dma_start3A_28] : memref<128x128xf32, #tpu.memory_space<hbm>> -> memref<128x128xf32, #tpu.memory_space<hbm>>
        tpu.enqueue_dma source(%dma_start3A_29 : memref<128x128xf32, #tpu.memory_space<hbm>>) target(%dma_start3A_26 : memref<128x128xf32, #tpu.memory_space<vmem_shared>>) target_semaphore(%run_scoped3A : memref<!tpu.dma_semaphore, #tpu.memory_space<semaphore_mem>>)
        %dma_wait3A = arith.constant 0 : i32
        %dma_wait3A_30 = tpu.memref_slice %arg11[%add3A_23, %dma_wait3A] : memref<10112x128xf32, #tpu.memory_space<vmem_shared>> -> memref<128x128xf32, #tpu.memory_space<vmem_shared>>
        %dma_wait3A_31 = arith.constant 0 : i32
        %dma_wait3A_32 = arith.constant 0 : i32
        %dma_wait3A_33 = tpu.memref_slice %arg6[%dma_wait3A_31, %dma_wait3A_32] : memref<128x128xf32, #tpu.memory_space<hbm>> -> memref<128x128xf32, #tpu.memory_space<hbm>>
        tpu.wait_dma2 semaphore(%run_scoped3A : memref<!tpu.dma_semaphore, #tpu.memory_space<semaphore_mem>>) src(%dma_wait3A_33 : memref<128x128xf32, #tpu.memory_space<hbm>>) dst(%dma_wait3A_30 : memref<128x128xf32, #tpu.memory_space<vmem_shared>>)
        tpu.yield
      }) : () -> ()
      %add3A_24 = arith.constant 512 : i32
      %add3A_25 = arith.addi %mul3A_2, %add3A_24 : i32
      "tpu.region"() ({
        %run_scoped3A = tpu.sem_alloc : memref<!tpu.dma_semaphore, #tpu.memory_space<semaphore_mem>>
        %dma_start3A = arith.constant 0 : i32
        %dma_start3A_26 = tpu.memref_slice %arg11[%add3A_25, %dma_start3A] : memref<10112x128xf32, #tpu.memory_space<vmem_shared>> -> memref<120x128xf32, #tpu.memory_space<vmem_shared>>
        %dma_start3A_27 = arith.constant 0 : i32
        %dma_start3A_28 = arith.constant 0 : i32
        %dma_start3A_29 = tpu.memref_slice %arg6[%dma_start3A_27, %dma_start3A_28] : memref<128x128xf32, #tpu.memory_space<hbm>> -> memref<120x128xf32, #tpu.memory_space<hbm>>
        tpu.enqueue_dma source(%dma_start3A_29 : memref<120x128xf32, #tpu.memory_space<hbm>>) target(%dma_start3A_26 : memref<120x128xf32, #tpu.memory_space<vmem_shared>>) target_semaphore(%run_scoped3A : memref<!tpu.dma_semaphore, #tpu.memory_space<semaphore_mem>>)
        %dma_wait3A = arith.constant 0 : i32
        %dma_wait3A_30 = tpu.memref_slice %arg11[%add3A_25, %dma_wait3A] : memref<10112x128xf32, #tpu.memory_space<vmem_shared>> -> memref<120x128xf32, #tpu.memory_space<vmem_shared>>
        %dma_wait3A_31 = arith.constant 0 : i32
        %dma_wait3A_32 = arith.constant 0 : i32
        %dma_wait3A_33 = tpu.memref_slice %arg6[%dma_wait3A_31, %dma_wait3A_32] : memref<128x128xf32, #tpu.memory_space<hbm>> -> memref<120x128xf32, #tpu.memory_space<hbm>>
        tpu.wait_dma2 semaphore(%run_scoped3A : memref<!tpu.dma_semaphore, #tpu.memory_space<semaphore_mem>>) src(%dma_wait3A_33 : memref<120x128xf32, #tpu.memory_space<hbm>>) dst(%dma_wait3A_30 : memref<120x128xf32, #tpu.memory_space<vmem_shared>>)
        tpu.yield
      }) : () -> ()
    } else {
    }
    %barrier3A = arith.constant 0 : index
    tpu.barrier barrier_id(%barrier3A)
    %scan3A = arith.constant 0 : i32
    %scan3A_10 = arith.constant 0 : i32
    %scan3A_11 = arith.constant 2 : i32
    %scan3A_12 = arith.addi %scan3A_10, %scan3A_11 : i32
    %scan3A_13 = arith.constant 1 : i32
    scf.for %scan3A_16 = %scan3A_10 to %scan3A_12 step %scan3A_13  : i32 {
      %mul3A_17 = arith.constant 80 : i32
      %mul3A_18 = arith.muli %add3A, %mul3A_17 : i32
      %mul3A_19 = arith.constant 40 : i32
      %mul3A_20 = arith.muli %scan3A_16, %mul3A_19 : i32
      %add3A_21 = arith.addi %mul3A_18, %mul3A_20 : i32
      "tpu.region"() ({
        %run_scoped3A = tpu.sem_alloc : memref<!tpu.dma_semaphore, #tpu.memory_space<semaphore_mem>>
        %dma_start3A = arith.constant 0 : i32
        %dma_start3A_33 = tpu.memref_slice %arg2[%add3A_21, %dma_start3A] : memref<2560x128xi32, #tpu.memory_space<hbm>> -> memref<40x128xi32, #tpu.memory_space<hbm>>
        %dma_start3A_34 = arith.constant 0 : i32
        %dma_start3A_35 = tpu.memref_slice %arg2[%add3A_21, %dma_start3A_34] : memref<2560x128xi32, #tpu.memory_space<hbm>> -> memref<40x128xi32, #tpu.memory_space<hbm>>
        tpu.enqueue_dma source(%dma_start3A_35 : memref<40x128xi32, #tpu.memory_space<hbm>>) target(%arg8 : memref<40x128xi32, #tpu.memory_space<vmem>>) target_semaphore(%run_scoped3A : memref<!tpu.dma_semaphore, #tpu.memory_space<semaphore_mem>>)
        %dma_wait3A = arith.constant 0 : i32
        %dma_wait3A_36 = tpu.memref_slice %arg2[%add3A_21, %dma_wait3A] : memref<2560x128xi32, #tpu.memory_space<hbm>> -> memref<40x128xi32, #tpu.memory_space<hbm>>
        %dma_wait3A_37 = arith.constant 0 : i32
        %dma_wait3A_38 = tpu.memref_slice %arg2[%add3A_21, %dma_wait3A_37] : memref<2560x128xi32, #tpu.memory_space<hbm>> -> memref<40x128xi32, #tpu.memory_space<hbm>>
        tpu.wait_dma2 semaphore(%run_scoped3A : memref<!tpu.dma_semaphore, #tpu.memory_space<semaphore_mem>>) src(%dma_wait3A_38 : memref<40x128xi32, #tpu.memory_space<hbm>>) dst(%arg8 : memref<40x128xi32, #tpu.memory_space<vmem>>)
        tpu.yield
      }) : () -> ()
      %mul3A_22 = arith.constant 80 : i32
      %mul3A_23 = arith.muli %add3A, %mul3A_22 : i32
      %mul3A_24 = arith.constant 40 : i32
      %mul3A_25 = arith.muli %scan3A_16, %mul3A_24 : i32
      %add3A_26 = arith.addi %mul3A_23, %mul3A_25 : i32
      "tpu.region"() ({
        %run_scoped3A = tpu.sem_alloc : memref<!tpu.dma_semaphore, #tpu.memory_space<semaphore_mem>>
        %dma_start3A = arith.constant 0 : i32
        %dma_start3A_33 = tpu.memref_slice %arg3[%add3A_26, %dma_start3A] : memref<2560x128xi32, #tpu.memory_space<hbm>> -> memref<40x128xi32, #tpu.memory_space<hbm>>
        %dma_start3A_34 = arith.constant 0 : i32
        %dma_start3A_35 = tpu.memref_slice %arg3[%add3A_26, %dma_start3A_34] : memref<2560x128xi32, #tpu.memory_space<hbm>> -> memref<40x128xi32, #tpu.memory_space<hbm>>
        tpu.enqueue_dma source(%dma_start3A_35 : memref<40x128xi32, #tpu.memory_space<hbm>>) target(%arg9 : memref<40x128xi32, #tpu.memory_space<vmem>>) target_semaphore(%run_scoped3A : memref<!tpu.dma_semaphore, #tpu.memory_space<semaphore_mem>>)
        %dma_wait3A = arith.constant 0 : i32
        %dma_wait3A_36 = tpu.memref_slice %arg3[%add3A_26, %dma_wait3A] : memref<2560x128xi32, #tpu.memory_space<hbm>> -> memref<40x128xi32, #tpu.memory_space<hbm>>
        %dma_wait3A_37 = arith.constant 0 : i32
        %dma_wait3A_38 = tpu.memref_slice %arg3[%add3A_26, %dma_wait3A_37] : memref<2560x128xi32, #tpu.memory_space<hbm>> -> memref<40x128xi32, #tpu.memory_space<hbm>>
        tpu.wait_dma2 semaphore(%run_scoped3A : memref<!tpu.dma_semaphore, #tpu.memory_space<semaphore_mem>>) src(%dma_wait3A_38 : memref<40x128xi32, #tpu.memory_space<hbm>>) dst(%arg9 : memref<40x128xi32, #tpu.memory_space<vmem>>)
        tpu.yield
      }) : () -> ()
      %scan3A_27 = arith.constant 0 : i32
      %scan3A_28 = arith.constant 0 : i32
      %scan3A_29 = arith.constant 20 : i32
      %scan3A_30 = arith.addi %scan3A_28, %scan3A_29 : i32
      %scan3A_31 = arith.constant 1 : i32
      scf.for %scan3A_33 = %scan3A_28 to %scan3A_30 step %scan3A_31  : i32 {
        %mul3A_34 = arith.constant 2 : i32
        %mul3A_35 = arith.muli %scan3A_33, %mul3A_34 : i32
        %add3A_36 = arith.constant 0 : i32
        %add3A_37 = arith.addi %mul3A_35, %add3A_36 : i32
        %dma_start3A = arith.constant 0 : i32
        %dma_start3A_38 = arith.constant 0 : i32
        %dma_start3A_39 = tpu.memref_slice %arg10[%dma_start3A, %dma_start3A_38] : memref<256x128xf32, #tpu.memory_space<vmem>> -> memref<128x128xf32, #tpu.memory_space<vmem>>
        %dma_start3A_40 = arith.constant 0 : i32
        %dma_start3A_41 = tpu.memref_slice %arg8[%add3A_37, %dma_start3A_40] : memref<40x128xi32, #tpu.memory_space<vmem>> -> memref<1x128xi32, #tpu.memory_space<vmem>>
        %dma_start3A_42 = tpu.memref_squeeze %dma_start3A_41 : memref<1x128xi32, #tpu.memory_space<vmem>> -> memref<128xi32, #tpu.memory_space<vmem>>
        %dma_start3A_43 = arith.constant 0 : i32
        %dma_start3A_44 = arith.constant 0 : i32
        %dma_start3A_45 = tpu.memref_slice %arg4[%dma_start3A_43, %dma_start3A_44] : memref<10112x128xf32, #tpu.memory_space<hbm>> -> memref<10112x128xf32, #tpu.memory_space<hbm>>
        tpu.enqueue_indirect_dma source(%dma_start3A_45 : memref<10112x128xf32, #tpu.memory_space<hbm>>) target(%dma_start3A_39 : memref<128x128xf32, #tpu.memory_space<vmem>>) offsets(%dma_start3A_42 : memref<128xi32, #tpu.memory_space<vmem>>) semaphore(%arg12 : memref<!tpu.dma_semaphore, #tpu.memory_space<semaphore_mem>>)
        %add3A_46 = arith.constant 1 : i32
        %add3A_47 = arith.addi %mul3A_35, %add3A_46 : i32
        %dma_start3A_48 = arith.constant 128 : i32
        %dma_start3A_49 = arith.constant 0 : i32
        %dma_start3A_50 = tpu.memref_slice %arg10[%dma_start3A_48, %dma_start3A_49] : memref<256x128xf32, #tpu.memory_space<vmem>> -> memref<128x128xf32, #tpu.memory_space<vmem>>
        %dma_start3A_51 = arith.constant 0 : i32
        %dma_start3A_52 = tpu.memref_slice %arg8[%add3A_47, %dma_start3A_51] : memref<40x128xi32, #tpu.memory_space<vmem>> -> memref<1x128xi32, #tpu.memory_space<vmem>>
        %dma_start3A_53 = tpu.memref_squeeze %dma_start3A_52 : memref<1x128xi32, #tpu.memory_space<vmem>> -> memref<128xi32, #tpu.memory_space<vmem>>
        %dma_start3A_54 = arith.constant 0 : i32
        %dma_start3A_55 = arith.constant 0 : i32
        %dma_start3A_56 = tpu.memref_slice %arg4[%dma_start3A_54, %dma_start3A_55] : memref<10112x128xf32, #tpu.memory_space<hbm>> -> memref<10112x128xf32, #tpu.memory_space<hbm>>
        tpu.enqueue_indirect_dma source(%dma_start3A_56 : memref<10112x128xf32, #tpu.memory_space<hbm>>) target(%dma_start3A_50 : memref<128x128xf32, #tpu.memory_space<vmem>>) offsets(%dma_start3A_53 : memref<128xi32, #tpu.memory_space<vmem>>) semaphore(%arg12 : memref<!tpu.dma_semaphore, #tpu.memory_space<semaphore_mem>>)
        %dma_wait3A = arith.constant 0 : i32
        %dma_wait3A_57 = arith.constant 0 : i32
        %dma_wait3A_58 = tpu.memref_slice %arg10[%dma_wait3A, %dma_wait3A_57] : memref<256x128xf32, #tpu.memory_space<vmem>> -> memref<128x128xf32, #tpu.memory_space<vmem>>
        %dma_wait3A_59 = arith.constant 0 : i32
        %dma_wait3A_60 = tpu.memref_slice %arg8[%add3A_37, %dma_wait3A_59] : memref<40x128xi32, #tpu.memory_space<vmem>> -> memref<1x128xi32, #tpu.memory_space<vmem>>
        %dma_wait3A_61 = tpu.memref_squeeze %dma_wait3A_60 : memref<1x128xi32, #tpu.memory_space<vmem>> -> memref<128xi32, #tpu.memory_space<vmem>>
        %dma_wait3A_62 = arith.constant 0 : i32
        %dma_wait3A_63 = arith.constant 0 : i32
        %dma_wait3A_64 = tpu.memref_slice %arg4[%dma_wait3A_62, %dma_wait3A_63] : memref<10112x128xf32, #tpu.memory_space<hbm>> -> memref<10112x128xf32, #tpu.memory_space<hbm>>
        tpu.wait_indirect_dma semaphore(%arg12 : memref<!tpu.dma_semaphore, #tpu.memory_space<semaphore_mem>>) src(%dma_wait3A_64 : memref<10112x128xf32, #tpu.memory_space<hbm>>) dst(%dma_wait3A_58 : memref<128x128xf32, #tpu.memory_space<vmem>>)
        %add3A_65 = arith.constant 0 : i32
        %add3A_66 = arith.addi %mul3A_35, %add3A_65 : i32
        %dma_start3A_67 = arith.constant 0 : i32
        %dma_start3A_68 = arith.constant 0 : i32
        %dma_start3A_69 = tpu.memref_slice %arg10[%dma_start3A_67, %dma_start3A_68] : memref<256x128xf32, #tpu.memory_space<vmem>> -> memref<128x128xf32, #tpu.memory_space<vmem>>
        %dma_start3A_70 = arith.constant 0 : i32
        %dma_start3A_71 = tpu.memref_slice %arg9[%add3A_66, %dma_start3A_70] : memref<40x128xi32, #tpu.memory_space<vmem>> -> memref<1x128xi32, #tpu.memory_space<vmem>>
        %dma_start3A_72 = tpu.memref_squeeze %dma_start3A_71 : memref<1x128xi32, #tpu.memory_space<vmem>> -> memref<128xi32, #tpu.memory_space<vmem>>
        %dma_start3A_73 = arith.constant 0 : i32
        %dma_start3A_74 = arith.constant 0 : i32
        %dma_start3A_75 = tpu.memref_slice %arg11[%dma_start3A_73, %dma_start3A_74] : memref<10112x128xf32, #tpu.memory_space<vmem_shared>> -> memref<10112x128xf32, #tpu.memory_space<vmem_shared>>
        tpu.enqueue_indirect_dma source(%dma_start3A_69 : memref<128x128xf32, #tpu.memory_space<vmem>>) target(%dma_start3A_75 : memref<10112x128xf32, #tpu.memory_space<vmem_shared>>) offsets(%dma_start3A_72 : memref<128xi32, #tpu.memory_space<vmem>>) semaphore(%arg13 : memref<!tpu.dma_semaphore, #tpu.memory_space<semaphore_mem>>) {add = true}
        %dma_wait3A_76 = arith.constant 128 : i32
        %dma_wait3A_77 = arith.constant 0 : i32
        %dma_wait3A_78 = tpu.memref_slice %arg10[%dma_wait3A_76, %dma_wait3A_77] : memref<256x128xf32, #tpu.memory_space<vmem>> -> memref<128x128xf32, #tpu.memory_space<vmem>>
        %dma_wait3A_79 = arith.constant 0 : i32
        %dma_wait3A_80 = tpu.memref_slice %arg8[%add3A_47, %dma_wait3A_79] : memref<40x128xi32, #tpu.memory_space<vmem>> -> memref<1x128xi32, #tpu.memory_space<vmem>>
        %dma_wait3A_81 = tpu.memref_squeeze %dma_wait3A_80 : memref<1x128xi32, #tpu.memory_space<vmem>> -> memref<128xi32, #tpu.memory_space<vmem>>
        %dma_wait3A_82 = arith.constant 0 : i32
        %dma_wait3A_83 = arith.constant 0 : i32
        %dma_wait3A_84 = tpu.memref_slice %arg4[%dma_wait3A_82, %dma_wait3A_83] : memref<10112x128xf32, #tpu.memory_space<hbm>> -> memref<10112x128xf32, #tpu.memory_space<hbm>>
        tpu.wait_indirect_dma semaphore(%arg12 : memref<!tpu.dma_semaphore, #tpu.memory_space<semaphore_mem>>) src(%dma_wait3A_84 : memref<10112x128xf32, #tpu.memory_space<hbm>>) dst(%dma_wait3A_78 : memref<128x128xf32, #tpu.memory_space<vmem>>)
        %add3A_85 = arith.constant 1 : i32
        %add3A_86 = arith.addi %mul3A_35, %add3A_85 : i32
        %dma_start3A_87 = arith.constant 128 : i32
        %dma_start3A_88 = arith.constant 0 : i32
        %dma_start3A_89 = tpu.memref_slice %arg10[%dma_start3A_87, %dma_start3A_88] : memref<256x128xf32, #tpu.memory_space<vmem>> -> memref<128x128xf32, #tpu.memory_space<vmem>>
        %dma_start3A_90 = arith.constant 0 : i32
        %dma_start3A_91 = tpu.memref_slice %arg9[%add3A_86, %dma_start3A_90] : memref<40x128xi32, #tpu.memory_space<vmem>> -> memref<1x128xi32, #tpu.memory_space<vmem>>
        %dma_start3A_92 = tpu.memref_squeeze %dma_start3A_91 : memref<1x128xi32, #tpu.memory_space<vmem>> -> memref<128xi32, #tpu.memory_space<vmem>>
        %dma_start3A_93 = arith.constant 0 : i32
        %dma_start3A_94 = arith.constant 0 : i32
        %dma_start3A_95 = tpu.memref_slice %arg11[%dma_start3A_93, %dma_start3A_94] : memref<10112x128xf32, #tpu.memory_space<vmem_shared>> -> memref<10112x128xf32, #tpu.memory_space<vmem_shared>>
        tpu.enqueue_indirect_dma source(%dma_start3A_89 : memref<128x128xf32, #tpu.memory_space<vmem>>) target(%dma_start3A_95 : memref<10112x128xf32, #tpu.memory_space<vmem_shared>>) offsets(%dma_start3A_92 : memref<128xi32, #tpu.memory_space<vmem>>) semaphore(%arg13 : memref<!tpu.dma_semaphore, #tpu.memory_space<semaphore_mem>>) {add = true}
        %dma_wait3A_96 = arith.constant 0 : i32
        %dma_wait3A_97 = arith.constant 0 : i32
        %dma_wait3A_98 = tpu.memref_slice %arg10[%dma_wait3A_96, %dma_wait3A_97] : memref<256x128xf32, #tpu.memory_space<vmem>> -> memref<128x128xf32, #tpu.memory_space<vmem>>
        %dma_wait3A_99 = arith.constant 0 : i32
        %dma_wait3A_100 = tpu.memref_slice %arg9[%add3A_66, %dma_wait3A_99] : memref<40x128xi32, #tpu.memory_space<vmem>> -> memref<1x128xi32, #tpu.memory_space<vmem>>
        %dma_wait3A_101 = tpu.memref_squeeze %dma_wait3A_100 : memref<1x128xi32, #tpu.memory_space<vmem>> -> memref<128xi32, #tpu.memory_space<vmem>>
        %dma_wait3A_102 = arith.constant 0 : i32
        %dma_wait3A_103 = arith.constant 0 : i32
        %dma_wait3A_104 = tpu.memref_slice %arg11[%dma_wait3A_102, %dma_wait3A_103] : memref<10112x128xf32, #tpu.memory_space<vmem_shared>> -> memref<10112x128xf32, #tpu.memory_space<vmem_shared>>
        tpu.wait_indirect_dma semaphore(%arg13 : memref<!tpu.dma_semaphore, #tpu.memory_space<semaphore_mem>>) src(%dma_wait3A_98 : memref<128x128xf32, #tpu.memory_space<vmem>>) dst(%dma_wait3A_104 : memref<10112x128xf32, #tpu.memory_space<vmem_shared>>)
        %dma_wait3A_105 = arith.constant 128 : i32
        %dma_wait3A_106 = arith.constant 0 : i32
        %dma_wait3A_107 = tpu.memref_slice %arg10[%dma_wait3A_105, %dma_wait3A_106] : memref<256x128xf32, #tpu.memory_space<vmem>> -> memref<128x128xf32, #tpu.memory_space<vmem>>
        %dma_wait3A_108 = arith.constant 0 : i32
        %dma_wait3A_109 = tpu.memref_slice %arg9[%add3A_86, %dma_wait3A_108] : memref<40x128xi32, #tpu.memory_space<vmem>> -> memref<1x128xi32, #tpu.memory_space<vmem>>
        %dma_wait3A_110 = tpu.memref_squeeze %dma_wait3A_109 : memref<1x128xi32, #tpu.memory_space<vmem>> -> memref<128xi32, #tpu.memory_space<vmem>>
        %dma_wait3A_111 = arith.constant 0 : i32
        %dma_wait3A_112 = arith.constant 0 : i32
        %dma_wait3A_113 = tpu.memref_slice %arg11[%dma_wait3A_111, %dma_wait3A_112] : memref<10112x128xf32, #tpu.memory_space<vmem_shared>> -> memref<10112x128xf32, #tpu.memory_space<vmem_shared>>
        tpu.wait_indirect_dma semaphore(%arg13 : memref<!tpu.dma_semaphore, #tpu.memory_space<semaphore_mem>>) src(%dma_wait3A_107 : memref<128x128xf32, #tpu.memory_space<vmem>>) dst(%dma_wait3A_113 : memref<10112x128xf32, #tpu.memory_space<vmem_shared>>)
      }
      %scan3A_32 = arith.constant 20 : i32
    }
    %scan3A_14 = arith.constant 2 : i32
    %barrier3A_15 = arith.constant 0 : index
    tpu.barrier barrier_id(%barrier3A_15)
    "tpu.region"() ({
      %run_scoped3A = tpu.sem_alloc : memref<!tpu.dma_semaphore, #tpu.memory_space<semaphore_mem>>
      %dma_start3A = arith.constant 0 : i32
      %dma_start3A_16 = tpu.memref_slice %arg7[%arg0, %mul3A_2, %dma_start3A] : memref<2x10112x128xf32, #tpu.memory_space<hbm>> -> memref<1x632x128xf32, #tpu.memory_space<hbm>>
      %dma_start3A_17 = tpu.memref_squeeze %dma_start3A_16 : memref<1x632x128xf32, #tpu.memory_space<hbm>> -> memref<632x128xf32, #tpu.memory_space<hbm>>
      %dma_start3A_18 = arith.constant 0 : i32
      %dma_start3A_19 = tpu.memref_slice %arg11[%mul3A_2, %dma_start3A_18] : memref<10112x128xf32, #tpu.memory_space<vmem_shared>> -> memref<632x128xf32, #tpu.memory_space<vmem_shared>>
      tpu.enqueue_dma source(%dma_start3A_19 : memref<632x128xf32, #tpu.memory_space<vmem_shared>>) target(%dma_start3A_17 : memref<632x128xf32, #tpu.memory_space<hbm>>) target_semaphore(%run_scoped3A : memref<!tpu.dma_semaphore, #tpu.memory_space<semaphore_mem>>)
      %dma_wait3A = arith.constant 0 : i32
      %dma_wait3A_20 = tpu.memref_slice %arg7[%arg0, %mul3A_2, %dma_wait3A] : memref<2x10112x128xf32, #tpu.memory_space<hbm>> -> memref<1x632x128xf32, #tpu.memory_space<hbm>>
      %dma_wait3A_21 = tpu.memref_squeeze %dma_wait3A_20 : memref<1x632x128xf32, #tpu.memory_space<hbm>> -> memref<632x128xf32, #tpu.memory_space<hbm>>
      %dma_wait3A_22 = arith.constant 0 : i32
      %dma_wait3A_23 = tpu.memref_slice %arg11[%mul3A_2, %dma_wait3A_22] : memref<10112x128xf32, #tpu.memory_space<vmem_shared>> -> memref<632x128xf32, #tpu.memory_space<vmem_shared>>
      tpu.wait_dma2 semaphore(%run_scoped3A : memref<!tpu.dma_semaphore, #tpu.memory_space<semaphore_mem>>) src(%dma_wait3A_23 : memref<632x128xf32, #tpu.memory_space<vmem_shared>>) dst(%dma_wait3A_21 : memref<632x128xf32, #tpu.memory_space<hbm>>)
      tpu.yield
    }) : () -> ()
    return
  }
}

#map = affine_map<(d0, d1) -> (0, 0)>
#map1 = affine_map<(d0, d1) -> (0)>
#map2 = affine_map<(d0, d1) -> (0, 0, 0)>
module attributes {stable_mosaic.version = 14 : i64} {
  func.func @agg_kernel(%arg0: i32, %arg1: i32, %arg2: memref<2560x128xi32, #tpu.memory_space<hbm>>, %arg3: memref<2560x128xi32, #tpu.memory_space<hbm>>, %arg4: memref<10112x128xf32, #tpu.memory_space<hbm>>, %arg5: memref<10112xf32, #tpu.memory_space<hbm>>, %arg6: memref<128x128xf32, #tpu.memory_space<hbm>>, %arg7: memref<2x10112x128xf32, #tpu.memory_space<hbm>>, %arg8: memref<20224xf32, #tpu.memory_space<hbm>>, %arg9: memref<40x128xi32, #tpu.memory_space<vmem>>, %arg10: memref<40x128xi32, #tpu.memory_space<vmem>>, %arg11: memref<256x128xf32, #tpu.memory_space<vmem>>, %arg12: memref<10112x128xf32, #tpu.memory_space<vmem_shared>>, %arg13: memref<!tpu.dma_semaphore, #tpu.memory_space<semaphore_mem>>, %arg14: memref<!tpu.dma_semaphore, #tpu.memory_space<semaphore_mem>>, %arg15: memref<640xf32, #tpu.memory_space<vmem>>, %arg16: memref<256xf32, #tpu.memory_space<vmem>>, %arg17: memref<10112xf32, #tpu.memory_space<vmem_shared>>) attributes {dimension_semantics = [#tpu.dimension_semantics<core_parallel>, #tpu.dimension_semantics<subcore_parallel>], iteration_bounds = array<i64: 2, 16>, scalar_prefetch = 0 : i64, scratch_operands = 9 : i64, tpu.core_type = #tpu.core_type<sc_vector_subcore>, window_params = [{transform_indices = #map}, {transform_indices = #map}, {transform_indices = #map}, {transform_indices = #map1}, {transform_indices = #map}, {transform_indices = #map2}, {transform_indices = #map1}]} {
    %mul3A = arith.constant 2 : i32
    %mul3A_0 = arith.muli %arg1, %mul3A : i32
    %add3A = arith.addi %mul3A_0, %arg0 : i32
    %mul3A_1 = arith.constant 632 : i32
    %mul3A_2 = arith.muli %arg1, %mul3A_1 : i32
    %eq3A = arith.constant 0 : i32
    %eq3A_3 = arith.cmpi eq, %arg0, %eq3A : i32
    %convert_element_type3A = arith.extui %eq3A_3 : i1 to i32
    %cond3A = arith.constant 0 : i32
    %cond3A_4 = arith.cmpi ne, %convert_element_type3A, %cond3A : i32
    scf.if %cond3A_4 {
      "tpu.region"() ({
        %run_scoped3A = tpu.sem_alloc : memref<!tpu.dma_semaphore, #tpu.memory_space<semaphore_mem>>
        %dma_start3A = arith.constant 0 : i32
        %dma_start3A_263 = tpu.memref_slice %arg12[%mul3A_2, %dma_start3A] : memref<10112x128xf32, #tpu.memory_space<vmem_shared>> -> memref<632x128xf32, #tpu.memory_space<vmem_shared>>
        %dma_start3A_264 = arith.constant 0 : i32
        %dma_start3A_265 = tpu.memref_slice %arg4[%mul3A_2, %dma_start3A_264] : memref<10112x128xf32, #tpu.memory_space<hbm>> -> memref<632x128xf32, #tpu.memory_space<hbm>>
        tpu.enqueue_dma source(%dma_start3A_265 : memref<632x128xf32, #tpu.memory_space<hbm>>) target(%dma_start3A_263 : memref<632x128xf32, #tpu.memory_space<vmem_shared>>) target_semaphore(%run_scoped3A : memref<!tpu.dma_semaphore, #tpu.memory_space<semaphore_mem>>)
        %dma_wait3A = arith.constant 0 : i32
        %dma_wait3A_266 = tpu.memref_slice %arg12[%mul3A_2, %dma_wait3A] : memref<10112x128xf32, #tpu.memory_space<vmem_shared>> -> memref<632x128xf32, #tpu.memory_space<vmem_shared>>
        %dma_wait3A_267 = arith.constant 0 : i32
        %dma_wait3A_268 = tpu.memref_slice %arg4[%mul3A_2, %dma_wait3A_267] : memref<10112x128xf32, #tpu.memory_space<hbm>> -> memref<632x128xf32, #tpu.memory_space<hbm>>
        tpu.wait_dma2 semaphore(%run_scoped3A : memref<!tpu.dma_semaphore, #tpu.memory_space<semaphore_mem>>) src(%dma_wait3A_268 : memref<632x128xf32, #tpu.memory_space<hbm>>) dst(%dma_wait3A_266 : memref<632x128xf32, #tpu.memory_space<vmem_shared>>)
        tpu.yield
      }) : () -> ()
    } else {
    }
    %eq3A_5 = arith.constant 1 : i32
    %eq3A_6 = arith.cmpi eq, %arg0, %eq3A_5 : i32
    %convert_element_type3A_7 = arith.extui %eq3A_6 : i1 to i32
    %cond3A_8 = arith.constant 0 : i32
    %cond3A_9 = arith.cmpi ne, %convert_element_type3A_7, %cond3A_8 : i32
    scf.if %cond3A_9 {
      %add3A_263 = arith.constant 0 : i32
      %add3A_264 = arith.addi %mul3A_2, %add3A_263 : i32
      "tpu.region"() ({
        %run_scoped3A = tpu.sem_alloc : memref<!tpu.dma_semaphore, #tpu.memory_space<semaphore_mem>>
        %dma_start3A = arith.constant 0 : i32
        %dma_start3A_273 = tpu.memref_slice %arg12[%add3A_264, %dma_start3A] : memref<10112x128xf32, #tpu.memory_space<vmem_shared>> -> memref<128x128xf32, #tpu.memory_space<vmem_shared>>
        %dma_start3A_274 = arith.constant 0 : i32
        %dma_start3A_275 = arith.constant 0 : i32
        %dma_start3A_276 = tpu.memref_slice %arg6[%dma_start3A_274, %dma_start3A_275] : memref<128x128xf32, #tpu.memory_space<hbm>> -> memref<128x128xf32, #tpu.memory_space<hbm>>
        tpu.enqueue_dma source(%dma_start3A_276 : memref<128x128xf32, #tpu.memory_space<hbm>>) target(%dma_start3A_273 : memref<128x128xf32, #tpu.memory_space<vmem_shared>>) target_semaphore(%run_scoped3A : memref<!tpu.dma_semaphore, #tpu.memory_space<semaphore_mem>>)
        %dma_wait3A = arith.constant 0 : i32
        %dma_wait3A_277 = tpu.memref_slice %arg12[%add3A_264, %dma_wait3A] : memref<10112x128xf32, #tpu.memory_space<vmem_shared>> -> memref<128x128xf32, #tpu.memory_space<vmem_shared>>
        %dma_wait3A_278 = arith.constant 0 : i32
        %dma_wait3A_279 = arith.constant 0 : i32
        %dma_wait3A_280 = tpu.memref_slice %arg6[%dma_wait3A_278, %dma_wait3A_279] : memref<128x128xf32, #tpu.memory_space<hbm>> -> memref<128x128xf32, #tpu.memory_space<hbm>>
        tpu.wait_dma2 semaphore(%run_scoped3A : memref<!tpu.dma_semaphore, #tpu.memory_space<semaphore_mem>>) src(%dma_wait3A_280 : memref<128x128xf32, #tpu.memory_space<hbm>>) dst(%dma_wait3A_277 : memref<128x128xf32, #tpu.memory_space<vmem_shared>>)
        tpu.yield
      }) : () -> ()
      %add3A_265 = arith.constant 128 : i32
      %add3A_266 = arith.addi %mul3A_2, %add3A_265 : i32
      "tpu.region"() ({
        %run_scoped3A = tpu.sem_alloc : memref<!tpu.dma_semaphore, #tpu.memory_space<semaphore_mem>>
        %dma_start3A = arith.constant 0 : i32
        %dma_start3A_273 = tpu.memref_slice %arg12[%add3A_266, %dma_start3A] : memref<10112x128xf32, #tpu.memory_space<vmem_shared>> -> memref<128x128xf32, #tpu.memory_space<vmem_shared>>
        %dma_start3A_274 = arith.constant 0 : i32
        %dma_start3A_275 = arith.constant 0 : i32
        %dma_start3A_276 = tpu.memref_slice %arg6[%dma_start3A_274, %dma_start3A_275] : memref<128x128xf32, #tpu.memory_space<hbm>> -> memref<128x128xf32, #tpu.memory_space<hbm>>
        tpu.enqueue_dma source(%dma_start3A_276 : memref<128x128xf32, #tpu.memory_space<hbm>>) target(%dma_start3A_273 : memref<128x128xf32, #tpu.memory_space<vmem_shared>>) target_semaphore(%run_scoped3A : memref<!tpu.dma_semaphore, #tpu.memory_space<semaphore_mem>>)
        %dma_wait3A = arith.constant 0 : i32
        %dma_wait3A_277 = tpu.memref_slice %arg12[%add3A_266, %dma_wait3A] : memref<10112x128xf32, #tpu.memory_space<vmem_shared>> -> memref<128x128xf32, #tpu.memory_space<vmem_shared>>
        %dma_wait3A_278 = arith.constant 0 : i32
        %dma_wait3A_279 = arith.constant 0 : i32
        %dma_wait3A_280 = tpu.memref_slice %arg6[%dma_wait3A_278, %dma_wait3A_279] : memref<128x128xf32, #tpu.memory_space<hbm>> -> memref<128x128xf32, #tpu.memory_space<hbm>>
        tpu.wait_dma2 semaphore(%run_scoped3A : memref<!tpu.dma_semaphore, #tpu.memory_space<semaphore_mem>>) src(%dma_wait3A_280 : memref<128x128xf32, #tpu.memory_space<hbm>>) dst(%dma_wait3A_277 : memref<128x128xf32, #tpu.memory_space<vmem_shared>>)
        tpu.yield
      }) : () -> ()
      %add3A_267 = arith.constant 256 : i32
      %add3A_268 = arith.addi %mul3A_2, %add3A_267 : i32
      "tpu.region"() ({
        %run_scoped3A = tpu.sem_alloc : memref<!tpu.dma_semaphore, #tpu.memory_space<semaphore_mem>>
        %dma_start3A = arith.constant 0 : i32
        %dma_start3A_273 = tpu.memref_slice %arg12[%add3A_268, %dma_start3A] : memref<10112x128xf32, #tpu.memory_space<vmem_shared>> -> memref<128x128xf32, #tpu.memory_space<vmem_shared>>
        %dma_start3A_274 = arith.constant 0 : i32
        %dma_start3A_275 = arith.constant 0 : i32
        %dma_start3A_276 = tpu.memref_slice %arg6[%dma_start3A_274, %dma_start3A_275] : memref<128x128xf32, #tpu.memory_space<hbm>> -> memref<128x128xf32, #tpu.memory_space<hbm>>
        tpu.enqueue_dma source(%dma_start3A_276 : memref<128x128xf32, #tpu.memory_space<hbm>>) target(%dma_start3A_273 : memref<128x128xf32, #tpu.memory_space<vmem_shared>>) target_semaphore(%run_scoped3A : memref<!tpu.dma_semaphore, #tpu.memory_space<semaphore_mem>>)
        %dma_wait3A = arith.constant 0 : i32
        %dma_wait3A_277 = tpu.memref_slice %arg12[%add3A_268, %dma_wait3A] : memref<10112x128xf32, #tpu.memory_space<vmem_shared>> -> memref<128x128xf32, #tpu.memory_space<vmem_shared>>
        %dma_wait3A_278 = arith.constant 0 : i32
        %dma_wait3A_279 = arith.constant 0 : i32
        %dma_wait3A_280 = tpu.memref_slice %arg6[%dma_wait3A_278, %dma_wait3A_279] : memref<128x128xf32, #tpu.memory_space<hbm>> -> memref<128x128xf32, #tpu.memory_space<hbm>>
        tpu.wait_dma2 semaphore(%run_scoped3A : memref<!tpu.dma_semaphore, #tpu.memory_space<semaphore_mem>>) src(%dma_wait3A_280 : memref<128x128xf32, #tpu.memory_space<hbm>>) dst(%dma_wait3A_277 : memref<128x128xf32, #tpu.memory_space<vmem_shared>>)
        tpu.yield
      }) : () -> ()
      %add3A_269 = arith.constant 384 : i32
      %add3A_270 = arith.addi %mul3A_2, %add3A_269 : i32
      "tpu.region"() ({
        %run_scoped3A = tpu.sem_alloc : memref<!tpu.dma_semaphore, #tpu.memory_space<semaphore_mem>>
        %dma_start3A = arith.constant 0 : i32
        %dma_start3A_273 = tpu.memref_slice %arg12[%add3A_270, %dma_start3A] : memref<10112x128xf32, #tpu.memory_space<vmem_shared>> -> memref<128x128xf32, #tpu.memory_space<vmem_shared>>
        %dma_start3A_274 = arith.constant 0 : i32
        %dma_start3A_275 = arith.constant 0 : i32
        %dma_start3A_276 = tpu.memref_slice %arg6[%dma_start3A_274, %dma_start3A_275] : memref<128x128xf32, #tpu.memory_space<hbm>> -> memref<128x128xf32, #tpu.memory_space<hbm>>
        tpu.enqueue_dma source(%dma_start3A_276 : memref<128x128xf32, #tpu.memory_space<hbm>>) target(%dma_start3A_273 : memref<128x128xf32, #tpu.memory_space<vmem_shared>>) target_semaphore(%run_scoped3A : memref<!tpu.dma_semaphore, #tpu.memory_space<semaphore_mem>>)
        %dma_wait3A = arith.constant 0 : i32
        %dma_wait3A_277 = tpu.memref_slice %arg12[%add3A_270, %dma_wait3A] : memref<10112x128xf32, #tpu.memory_space<vmem_shared>> -> memref<128x128xf32, #tpu.memory_space<vmem_shared>>
        %dma_wait3A_278 = arith.constant 0 : i32
        %dma_wait3A_279 = arith.constant 0 : i32
        %dma_wait3A_280 = tpu.memref_slice %arg6[%dma_wait3A_278, %dma_wait3A_279] : memref<128x128xf32, #tpu.memory_space<hbm>> -> memref<128x128xf32, #tpu.memory_space<hbm>>
        tpu.wait_dma2 semaphore(%run_scoped3A : memref<!tpu.dma_semaphore, #tpu.memory_space<semaphore_mem>>) src(%dma_wait3A_280 : memref<128x128xf32, #tpu.memory_space<hbm>>) dst(%dma_wait3A_277 : memref<128x128xf32, #tpu.memory_space<vmem_shared>>)
        tpu.yield
      }) : () -> ()
      %add3A_271 = arith.constant 512 : i32
      %add3A_272 = arith.addi %mul3A_2, %add3A_271 : i32
      "tpu.region"() ({
        %run_scoped3A = tpu.sem_alloc : memref<!tpu.dma_semaphore, #tpu.memory_space<semaphore_mem>>
        %dma_start3A = arith.constant 0 : i32
        %dma_start3A_273 = tpu.memref_slice %arg12[%add3A_272, %dma_start3A] : memref<10112x128xf32, #tpu.memory_space<vmem_shared>> -> memref<120x128xf32, #tpu.memory_space<vmem_shared>>
        %dma_start3A_274 = arith.constant 0 : i32
        %dma_start3A_275 = arith.constant 0 : i32
        %dma_start3A_276 = tpu.memref_slice %arg6[%dma_start3A_274, %dma_start3A_275] : memref<128x128xf32, #tpu.memory_space<hbm>> -> memref<120x128xf32, #tpu.memory_space<hbm>>
        tpu.enqueue_dma source(%dma_start3A_276 : memref<120x128xf32, #tpu.memory_space<hbm>>) target(%dma_start3A_273 : memref<120x128xf32, #tpu.memory_space<vmem_shared>>) target_semaphore(%run_scoped3A : memref<!tpu.dma_semaphore, #tpu.memory_space<semaphore_mem>>)
        %dma_wait3A = arith.constant 0 : i32
        %dma_wait3A_277 = tpu.memref_slice %arg12[%add3A_272, %dma_wait3A] : memref<10112x128xf32, #tpu.memory_space<vmem_shared>> -> memref<120x128xf32, #tpu.memory_space<vmem_shared>>
        %dma_wait3A_278 = arith.constant 0 : i32
        %dma_wait3A_279 = arith.constant 0 : i32
        %dma_wait3A_280 = tpu.memref_slice %arg6[%dma_wait3A_278, %dma_wait3A_279] : memref<128x128xf32, #tpu.memory_space<hbm>> -> memref<120x128xf32, #tpu.memory_space<hbm>>
        tpu.wait_dma2 semaphore(%run_scoped3A : memref<!tpu.dma_semaphore, #tpu.memory_space<semaphore_mem>>) src(%dma_wait3A_280 : memref<120x128xf32, #tpu.memory_space<hbm>>) dst(%dma_wait3A_277 : memref<120x128xf32, #tpu.memory_space<vmem_shared>>)
        tpu.yield
      }) : () -> ()
    } else {
    }
    %broadcast_in_dim3A = arith.constant 0.000000e+00 : f32
    %broadcast_in_dim3A_10 = vector.broadcast %broadcast_in_dim3A : f32 to vector<16xf32>
    %swap3A = arith.constant 0 : index
    %swap3A_11 = tpu.vector_load %arg15[%swap3A] {strides = array<i32>} : memref<640xf32, #tpu.memory_space<vmem>>, vector<16xf32>,
    %swap3A_12 = vector.shape_cast %swap3A_11 : vector<16xf32> to vector<16xf32>
    %swap3A_13 = vector.shape_cast %broadcast_in_dim3A_10 : vector<16xf32> to vector<16xf32>
    tpu.vector_store %arg15[%swap3A], %swap3A_13 {strides = array<i32>} : memref<640xf32, #tpu.memory_space<vmem>>, vector<16xf32>,
    %broadcast_in_dim3A_14 = arith.constant 0.000000e+00 : f32
    %broadcast_in_dim3A_15 = vector.broadcast %broadcast_in_dim3A_14 : f32 to vector<16xf32>
    %swap3A_16 = arith.constant 16 : index
    %swap3A_17 = tpu.vector_load %arg15[%swap3A_16] {strides = array<i32>} : memref<640xf32, #tpu.memory_space<vmem>>, vector<16xf32>,
    %swap3A_18 = vector.shape_cast %swap3A_17 : vector<16xf32> to vector<16xf32>
    %swap3A_19 = vector.shape_cast %broadcast_in_dim3A_15 : vector<16xf32> to vector<16xf32>
    tpu.vector_store %arg15[%swap3A_16], %swap3A_19 {strides = array<i32>} : memref<640xf32, #tpu.memory_space<vmem>>, vector<16xf32>,
    %broadcast_in_dim3A_20 = arith.constant 0.000000e+00 : f32
    %broadcast_in_dim3A_21 = vector.broadcast %broadcast_in_dim3A_20 : f32 to vector<16xf32>
    %swap3A_22 = arith.constant 32 : index
    %swap3A_23 = tpu.vector_load %arg15[%swap3A_22] {strides = array<i32>} : memref<640xf32, #tpu.memory_space<vmem>>, vector<16xf32>,
    %swap3A_24 = vector.shape_cast %swap3A_23 : vector<16xf32> to vector<16xf32>
    %swap3A_25 = vector.shape_cast %broadcast_in_dim3A_21 : vector<16xf32> to vector<16xf32>
    tpu.vector_store %arg15[%swap3A_22], %swap3A_25 {strides = array<i32>} : memref<640xf32, #tpu.memory_space<vmem>>, vector<16xf32>,
    %broadcast_in_dim3A_26 = arith.constant 0.000000e+00 : f32
    %broadcast_in_dim3A_27 = vector.broadcast %broadcast_in_dim3A_26 : f32 to vector<16xf32>
    %swap3A_28 = arith.constant 48 : index
    %swap3A_29 = tpu.vector_load %arg15[%swap3A_28] {strides = array<i32>} : memref<640xf32, #tpu.memory_space<vmem>>, vector<16xf32>,
    %swap3A_30 = vector.shape_cast %swap3A_29 : vector<16xf32> to vector<16xf32>
    %swap3A_31 = vector.shape_cast %broadcast_in_dim3A_27 : vector<16xf32> to vector<16xf32>
    tpu.vector_store %arg15[%swap3A_28], %swap3A_31 {strides = array<i32>} : memref<640xf32, #tpu.memory_space<vmem>>, vector<16xf32>,
    %broadcast_in_dim3A_32 = arith.constant 0.000000e+00 : f32
    %broadcast_in_dim3A_33 = vector.broadcast %broadcast_in_dim3A_32 : f32 to vector<16xf32>
    %swap3A_34 = arith.constant 64 : index
    %swap3A_35 = tpu.vector_load %arg15[%swap3A_34] {strides = array<i32>} : memref<640xf32, #tpu.memory_space<vmem>>, vector<16xf32>,
    %swap3A_36 = vector.shape_cast %swap3A_35 : vector<16xf32> to vector<16xf32>
    %swap3A_37 = vector.shape_cast %broadcast_in_dim3A_33 : vector<16xf32> to vector<16xf32>
    tpu.vector_store %arg15[%swap3A_34], %swap3A_37 {strides = array<i32>} : memref<640xf32, #tpu.memory_space<vmem>>, vector<16xf32>,
    %broadcast_in_dim3A_38 = arith.constant 0.000000e+00 : f32
    %broadcast_in_dim3A_39 = vector.broadcast %broadcast_in_dim3A_38 : f32 to vector<16xf32>
    %swap3A_40 = arith.constant 80 : index
    %swap3A_41 = tpu.vector_load %arg15[%swap3A_40] {strides = array<i32>} : memref<640xf32, #tpu.memory_space<vmem>>, vector<16xf32>,
    %swap3A_42 = vector.shape_cast %swap3A_41 : vector<16xf32> to vector<16xf32>
    %swap3A_43 = vector.shape_cast %broadcast_in_dim3A_39 : vector<16xf32> to vector<16xf32>
    tpu.vector_store %arg15[%swap3A_40], %swap3A_43 {strides = array<i32>} : memref<640xf32, #tpu.memory_space<vmem>>, vector<16xf32>,
    %broadcast_in_dim3A_44 = arith.constant 0.000000e+00 : f32
    %broadcast_in_dim3A_45 = vector.broadcast %broadcast_in_dim3A_44 : f32 to vector<16xf32>
    %swap3A_46 = arith.constant 96 : index
    %swap3A_47 = tpu.vector_load %arg15[%swap3A_46] {strides = array<i32>} : memref<640xf32, #tpu.memory_space<vmem>>, vector<16xf32>,
    %swap3A_48 = vector.shape_cast %swap3A_47 : vector<16xf32> to vector<16xf32>
    %swap3A_49 = vector.shape_cast %broadcast_in_dim3A_45 : vector<16xf32> to vector<16xf32>
    tpu.vector_store %arg15[%swap3A_46], %swap3A_49 {strides = array<i32>} : memref<640xf32, #tpu.memory_space<vmem>>, vector<16xf32>,
    %broadcast_in_dim3A_50 = arith.constant 0.000000e+00 : f32
    %broadcast_in_dim3A_51 = vector.broadcast %broadcast_in_dim3A_50 : f32 to vector<16xf32>
    %swap3A_52 = arith.constant 112 : index
    %swap3A_53 = tpu.vector_load %arg15[%swap3A_52] {strides = array<i32>} : memref<640xf32, #tpu.memory_space<vmem>>, vector<16xf32>,
    %swap3A_54 = vector.shape_cast %swap3A_53 : vector<16xf32> to vector<16xf32>
    %swap3A_55 = vector.shape_cast %broadcast_in_dim3A_51 : vector<16xf32> to vector<16xf32>
    tpu.vector_store %arg15[%swap3A_52], %swap3A_55 {strides = array<i32>} : memref<640xf32, #tpu.memory_space<vmem>>, vector<16xf32>,
    %broadcast_in_dim3A_56 = arith.constant 0.000000e+00 : f32
    %broadcast_in_dim3A_57 = vector.broadcast %broadcast_in_dim3A_56 : f32 to vector<16xf32>
    %swap3A_58 = arith.constant 128 : index
    %swap3A_59 = tpu.vector_load %arg15[%swap3A_58] {strides = array<i32>} : memref<640xf32, #tpu.memory_space<vmem>>, vector<16xf32>,
    %swap3A_60 = vector.shape_cast %swap3A_59 : vector<16xf32> to vector<16xf32>
    %swap3A_61 = vector.shape_cast %broadcast_in_dim3A_57 : vector<16xf32> to vector<16xf32>
    tpu.vector_store %arg15[%swap3A_58], %swap3A_61 {strides = array<i32>} : memref<640xf32, #tpu.memory_space<vmem>>, vector<16xf32>,
    %broadcast_in_dim3A_62 = arith.constant 0.000000e+00 : f32
    %broadcast_in_dim3A_63 = vector.broadcast %broadcast_in_dim3A_62 : f32 to vector<16xf32>
    %swap3A_64 = arith.constant 144 : index
    %swap3A_65 = tpu.vector_load %arg15[%swap3A_64] {strides = array<i32>} : memref<640xf32, #tpu.memory_space<vmem>>, vector<16xf32>,
    %swap3A_66 = vector.shape_cast %swap3A_65 : vector<16xf32> to vector<16xf32>
    %swap3A_67 = vector.shape_cast %broadcast_in_dim3A_63 : vector<16xf32> to vector<16xf32>
    tpu.vector_store %arg15[%swap3A_64], %swap3A_67 {strides = array<i32>} : memref<640xf32, #tpu.memory_space<vmem>>, vector<16xf32>,
    %broadcast_in_dim3A_68 = arith.constant 0.000000e+00 : f32
    %broadcast_in_dim3A_69 = vector.broadcast %broadcast_in_dim3A_68 : f32 to vector<16xf32>
    %swap3A_70 = arith.constant 160 : index
    %swap3A_71 = tpu.vector_load %arg15[%swap3A_70] {strides = array<i32>} : memref<640xf32, #tpu.memory_space<vmem>>, vector<16xf32>,
    %swap3A_72 = vector.shape_cast %swap3A_71 : vector<16xf32> to vector<16xf32>
    %swap3A_73 = vector.shape_cast %broadcast_in_dim3A_69 : vector<16xf32> to vector<16xf32>
    tpu.vector_store %arg15[%swap3A_70], %swap3A_73 {strides = array<i32>} : memref<640xf32, #tpu.memory_space<vmem>>, vector<16xf32>,
    %broadcast_in_dim3A_74 = arith.constant 0.000000e+00 : f32
    %broadcast_in_dim3A_75 = vector.broadcast %broadcast_in_dim3A_74 : f32 to vector<16xf32>
    %swap3A_76 = arith.constant 176 : index
    %swap3A_77 = tpu.vector_load %arg15[%swap3A_76] {strides = array<i32>} : memref<640xf32, #tpu.memory_space<vmem>>, vector<16xf32>,
    %swap3A_78 = vector.shape_cast %swap3A_77 : vector<16xf32> to vector<16xf32>
    %swap3A_79 = vector.shape_cast %broadcast_in_dim3A_75 : vector<16xf32> to vector<16xf32>
    tpu.vector_store %arg15[%swap3A_76], %swap3A_79 {strides = array<i32>} : memref<640xf32, #tpu.memory_space<vmem>>, vector<16xf32>,
    %broadcast_in_dim3A_80 = arith.constant 0.000000e+00 : f32
    %broadcast_in_dim3A_81 = vector.broadcast %broadcast_in_dim3A_80 : f32 to vector<16xf32>
    %swap3A_82 = arith.constant 192 : index
    %swap3A_83 = tpu.vector_load %arg15[%swap3A_82] {strides = array<i32>} : memref<640xf32, #tpu.memory_space<vmem>>, vector<16xf32>,
    %swap3A_84 = vector.shape_cast %swap3A_83 : vector<16xf32> to vector<16xf32>
    %swap3A_85 = vector.shape_cast %broadcast_in_dim3A_81 : vector<16xf32> to vector<16xf32>
    tpu.vector_store %arg15[%swap3A_82], %swap3A_85 {strides = array<i32>} : memref<640xf32, #tpu.memory_space<vmem>>, vector<16xf32>,
    %broadcast_in_dim3A_86 = arith.constant 0.000000e+00 : f32
    %broadcast_in_dim3A_87 = vector.broadcast %broadcast_in_dim3A_86 : f32 to vector<16xf32>
    %swap3A_88 = arith.constant 208 : index
    %swap3A_89 = tpu.vector_load %arg15[%swap3A_88] {strides = array<i32>} : memref<640xf32, #tpu.memory_space<vmem>>, vector<16xf32>,
    %swap3A_90 = vector.shape_cast %swap3A_89 : vector<16xf32> to vector<16xf32>
    %swap3A_91 = vector.shape_cast %broadcast_in_dim3A_87 : vector<16xf32> to vector<16xf32>
    tpu.vector_store %arg15[%swap3A_88], %swap3A_91 {strides = array<i32>} : memref<640xf32, #tpu.memory_space<vmem>>, vector<16xf32>,
    %broadcast_in_dim3A_92 = arith.constant 0.000000e+00 : f32
    %broadcast_in_dim3A_93 = vector.broadcast %broadcast_in_dim3A_92 : f32 to vector<16xf32>
    %swap3A_94 = arith.constant 224 : index
    %swap3A_95 = tpu.vector_load %arg15[%swap3A_94] {strides = array<i32>} : memref<640xf32, #tpu.memory_space<vmem>>, vector<16xf32>,
    %swap3A_96 = vector.shape_cast %swap3A_95 : vector<16xf32> to vector<16xf32>
    %swap3A_97 = vector.shape_cast %broadcast_in_dim3A_93 : vector<16xf32> to vector<16xf32>
    tpu.vector_store %arg15[%swap3A_94], %swap3A_97 {strides = array<i32>} : memref<640xf32, #tpu.memory_space<vmem>>, vector<16xf32>,
    %broadcast_in_dim3A_98 = arith.constant 0.000000e+00 : f32
    %broadcast_in_dim3A_99 = vector.broadcast %broadcast_in_dim3A_98 : f32 to vector<16xf32>
    %swap3A_100 = arith.constant 240 : index
    %swap3A_101 = tpu.vector_load %arg15[%swap3A_100] {strides = array<i32>} : memref<640xf32, #tpu.memory_space<vmem>>, vector<16xf32>,
    %swap3A_102 = vector.shape_cast %swap3A_101 : vector<16xf32> to vector<16xf32>
    %swap3A_103 = vector.shape_cast %broadcast_in_dim3A_99 : vector<16xf32> to vector<16xf32>
    tpu.vector_store %arg15[%swap3A_100], %swap3A_103 {strides = array<i32>} : memref<640xf32, #tpu.memory_space<vmem>>, vector<16xf32>,
    %broadcast_in_dim3A_104 = arith.constant 0.000000e+00 : f32
    %broadcast_in_dim3A_105 = vector.broadcast %broadcast_in_dim3A_104 : f32 to vector<16xf32>
    %swap3A_106 = arith.constant 256 : index
    %swap3A_107 = tpu.vector_load %arg15[%swap3A_106] {strides = array<i32>} : memref<640xf32, #tpu.memory_space<vmem>>, vector<16xf32>,
    %swap3A_108 = vector.shape_cast %swap3A_107 : vector<16xf32> to vector<16xf32>
    %swap3A_109 = vector.shape_cast %broadcast_in_dim3A_105 : vector<16xf32> to vector<16xf32>
    tpu.vector_store %arg15[%swap3A_106], %swap3A_109 {strides = array<i32>} : memref<640xf32, #tpu.memory_space<vmem>>, vector<16xf32>,
    %broadcast_in_dim3A_110 = arith.constant 0.000000e+00 : f32
    %broadcast_in_dim3A_111 = vector.broadcast %broadcast_in_dim3A_110 : f32 to vector<16xf32>
    %swap3A_112 = arith.constant 272 : index
    %swap3A_113 = tpu.vector_load %arg15[%swap3A_112] {strides = array<i32>} : memref<640xf32, #tpu.memory_space<vmem>>, vector<16xf32>,
    %swap3A_114 = vector.shape_cast %swap3A_113 : vector<16xf32> to vector<16xf32>
    %swap3A_115 = vector.shape_cast %broadcast_in_dim3A_111 : vector<16xf32> to vector<16xf32>
    tpu.vector_store %arg15[%swap3A_112], %swap3A_115 {strides = array<i32>} : memref<640xf32, #tpu.memory_space<vmem>>, vector<16xf32>,
    %broadcast_in_dim3A_116 = arith.constant 0.000000e+00 : f32
    %broadcast_in_dim3A_117 = vector.broadcast %broadcast_in_dim3A_116 : f32 to vector<16xf32>
    %swap3A_118 = arith.constant 288 : index
    %swap3A_119 = tpu.vector_load %arg15[%swap3A_118] {strides = array<i32>} : memref<640xf32, #tpu.memory_space<vmem>>, vector<16xf32>,
    %swap3A_120 = vector.shape_cast %swap3A_119 : vector<16xf32> to vector<16xf32>
    %swap3A_121 = vector.shape_cast %broadcast_in_dim3A_117 : vector<16xf32> to vector<16xf32>
    tpu.vector_store %arg15[%swap3A_118], %swap3A_121 {strides = array<i32>} : memref<640xf32, #tpu.memory_space<vmem>>, vector<16xf32>,
    %broadcast_in_dim3A_122 = arith.constant 0.000000e+00 : f32
    %broadcast_in_dim3A_123 = vector.broadcast %broadcast_in_dim3A_122 : f32 to vector<16xf32>
    %swap3A_124 = arith.constant 304 : index
    %swap3A_125 = tpu.vector_load %arg15[%swap3A_124] {strides = array<i32>} : memref<640xf32, #tpu.memory_space<vmem>>, vector<16xf32>,
    %swap3A_126 = vector.shape_cast %swap3A_125 : vector<16xf32> to vector<16xf32>
    %swap3A_127 = vector.shape_cast %broadcast_in_dim3A_123 : vector<16xf32> to vector<16xf32>
    tpu.vector_store %arg15[%swap3A_124], %swap3A_127 {strides = array<i32>} : memref<640xf32, #tpu.memory_space<vmem>>, vector<16xf32>,
    %broadcast_in_dim3A_128 = arith.constant 0.000000e+00 : f32
    %broadcast_in_dim3A_129 = vector.broadcast %broadcast_in_dim3A_128 : f32 to vector<16xf32>
    %swap3A_130 = arith.constant 320 : index
    %swap3A_131 = tpu.vector_load %arg15[%swap3A_130] {strides = array<i32>} : memref<640xf32, #tpu.memory_space<vmem>>, vector<16xf32>,
    %swap3A_132 = vector.shape_cast %swap3A_131 : vector<16xf32> to vector<16xf32>
    %swap3A_133 = vector.shape_cast %broadcast_in_dim3A_129 : vector<16xf32> to vector<16xf32>
    tpu.vector_store %arg15[%swap3A_130], %swap3A_133 {strides = array<i32>} : memref<640xf32, #tpu.memory_space<vmem>>, vector<16xf32>,
    %broadcast_in_dim3A_134 = arith.constant 0.000000e+00 : f32
    %broadcast_in_dim3A_135 = vector.broadcast %broadcast_in_dim3A_134 : f32 to vector<16xf32>
    %swap3A_136 = arith.constant 336 : index
    %swap3A_137 = tpu.vector_load %arg15[%swap3A_136] {strides = array<i32>} : memref<640xf32, #tpu.memory_space<vmem>>, vector<16xf32>,
    %swap3A_138 = vector.shape_cast %swap3A_137 : vector<16xf32> to vector<16xf32>
    %swap3A_139 = vector.shape_cast %broadcast_in_dim3A_135 : vector<16xf32> to vector<16xf32>
    tpu.vector_store %arg15[%swap3A_136], %swap3A_139 {strides = array<i32>} : memref<640xf32, #tpu.memory_space<vmem>>, vector<16xf32>,
    %broadcast_in_dim3A_140 = arith.constant 0.000000e+00 : f32
    %broadcast_in_dim3A_141 = vector.broadcast %broadcast_in_dim3A_140 : f32 to vector<16xf32>
    %swap3A_142 = arith.constant 352 : index
    %swap3A_143 = tpu.vector_load %arg15[%swap3A_142] {strides = array<i32>} : memref<640xf32, #tpu.memory_space<vmem>>, vector<16xf32>,
    %swap3A_144 = vector.shape_cast %swap3A_143 : vector<16xf32> to vector<16xf32>
    %swap3A_145 = vector.shape_cast %broadcast_in_dim3A_141 : vector<16xf32> to vector<16xf32>
    tpu.vector_store %arg15[%swap3A_142], %swap3A_145 {strides = array<i32>} : memref<640xf32, #tpu.memory_space<vmem>>, vector<16xf32>,
    %broadcast_in_dim3A_146 = arith.constant 0.000000e+00 : f32
    %broadcast_in_dim3A_147 = vector.broadcast %broadcast_in_dim3A_146 : f32 to vector<16xf32>
    %swap3A_148 = arith.constant 368 : index
    %swap3A_149 = tpu.vector_load %arg15[%swap3A_148] {strides = array<i32>} : memref<640xf32, #tpu.memory_space<vmem>>, vector<16xf32>,
    %swap3A_150 = vector.shape_cast %swap3A_149 : vector<16xf32> to vector<16xf32>
    %swap3A_151 = vector.shape_cast %broadcast_in_dim3A_147 : vector<16xf32> to vector<16xf32>
    tpu.vector_store %arg15[%swap3A_148], %swap3A_151 {strides = array<i32>} : memref<640xf32, #tpu.memory_space<vmem>>, vector<16xf32>,
    %broadcast_in_dim3A_152 = arith.constant 0.000000e+00 : f32
    %broadcast_in_dim3A_153 = vector.broadcast %broadcast_in_dim3A_152 : f32 to vector<16xf32>
    %swap3A_154 = arith.constant 384 : index
    %swap3A_155 = tpu.vector_load %arg15[%swap3A_154] {strides = array<i32>} : memref<640xf32, #tpu.memory_space<vmem>>, vector<16xf32>,
    %swap3A_156 = vector.shape_cast %swap3A_155 : vector<16xf32> to vector<16xf32>
    %swap3A_157 = vector.shape_cast %broadcast_in_dim3A_153 : vector<16xf32> to vector<16xf32>
    tpu.vector_store %arg15[%swap3A_154], %swap3A_157 {strides = array<i32>} : memref<640xf32, #tpu.memory_space<vmem>>, vector<16xf32>,
    %broadcast_in_dim3A_158 = arith.constant 0.000000e+00 : f32
    %broadcast_in_dim3A_159 = vector.broadcast %broadcast_in_dim3A_158 : f32 to vector<16xf32>
    %swap3A_160 = arith.constant 400 : index
    %swap3A_161 = tpu.vector_load %arg15[%swap3A_160] {strides = array<i32>} : memref<640xf32, #tpu.memory_space<vmem>>, vector<16xf32>,
    %swap3A_162 = vector.shape_cast %swap3A_161 : vector<16xf32> to vector<16xf32>
    %swap3A_163 = vector.shape_cast %broadcast_in_dim3A_159 : vector<16xf32> to vector<16xf32>
    tpu.vector_store %arg15[%swap3A_160], %swap3A_163 {strides = array<i32>} : memref<640xf32, #tpu.memory_space<vmem>>, vector<16xf32>,
    %broadcast_in_dim3A_164 = arith.constant 0.000000e+00 : f32
    %broadcast_in_dim3A_165 = vector.broadcast %broadcast_in_dim3A_164 : f32 to vector<16xf32>
    %swap3A_166 = arith.constant 416 : index
    %swap3A_167 = tpu.vector_load %arg15[%swap3A_166] {strides = array<i32>} : memref<640xf32, #tpu.memory_space<vmem>>, vector<16xf32>,
    %swap3A_168 = vector.shape_cast %swap3A_167 : vector<16xf32> to vector<16xf32>
    %swap3A_169 = vector.shape_cast %broadcast_in_dim3A_165 : vector<16xf32> to vector<16xf32>
    tpu.vector_store %arg15[%swap3A_166], %swap3A_169 {strides = array<i32>} : memref<640xf32, #tpu.memory_space<vmem>>, vector<16xf32>,
    %broadcast_in_dim3A_170 = arith.constant 0.000000e+00 : f32
    %broadcast_in_dim3A_171 = vector.broadcast %broadcast_in_dim3A_170 : f32 to vector<16xf32>
    %swap3A_172 = arith.constant 432 : index
    %swap3A_173 = tpu.vector_load %arg15[%swap3A_172] {strides = array<i32>} : memref<640xf32, #tpu.memory_space<vmem>>, vector<16xf32>,
    %swap3A_174 = vector.shape_cast %swap3A_173 : vector<16xf32> to vector<16xf32>
    %swap3A_175 = vector.shape_cast %broadcast_in_dim3A_171 : vector<16xf32> to vector<16xf32>
    tpu.vector_store %arg15[%swap3A_172], %swap3A_175 {strides = array<i32>} : memref<640xf32, #tpu.memory_space<vmem>>, vector<16xf32>,
    %broadcast_in_dim3A_176 = arith.constant 0.000000e+00 : f32
    %broadcast_in_dim3A_177 = vector.broadcast %broadcast_in_dim3A_176 : f32 to vector<16xf32>
    %swap3A_178 = arith.constant 448 : index
    %swap3A_179 = tpu.vector_load %arg15[%swap3A_178] {strides = array<i32>} : memref<640xf32, #tpu.memory_space<vmem>>, vector<16xf32>,
    %swap3A_180 = vector.shape_cast %swap3A_179 : vector<16xf32> to vector<16xf32>
    %swap3A_181 = vector.shape_cast %broadcast_in_dim3A_177 : vector<16xf32> to vector<16xf32>
    tpu.vector_store %arg15[%swap3A_178], %swap3A_181 {strides = array<i32>} : memref<640xf32, #tpu.memory_space<vmem>>, vector<16xf32>,
    %broadcast_in_dim3A_182 = arith.constant 0.000000e+00 : f32
    %broadcast_in_dim3A_183 = vector.broadcast %broadcast_in_dim3A_182 : f32 to vector<16xf32>
    %swap3A_184 = arith.constant 464 : index
    %swap3A_185 = tpu.vector_load %arg15[%swap3A_184] {strides = array<i32>} : memref<640xf32, #tpu.memory_space<vmem>>, vector<16xf32>,
    %swap3A_186 = vector.shape_cast %swap3A_185 : vector<16xf32> to vector<16xf32>
    %swap3A_187 = vector.shape_cast %broadcast_in_dim3A_183 : vector<16xf32> to vector<16xf32>
    tpu.vector_store %arg15[%swap3A_184], %swap3A_187 {strides = array<i32>} : memref<640xf32, #tpu.memory_space<vmem>>, vector<16xf32>,
    %broadcast_in_dim3A_188 = arith.constant 0.000000e+00 : f32
    %broadcast_in_dim3A_189 = vector.broadcast %broadcast_in_dim3A_188 : f32 to vector<16xf32>
    %swap3A_190 = arith.constant 480 : index
    %swap3A_191 = tpu.vector_load %arg15[%swap3A_190] {strides = array<i32>} : memref<640xf32, #tpu.memory_space<vmem>>, vector<16xf32>,
    %swap3A_192 = vector.shape_cast %swap3A_191 : vector<16xf32> to vector<16xf32>
    %swap3A_193 = vector.shape_cast %broadcast_in_dim3A_189 : vector<16xf32> to vector<16xf32>
    tpu.vector_store %arg15[%swap3A_190], %swap3A_193 {strides = array<i32>} : memref<640xf32, #tpu.memory_space<vmem>>, vector<16xf32>,
    %broadcast_in_dim3A_194 = arith.constant 0.000000e+00 : f32
    %broadcast_in_dim3A_195 = vector.broadcast %broadcast_in_dim3A_194 : f32 to vector<16xf32>
    %swap3A_196 = arith.constant 496 : index
    %swap3A_197 = tpu.vector_load %arg15[%swap3A_196] {strides = array<i32>} : memref<640xf32, #tpu.memory_space<vmem>>, vector<16xf32>,
    %swap3A_198 = vector.shape_cast %swap3A_197 : vector<16xf32> to vector<16xf32>
    %swap3A_199 = vector.shape_cast %broadcast_in_dim3A_195 : vector<16xf32> to vector<16xf32>
    tpu.vector_store %arg15[%swap3A_196], %swap3A_199 {strides = array<i32>} : memref<640xf32, #tpu.memory_space<vmem>>, vector<16xf32>,
    %broadcast_in_dim3A_200 = arith.constant 0.000000e+00 : f32
    %broadcast_in_dim3A_201 = vector.broadcast %broadcast_in_dim3A_200 : f32 to vector<16xf32>
    %swap3A_202 = arith.constant 512 : index
    %swap3A_203 = tpu.vector_load %arg15[%swap3A_202] {strides = array<i32>} : memref<640xf32, #tpu.memory_space<vmem>>, vector<16xf32>,
    %swap3A_204 = vector.shape_cast %swap3A_203 : vector<16xf32> to vector<16xf32>
    %swap3A_205 = vector.shape_cast %broadcast_in_dim3A_201 : vector<16xf32> to vector<16xf32>
    tpu.vector_store %arg15[%swap3A_202], %swap3A_205 {strides = array<i32>} : memref<640xf32, #tpu.memory_space<vmem>>, vector<16xf32>,
    %broadcast_in_dim3A_206 = arith.constant 0.000000e+00 : f32
    %broadcast_in_dim3A_207 = vector.broadcast %broadcast_in_dim3A_206 : f32 to vector<16xf32>
    %swap3A_208 = arith.constant 528 : index
    %swap3A_209 = tpu.vector_load %arg15[%swap3A_208] {strides = array<i32>} : memref<640xf32, #tpu.memory_space<vmem>>, vector<16xf32>,
    %swap3A_210 = vector.shape_cast %swap3A_209 : vector<16xf32> to vector<16xf32>
    %swap3A_211 = vector.shape_cast %broadcast_in_dim3A_207 : vector<16xf32> to vector<16xf32>
    tpu.vector_store %arg15[%swap3A_208], %swap3A_211 {strides = array<i32>} : memref<640xf32, #tpu.memory_space<vmem>>, vector<16xf32>,
    %broadcast_in_dim3A_212 = arith.constant 0.000000e+00 : f32
    %broadcast_in_dim3A_213 = vector.broadcast %broadcast_in_dim3A_212 : f32 to vector<16xf32>
    %swap3A_214 = arith.constant 544 : index
    %swap3A_215 = tpu.vector_load %arg15[%swap3A_214] {strides = array<i32>} : memref<640xf32, #tpu.memory_space<vmem>>, vector<16xf32>,
    %swap3A_216 = vector.shape_cast %swap3A_215 : vector<16xf32> to vector<16xf32>
    %swap3A_217 = vector.shape_cast %broadcast_in_dim3A_213 : vector<16xf32> to vector<16xf32>
    tpu.vector_store %arg15[%swap3A_214], %swap3A_217 {strides = array<i32>} : memref<640xf32, #tpu.memory_space<vmem>>, vector<16xf32>,
    %broadcast_in_dim3A_218 = arith.constant 0.000000e+00 : f32
    %broadcast_in_dim3A_219 = vector.broadcast %broadcast_in_dim3A_218 : f32 to vector<16xf32>
    %swap3A_220 = arith.constant 560 : index
    %swap3A_221 = tpu.vector_load %arg15[%swap3A_220] {strides = array<i32>} : memref<640xf32, #tpu.memory_space<vmem>>, vector<16xf32>,
    %swap3A_222 = vector.shape_cast %swap3A_221 : vector<16xf32> to vector<16xf32>
    %swap3A_223 = vector.shape_cast %broadcast_in_dim3A_219 : vector<16xf32> to vector<16xf32>
    tpu.vector_store %arg15[%swap3A_220], %swap3A_223 {strides = array<i32>} : memref<640xf32, #tpu.memory_space<vmem>>, vector<16xf32>,
    %broadcast_in_dim3A_224 = arith.constant 0.000000e+00 : f32
    %broadcast_in_dim3A_225 = vector.broadcast %broadcast_in_dim3A_224 : f32 to vector<16xf32>
    %swap3A_226 = arith.constant 576 : index
    %swap3A_227 = tpu.vector_load %arg15[%swap3A_226] {strides = array<i32>} : memref<640xf32, #tpu.memory_space<vmem>>, vector<16xf32>,
    %swap3A_228 = vector.shape_cast %swap3A_227 : vector<16xf32> to vector<16xf32>
    %swap3A_229 = vector.shape_cast %broadcast_in_dim3A_225 : vector<16xf32> to vector<16xf32>
    tpu.vector_store %arg15[%swap3A_226], %swap3A_229 {strides = array<i32>} : memref<640xf32, #tpu.memory_space<vmem>>, vector<16xf32>,
    %broadcast_in_dim3A_230 = arith.constant 0.000000e+00 : f32
    %broadcast_in_dim3A_231 = vector.broadcast %broadcast_in_dim3A_230 : f32 to vector<16xf32>
    %swap3A_232 = arith.constant 592 : index
    %swap3A_233 = tpu.vector_load %arg15[%swap3A_232] {strides = array<i32>} : memref<640xf32, #tpu.memory_space<vmem>>, vector<16xf32>,
    %swap3A_234 = vector.shape_cast %swap3A_233 : vector<16xf32> to vector<16xf32>
    %swap3A_235 = vector.shape_cast %broadcast_in_dim3A_231 : vector<16xf32> to vector<16xf32>
    tpu.vector_store %arg15[%swap3A_232], %swap3A_235 {strides = array<i32>} : memref<640xf32, #tpu.memory_space<vmem>>, vector<16xf32>,
    %broadcast_in_dim3A_236 = arith.constant 0.000000e+00 : f32
    %broadcast_in_dim3A_237 = vector.broadcast %broadcast_in_dim3A_236 : f32 to vector<16xf32>
    %swap3A_238 = arith.constant 608 : index
    %swap3A_239 = tpu.vector_load %arg15[%swap3A_238] {strides = array<i32>} : memref<640xf32, #tpu.memory_space<vmem>>, vector<16xf32>,
    %swap3A_240 = vector.shape_cast %swap3A_239 : vector<16xf32> to vector<16xf32>
    %swap3A_241 = vector.shape_cast %broadcast_in_dim3A_237 : vector<16xf32> to vector<16xf32>
    tpu.vector_store %arg15[%swap3A_238], %swap3A_241 {strides = array<i32>} : memref<640xf32, #tpu.memory_space<vmem>>, vector<16xf32>,
    %broadcast_in_dim3A_242 = arith.constant 0.000000e+00 : f32
    %broadcast_in_dim3A_243 = vector.broadcast %broadcast_in_dim3A_242 : f32 to vector<16xf32>
    %swap3A_244 = arith.constant 624 : index
    %swap3A_245 = tpu.vector_load %arg15[%swap3A_244] {strides = array<i32>} : memref<640xf32, #tpu.memory_space<vmem>>, vector<16xf32>,
    %swap3A_246 = vector.shape_cast %swap3A_245 : vector<16xf32> to vector<16xf32>
    %swap3A_247 = vector.shape_cast %broadcast_in_dim3A_243 : vector<16xf32> to vector<16xf32>
    tpu.vector_store %arg15[%swap3A_244], %swap3A_247 {strides = array<i32>} : memref<640xf32, #tpu.memory_space<vmem>>, vector<16xf32>,
    %mul3A_248 = arith.constant 632 : i32
    %mul3A_249 = arith.muli %arg1, %mul3A_248 : i32
    "tpu.region"() ({
      %run_scoped3A = tpu.sem_alloc : memref<!tpu.dma_semaphore, #tpu.memory_space<semaphore_mem>>
      %dma_start3A = arith.constant 0 : i32
      %dma_start3A_263 = tpu.memref_slice %arg15[%dma_start3A] : memref<640xf32, #tpu.memory_space<vmem>> -> memref<632xf32, #tpu.memory_space<vmem>>
      %dma_start3A_264 = tpu.memref_slice %arg17[%mul3A_249] : memref<10112xf32, #tpu.memory_space<vmem_shared>> -> memref<632xf32, #tpu.memory_space<vmem_shared>>
      %dma_start3A_265 = tpu.memref_slice %arg17[%mul3A_249] : memref<10112xf32, #tpu.memory_space<vmem_shared>> -> memref<632xf32, #tpu.memory_space<vmem_shared>>
      %dma_start3A_266 = arith.constant 0 : i32
      %dma_start3A_267 = tpu.memref_slice %arg15[%dma_start3A_266] : memref<640xf32, #tpu.memory_space<vmem>> -> memref<632xf32, #tpu.memory_space<vmem>>
      tpu.enqueue_dma source(%dma_start3A_267 : memref<632xf32, #tpu.memory_space<vmem>>) target(%dma_start3A_265 : memref<632xf32, #tpu.memory_space<vmem_shared>>) target_semaphore(%run_scoped3A : memref<!tpu.dma_semaphore, #tpu.memory_space<semaphore_mem>>)
      %dma_wait3A = arith.constant 0 : i32
      %dma_wait3A_268 = tpu.memref_slice %arg15[%dma_wait3A] : memref<640xf32, #tpu.memory_space<vmem>> -> memref<632xf32, #tpu.memory_space<vmem>>
      %dma_wait3A_269 = tpu.memref_slice %arg17[%mul3A_249] : memref<10112xf32, #tpu.memory_space<vmem_shared>> -> memref<632xf32, #tpu.memory_space<vmem_shared>>
      %dma_wait3A_270 = tpu.memref_slice %arg17[%mul3A_249] : memref<10112xf32, #tpu.memory_space<vmem_shared>> -> memref<632xf32, #tpu.memory_space<vmem_shared>>
      %dma_wait3A_271 = arith.constant 0 : i32
      %dma_wait3A_272 = tpu.memref_slice %arg15[%dma_wait3A_271] : memref<640xf32, #tpu.memory_space<vmem>> -> memref<632xf32, #tpu.memory_space<vmem>>
      tpu.wait_dma2 semaphore(%run_scoped3A : memref<!tpu.dma_semaphore, #tpu.memory_space<semaphore_mem>>) src(%dma_wait3A_272 : memref<632xf32, #tpu.memory_space<vmem>>) dst(%dma_wait3A_270 : memref<632xf32, #tpu.memory_space<vmem_shared>>)
      tpu.yield
    }) : () -> ()
    %barrier3A = arith.constant 0 : index
    tpu.barrier barrier_id(%barrier3A)
    %scan3A = arith.constant 0 : i32
    %scan3A_250 = arith.constant 0 : i32
    %scan3A_251 = arith.constant 2 : i32
    %scan3A_252 = arith.addi %scan3A_250, %scan3A_251 : i32
    %scan3A_253 = arith.constant 1 : i32
    scf.for %scan3A_263 = %scan3A_250 to %scan3A_252 step %scan3A_253  : i32 {
      %mul3A_264 = arith.constant 80 : i32
      %mul3A_265 = arith.muli %add3A, %mul3A_264 : i32
      %mul3A_266 = arith.constant 40 : i32
      %mul3A_267 = arith.muli %scan3A_263, %mul3A_266 : i32
      %add3A_268 = arith.addi %mul3A_265, %mul3A_267 : i32
      "tpu.region"() ({
        %run_scoped3A = tpu.sem_alloc : memref<!tpu.dma_semaphore, #tpu.memory_space<semaphore_mem>>
        %dma_start3A = arith.constant 0 : i32
        %dma_start3A_280 = tpu.memref_slice %arg2[%add3A_268, %dma_start3A] : memref<2560x128xi32, #tpu.memory_space<hbm>> -> memref<40x128xi32, #tpu.memory_space<hbm>>
        %dma_start3A_281 = arith.constant 0 : i32
        %dma_start3A_282 = tpu.memref_slice %arg2[%add3A_268, %dma_start3A_281] : memref<2560x128xi32, #tpu.memory_space<hbm>> -> memref<40x128xi32, #tpu.memory_space<hbm>>
        tpu.enqueue_dma source(%dma_start3A_282 : memref<40x128xi32, #tpu.memory_space<hbm>>) target(%arg9 : memref<40x128xi32, #tpu.memory_space<vmem>>) target_semaphore(%run_scoped3A : memref<!tpu.dma_semaphore, #tpu.memory_space<semaphore_mem>>)
        %dma_wait3A = arith.constant 0 : i32
        %dma_wait3A_283 = tpu.memref_slice %arg2[%add3A_268, %dma_wait3A] : memref<2560x128xi32, #tpu.memory_space<hbm>> -> memref<40x128xi32, #tpu.memory_space<hbm>>
        %dma_wait3A_284 = arith.constant 0 : i32
        %dma_wait3A_285 = tpu.memref_slice %arg2[%add3A_268, %dma_wait3A_284] : memref<2560x128xi32, #tpu.memory_space<hbm>> -> memref<40x128xi32, #tpu.memory_space<hbm>>
        tpu.wait_dma2 semaphore(%run_scoped3A : memref<!tpu.dma_semaphore, #tpu.memory_space<semaphore_mem>>) src(%dma_wait3A_285 : memref<40x128xi32, #tpu.memory_space<hbm>>) dst(%arg9 : memref<40x128xi32, #tpu.memory_space<vmem>>)
        tpu.yield
      }) : () -> ()
      %mul3A_269 = arith.constant 80 : i32
      %mul3A_270 = arith.muli %add3A, %mul3A_269 : i32
      %mul3A_271 = arith.constant 40 : i32
      %mul3A_272 = arith.muli %scan3A_263, %mul3A_271 : i32
      %add3A_273 = arith.addi %mul3A_270, %mul3A_272 : i32
      "tpu.region"() ({
        %run_scoped3A = tpu.sem_alloc : memref<!tpu.dma_semaphore, #tpu.memory_space<semaphore_mem>>
        %dma_start3A = arith.constant 0 : i32
        %dma_start3A_280 = tpu.memref_slice %arg3[%add3A_273, %dma_start3A] : memref<2560x128xi32, #tpu.memory_space<hbm>> -> memref<40x128xi32, #tpu.memory_space<hbm>>
        %dma_start3A_281 = arith.constant 0 : i32
        %dma_start3A_282 = tpu.memref_slice %arg3[%add3A_273, %dma_start3A_281] : memref<2560x128xi32, #tpu.memory_space<hbm>> -> memref<40x128xi32, #tpu.memory_space<hbm>>
        tpu.enqueue_dma source(%dma_start3A_282 : memref<40x128xi32, #tpu.memory_space<hbm>>) target(%arg10 : memref<40x128xi32, #tpu.memory_space<vmem>>) target_semaphore(%run_scoped3A : memref<!tpu.dma_semaphore, #tpu.memory_space<semaphore_mem>>)
        %dma_wait3A = arith.constant 0 : i32
        %dma_wait3A_283 = tpu.memref_slice %arg3[%add3A_273, %dma_wait3A] : memref<2560x128xi32, #tpu.memory_space<hbm>> -> memref<40x128xi32, #tpu.memory_space<hbm>>
        %dma_wait3A_284 = arith.constant 0 : i32
        %dma_wait3A_285 = tpu.memref_slice %arg3[%add3A_273, %dma_wait3A_284] : memref<2560x128xi32, #tpu.memory_space<hbm>> -> memref<40x128xi32, #tpu.memory_space<hbm>>
        tpu.wait_dma2 semaphore(%run_scoped3A : memref<!tpu.dma_semaphore, #tpu.memory_space<semaphore_mem>>) src(%dma_wait3A_285 : memref<40x128xi32, #tpu.memory_space<hbm>>) dst(%arg10 : memref<40x128xi32, #tpu.memory_space<vmem>>)
        tpu.yield
      }) : () -> ()
      %scan3A_274 = arith.constant 0 : i32
      %scan3A_275 = arith.constant 0 : i32
      %scan3A_276 = arith.constant 20 : i32
      %scan3A_277 = arith.addi %scan3A_275, %scan3A_276 : i32
      %scan3A_278 = arith.constant 1 : i32
      scf.for %scan3A_280 = %scan3A_275 to %scan3A_277 step %scan3A_278  : i32 {
        %mul3A_281 = arith.constant 2 : i32
        %mul3A_282 = arith.muli %scan3A_280, %mul3A_281 : i32
        %add3A_283 = arith.constant 0 : i32
        %add3A_284 = arith.addi %mul3A_282, %add3A_283 : i32
        %dma_start3A = arith.constant 0 : i32
        %dma_start3A_285 = arith.constant 0 : i32
        %dma_start3A_286 = tpu.memref_slice %arg11[%dma_start3A, %dma_start3A_285] : memref<256x128xf32, #tpu.memory_space<vmem>> -> memref<128x128xf32, #tpu.memory_space<vmem>>
        %dma_start3A_287 = arith.constant 0 : i32
        %dma_start3A_288 = tpu.memref_slice %arg9[%add3A_284, %dma_start3A_287] : memref<40x128xi32, #tpu.memory_space<vmem>> -> memref<1x128xi32, #tpu.memory_space<vmem>>
        %dma_start3A_289 = tpu.memref_squeeze %dma_start3A_288 : memref<1x128xi32, #tpu.memory_space<vmem>> -> memref<128xi32, #tpu.memory_space<vmem>>
        %dma_start3A_290 = arith.constant 0 : i32
        %dma_start3A_291 = arith.constant 0 : i32
        %dma_start3A_292 = tpu.memref_slice %arg4[%dma_start3A_290, %dma_start3A_291] : memref<10112x128xf32, #tpu.memory_space<hbm>> -> memref<10112x128xf32, #tpu.memory_space<hbm>>
        tpu.enqueue_indirect_dma source(%dma_start3A_292 : memref<10112x128xf32, #tpu.memory_space<hbm>>) target(%dma_start3A_286 : memref<128x128xf32, #tpu.memory_space<vmem>>) offsets(%dma_start3A_289 : memref<128xi32, #tpu.memory_space<vmem>>) semaphore(%arg13 : memref<!tpu.dma_semaphore, #tpu.memory_space<semaphore_mem>>)
        %add3A_293 = arith.constant 1 : i32
        %add3A_294 = arith.addi %mul3A_282, %add3A_293 : i32
        %dma_start3A_295 = arith.constant 128 : i32
        %dma_start3A_296 = arith.constant 0 : i32
        %dma_start3A_297 = tpu.memref_slice %arg11[%dma_start3A_295, %dma_start3A_296] : memref<256x128xf32, #tpu.memory_space<vmem>> -> memref<128x128xf32, #tpu.memory_space<vmem>>
        %dma_start3A_298 = arith.constant 0 : i32
        %dma_start3A_299 = tpu.memref_slice %arg9[%add3A_294, %dma_start3A_298] : memref<40x128xi32, #tpu.memory_space<vmem>> -> memref<1x128xi32, #tpu.memory_space<vmem>>
        %dma_start3A_300 = tpu.memref_squeeze %dma_start3A_299 : memref<1x128xi32, #tpu.memory_space<vmem>> -> memref<128xi32, #tpu.memory_space<vmem>>
        %dma_start3A_301 = arith.constant 0 : i32
        %dma_start3A_302 = arith.constant 0 : i32
        %dma_start3A_303 = tpu.memref_slice %arg4[%dma_start3A_301, %dma_start3A_302] : memref<10112x128xf32, #tpu.memory_space<hbm>> -> memref<10112x128xf32, #tpu.memory_space<hbm>>
        tpu.enqueue_indirect_dma source(%dma_start3A_303 : memref<10112x128xf32, #tpu.memory_space<hbm>>) target(%dma_start3A_297 : memref<128x128xf32, #tpu.memory_space<vmem>>) offsets(%dma_start3A_300 : memref<128xi32, #tpu.memory_space<vmem>>) semaphore(%arg13 : memref<!tpu.dma_semaphore, #tpu.memory_space<semaphore_mem>>)
        %add3A_304 = arith.constant 0 : i32
        %add3A_305 = arith.addi %mul3A_282, %add3A_304 : i32
        %dma_start3A_306 = arith.constant 0 : i32
        %dma_start3A_307 = tpu.memref_slice %arg16[%dma_start3A_306] : memref<256xf32, #tpu.memory_space<vmem>> -> memref<128xf32, #tpu.memory_space<vmem>>
        %dma_start3A_308 = arith.constant 0 : i32
        %dma_start3A_309 = tpu.memref_slice %arg10[%add3A_305, %dma_start3A_308] : memref<40x128xi32, #tpu.memory_space<vmem>> -> memref<1x128xi32, #tpu.memory_space<vmem>>
        %dma_start3A_310 = tpu.memref_squeeze %dma_start3A_309 : memref<1x128xi32, #tpu.memory_space<vmem>> -> memref<128xi32, #tpu.memory_space<vmem>>
        %dma_start3A_311 = arith.constant 0 : i32
        %dma_start3A_312 = tpu.memref_slice %arg5[%dma_start3A_311] : memref<10112xf32, #tpu.memory_space<hbm>> -> memref<10112xf32, #tpu.memory_space<hbm>>
        tpu.enqueue_indirect_dma source(%dma_start3A_312 : memref<10112xf32, #tpu.memory_space<hbm>>) target(%dma_start3A_307 : memref<128xf32, #tpu.memory_space<vmem>>) offsets(%dma_start3A_310 : memref<128xi32, #tpu.memory_space<vmem>>) semaphore(%arg13 : memref<!tpu.dma_semaphore, #tpu.memory_space<semaphore_mem>>)
        %add3A_313 = arith.constant 1 : i32
        %add3A_314 = arith.addi %mul3A_282, %add3A_313 : i32
        %dma_start3A_315 = arith.constant 128 : i32
        %dma_start3A_316 = tpu.memref_slice %arg16[%dma_start3A_315] : memref<256xf32, #tpu.memory_space<vmem>> -> memref<128xf32, #tpu.memory_space<vmem>>
        %dma_start3A_317 = arith.constant 0 : i32
        %dma_start3A_318 = tpu.memref_slice %arg10[%add3A_314, %dma_start3A_317] : memref<40x128xi32, #tpu.memory_space<vmem>> -> memref<1x128xi32, #tpu.memory_space<vmem>>
        %dma_start3A_319 = tpu.memref_squeeze %dma_start3A_318 : memref<1x128xi32, #tpu.memory_space<vmem>> -> memref<128xi32, #tpu.memory_space<vmem>>
        %dma_start3A_320 = arith.constant 0 : i32
        %dma_start3A_321 = tpu.memref_slice %arg5[%dma_start3A_320] : memref<10112xf32, #tpu.memory_space<hbm>> -> memref<10112xf32, #tpu.memory_space<hbm>>
        tpu.enqueue_indirect_dma source(%dma_start3A_321 : memref<10112xf32, #tpu.memory_space<hbm>>) target(%dma_start3A_316 : memref<128xf32, #tpu.memory_space<vmem>>) offsets(%dma_start3A_319 : memref<128xi32, #tpu.memory_space<vmem>>) semaphore(%arg13 : memref<!tpu.dma_semaphore, #tpu.memory_space<semaphore_mem>>)
        %dma_wait3A = arith.constant 0 : i32
        %dma_wait3A_322 = arith.constant 0 : i32
        %dma_wait3A_323 = tpu.memref_slice %arg11[%dma_wait3A, %dma_wait3A_322] : memref<256x128xf32, #tpu.memory_space<vmem>> -> memref<128x128xf32, #tpu.memory_space<vmem>>
        %dma_wait3A_324 = arith.constant 0 : i32
        %dma_wait3A_325 = tpu.memref_slice %arg9[%add3A_284, %dma_wait3A_324] : memref<40x128xi32, #tpu.memory_space<vmem>> -> memref<1x128xi32, #tpu.memory_space<vmem>>
        %dma_wait3A_326 = tpu.memref_squeeze %dma_wait3A_325 : memref<1x128xi32, #tpu.memory_space<vmem>> -> memref<128xi32, #tpu.memory_space<vmem>>
        %dma_wait3A_327 = arith.constant 0 : i32
        %dma_wait3A_328 = arith.constant 0 : i32
        %dma_wait3A_329 = tpu.memref_slice %arg4[%dma_wait3A_327, %dma_wait3A_328] : memref<10112x128xf32, #tpu.memory_space<hbm>> -> memref<10112x128xf32, #tpu.memory_space<hbm>>
        tpu.wait_indirect_dma semaphore(%arg13 : memref<!tpu.dma_semaphore, #tpu.memory_space<semaphore_mem>>) src(%dma_wait3A_329 : memref<10112x128xf32, #tpu.memory_space<hbm>>) dst(%dma_wait3A_323 : memref<128x128xf32, #tpu.memory_space<vmem>>)
        %add3A_330 = arith.constant 0 : i32
        %add3A_331 = arith.addi %mul3A_282, %add3A_330 : i32
        %dma_start3A_332 = arith.constant 0 : i32
        %dma_start3A_333 = arith.constant 0 : i32
        %dma_start3A_334 = tpu.memref_slice %arg11[%dma_start3A_332, %dma_start3A_333] : memref<256x128xf32, #tpu.memory_space<vmem>> -> memref<128x128xf32, #tpu.memory_space<vmem>>
        %dma_start3A_335 = arith.constant 0 : i32
        %dma_start3A_336 = tpu.memref_slice %arg10[%add3A_331, %dma_start3A_335] : memref<40x128xi32, #tpu.memory_space<vmem>> -> memref<1x128xi32, #tpu.memory_space<vmem>>
        %dma_start3A_337 = tpu.memref_squeeze %dma_start3A_336 : memref<1x128xi32, #tpu.memory_space<vmem>> -> memref<128xi32, #tpu.memory_space<vmem>>
        %dma_start3A_338 = arith.constant 0 : i32
        %dma_start3A_339 = arith.constant 0 : i32
        %dma_start3A_340 = tpu.memref_slice %arg12[%dma_start3A_338, %dma_start3A_339] : memref<10112x128xf32, #tpu.memory_space<vmem_shared>> -> memref<10112x128xf32, #tpu.memory_space<vmem_shared>>
        tpu.enqueue_indirect_dma source(%dma_start3A_334 : memref<128x128xf32, #tpu.memory_space<vmem>>) target(%dma_start3A_340 : memref<10112x128xf32, #tpu.memory_space<vmem_shared>>) offsets(%dma_start3A_337 : memref<128xi32, #tpu.memory_space<vmem>>) semaphore(%arg14 : memref<!tpu.dma_semaphore, #tpu.memory_space<semaphore_mem>>) {add = true}
        %dma_wait3A_341 = arith.constant 128 : i32
        %dma_wait3A_342 = arith.constant 0 : i32
        %dma_wait3A_343 = tpu.memref_slice %arg11[%dma_wait3A_341, %dma_wait3A_342] : memref<256x128xf32, #tpu.memory_space<vmem>> -> memref<128x128xf32, #tpu.memory_space<vmem>>
        %dma_wait3A_344 = arith.constant 0 : i32
        %dma_wait3A_345 = tpu.memref_slice %arg9[%add3A_294, %dma_wait3A_344] : memref<40x128xi32, #tpu.memory_space<vmem>> -> memref<1x128xi32, #tpu.memory_space<vmem>>
        %dma_wait3A_346 = tpu.memref_squeeze %dma_wait3A_345 : memref<1x128xi32, #tpu.memory_space<vmem>> -> memref<128xi32, #tpu.memory_space<vmem>>
        %dma_wait3A_347 = arith.constant 0 : i32
        %dma_wait3A_348 = arith.constant 0 : i32
        %dma_wait3A_349 = tpu.memref_slice %arg4[%dma_wait3A_347, %dma_wait3A_348] : memref<10112x128xf32, #tpu.memory_space<hbm>> -> memref<10112x128xf32, #tpu.memory_space<hbm>>
        tpu.wait_indirect_dma semaphore(%arg13 : memref<!tpu.dma_semaphore, #tpu.memory_space<semaphore_mem>>) src(%dma_wait3A_349 : memref<10112x128xf32, #tpu.memory_space<hbm>>) dst(%dma_wait3A_343 : memref<128x128xf32, #tpu.memory_space<vmem>>)
        %add3A_350 = arith.constant 1 : i32
        %add3A_351 = arith.addi %mul3A_282, %add3A_350 : i32
        %dma_start3A_352 = arith.constant 128 : i32
        %dma_start3A_353 = arith.constant 0 : i32
        %dma_start3A_354 = tpu.memref_slice %arg11[%dma_start3A_352, %dma_start3A_353] : memref<256x128xf32, #tpu.memory_space<vmem>> -> memref<128x128xf32, #tpu.memory_space<vmem>>
        %dma_start3A_355 = arith.constant 0 : i32
        %dma_start3A_356 = tpu.memref_slice %arg10[%add3A_351, %dma_start3A_355] : memref<40x128xi32, #tpu.memory_space<vmem>> -> memref<1x128xi32, #tpu.memory_space<vmem>>
        %dma_start3A_357 = tpu.memref_squeeze %dma_start3A_356 : memref<1x128xi32, #tpu.memory_space<vmem>> -> memref<128xi32, #tpu.memory_space<vmem>>
        %dma_start3A_358 = arith.constant 0 : i32
        %dma_start3A_359 = arith.constant 0 : i32
        %dma_start3A_360 = tpu.memref_slice %arg12[%dma_start3A_358, %dma_start3A_359] : memref<10112x128xf32, #tpu.memory_space<vmem_shared>> -> memref<10112x128xf32, #tpu.memory_space<vmem_shared>>
        tpu.enqueue_indirect_dma source(%dma_start3A_354 : memref<128x128xf32, #tpu.memory_space<vmem>>) target(%dma_start3A_360 : memref<10112x128xf32, #tpu.memory_space<vmem_shared>>) offsets(%dma_start3A_357 : memref<128xi32, #tpu.memory_space<vmem>>) semaphore(%arg14 : memref<!tpu.dma_semaphore, #tpu.memory_space<semaphore_mem>>) {add = true}
        %dma_wait3A_361 = arith.constant 0 : i32
        %dma_wait3A_362 = tpu.memref_slice %arg16[%dma_wait3A_361] : memref<256xf32, #tpu.memory_space<vmem>> -> memref<128xf32, #tpu.memory_space<vmem>>
        %dma_wait3A_363 = arith.constant 0 : i32
        %dma_wait3A_364 = tpu.memref_slice %arg10[%add3A_305, %dma_wait3A_363] : memref<40x128xi32, #tpu.memory_space<vmem>> -> memref<1x128xi32, #tpu.memory_space<vmem>>
        %dma_wait3A_365 = tpu.memref_squeeze %dma_wait3A_364 : memref<1x128xi32, #tpu.memory_space<vmem>> -> memref<128xi32, #tpu.memory_space<vmem>>
        %dma_wait3A_366 = arith.constant 0 : i32
        %dma_wait3A_367 = tpu.memref_slice %arg5[%dma_wait3A_366] : memref<10112xf32, #tpu.memory_space<hbm>> -> memref<10112xf32, #tpu.memory_space<hbm>>
        tpu.wait_indirect_dma semaphore(%arg13 : memref<!tpu.dma_semaphore, #tpu.memory_space<semaphore_mem>>) src(%dma_wait3A_367 : memref<10112xf32, #tpu.memory_space<hbm>>) dst(%dma_wait3A_362 : memref<128xf32, #tpu.memory_space<vmem>>)
        %add3A_368 = arith.constant 0 : i32
        %add3A_369 = arith.addi %mul3A_282, %add3A_368 : i32
        %dma_start3A_370 = arith.constant 0 : i32
        %dma_start3A_371 = tpu.memref_slice %arg16[%dma_start3A_370] : memref<256xf32, #tpu.memory_space<vmem>> -> memref<128xf32, #tpu.memory_space<vmem>>
        %dma_start3A_372 = arith.constant 0 : i32
        %dma_start3A_373 = tpu.memref_slice %arg9[%add3A_369, %dma_start3A_372] : memref<40x128xi32, #tpu.memory_space<vmem>> -> memref<1x128xi32, #tpu.memory_space<vmem>>
        %dma_start3A_374 = tpu.memref_squeeze %dma_start3A_373 : memref<1x128xi32, #tpu.memory_space<vmem>> -> memref<128xi32, #tpu.memory_space<vmem>>
        %dma_start3A_375 = arith.constant 0 : i32
        %dma_start3A_376 = tpu.memref_slice %arg17[%dma_start3A_375] : memref<10112xf32, #tpu.memory_space<vmem_shared>> -> memref<10112xf32, #tpu.memory_space<vmem_shared>>
        tpu.enqueue_indirect_dma source(%dma_start3A_371 : memref<128xf32, #tpu.memory_space<vmem>>) target(%dma_start3A_376 : memref<10112xf32, #tpu.memory_space<vmem_shared>>) offsets(%dma_start3A_374 : memref<128xi32, #tpu.memory_space<vmem>>) semaphore(%arg14 : memref<!tpu.dma_semaphore, #tpu.memory_space<semaphore_mem>>) {add = true}
        %dma_wait3A_377 = arith.constant 128 : i32
        %dma_wait3A_378 = tpu.memref_slice %arg16[%dma_wait3A_377] : memref<256xf32, #tpu.memory_space<vmem>> -> memref<128xf32, #tpu.memory_space<vmem>>
        %dma_wait3A_379 = arith.constant 0 : i32
        %dma_wait3A_380 = tpu.memref_slice %arg10[%add3A_314, %dma_wait3A_379] : memref<40x128xi32, #tpu.memory_space<vmem>> -> memref<1x128xi32, #tpu.memory_space<vmem>>
        %dma_wait3A_381 = tpu.memref_squeeze %dma_wait3A_380 : memref<1x128xi32, #tpu.memory_space<vmem>> -> memref<128xi32, #tpu.memory_space<vmem>>
        %dma_wait3A_382 = arith.constant 0 : i32
        %dma_wait3A_383 = tpu.memref_slice %arg5[%dma_wait3A_382] : memref<10112xf32, #tpu.memory_space<hbm>> -> memref<10112xf32, #tpu.memory_space<hbm>>
        tpu.wait_indirect_dma semaphore(%arg13 : memref<!tpu.dma_semaphore, #tpu.memory_space<semaphore_mem>>) src(%dma_wait3A_383 : memref<10112xf32, #tpu.memory_space<hbm>>) dst(%dma_wait3A_378 : memref<128xf32, #tpu.memory_space<vmem>>)
        %add3A_384 = arith.constant 1 : i32
        %add3A_385 = arith.addi %mul3A_282, %add3A_384 : i32
        %dma_start3A_386 = arith.constant 128 : i32
        %dma_start3A_387 = tpu.memref_slice %arg16[%dma_start3A_386] : memref<256xf32, #tpu.memory_space<vmem>> -> memref<128xf32, #tpu.memory_space<vmem>>
        %dma_start3A_388 = arith.constant 0 : i32
        %dma_start3A_389 = tpu.memref_slice %arg9[%add3A_385, %dma_start3A_388] : memref<40x128xi32, #tpu.memory_space<vmem>> -> memref<1x128xi32, #tpu.memory_space<vmem>>
        %dma_start3A_390 = tpu.memref_squeeze %dma_start3A_389 : memref<1x128xi32, #tpu.memory_space<vmem>> -> memref<128xi32, #tpu.memory_space<vmem>>
        %dma_start3A_391 = arith.constant 0 : i32
        %dma_start3A_392 = tpu.memref_slice %arg17[%dma_start3A_391] : memref<10112xf32, #tpu.memory_space<vmem_shared>> -> memref<10112xf32, #tpu.memory_space<vmem_shared>>
        tpu.enqueue_indirect_dma source(%dma_start3A_387 : memref<128xf32, #tpu.memory_space<vmem>>) target(%dma_start3A_392 : memref<10112xf32, #tpu.memory_space<vmem_shared>>) offsets(%dma_start3A_390 : memref<128xi32, #tpu.memory_space<vmem>>) semaphore(%arg14 : memref<!tpu.dma_semaphore, #tpu.memory_space<semaphore_mem>>) {add = true}
        %dma_wait3A_393 = arith.constant 0 : i32
        %dma_wait3A_394 = arith.constant 0 : i32
        %dma_wait3A_395 = tpu.memref_slice %arg11[%dma_wait3A_393, %dma_wait3A_394] : memref<256x128xf32, #tpu.memory_space<vmem>> -> memref<128x128xf32, #tpu.memory_space<vmem>>
        %dma_wait3A_396 = arith.constant 0 : i32
        %dma_wait3A_397 = tpu.memref_slice %arg10[%add3A_331, %dma_wait3A_396] : memref<40x128xi32, #tpu.memory_space<vmem>> -> memref<1x128xi32, #tpu.memory_space<vmem>>
        %dma_wait3A_398 = tpu.memref_squeeze %dma_wait3A_397 : memref<1x128xi32, #tpu.memory_space<vmem>> -> memref<128xi32, #tpu.memory_space<vmem>>
        %dma_wait3A_399 = arith.constant 0 : i32
        %dma_wait3A_400 = arith.constant 0 : i32
        %dma_wait3A_401 = tpu.memref_slice %arg12[%dma_wait3A_399, %dma_wait3A_400] : memref<10112x128xf32, #tpu.memory_space<vmem_shared>> -> memref<10112x128xf32, #tpu.memory_space<vmem_shared>>
        tpu.wait_indirect_dma semaphore(%arg14 : memref<!tpu.dma_semaphore, #tpu.memory_space<semaphore_mem>>) src(%dma_wait3A_395 : memref<128x128xf32, #tpu.memory_space<vmem>>) dst(%dma_wait3A_401 : memref<10112x128xf32, #tpu.memory_space<vmem_shared>>)
        %dma_wait3A_402 = arith.constant 128 : i32
        %dma_wait3A_403 = arith.constant 0 : i32
        %dma_wait3A_404 = tpu.memref_slice %arg11[%dma_wait3A_402, %dma_wait3A_403] : memref<256x128xf32, #tpu.memory_space<vmem>> -> memref<128x128xf32, #tpu.memory_space<vmem>>
        %dma_wait3A_405 = arith.constant 0 : i32
        %dma_wait3A_406 = tpu.memref_slice %arg10[%add3A_351, %dma_wait3A_405] : memref<40x128xi32, #tpu.memory_space<vmem>> -> memref<1x128xi32, #tpu.memory_space<vmem>>
        %dma_wait3A_407 = tpu.memref_squeeze %dma_wait3A_406 : memref<1x128xi32, #tpu.memory_space<vmem>> -> memref<128xi32, #tpu.memory_space<vmem>>
        %dma_wait3A_408 = arith.constant 0 : i32
        %dma_wait3A_409 = arith.constant 0 : i32
        %dma_wait3A_410 = tpu.memref_slice %arg12[%dma_wait3A_408, %dma_wait3A_409] : memref<10112x128xf32, #tpu.memory_space<vmem_shared>> -> memref<10112x128xf32, #tpu.memory_space<vmem_shared>>
        tpu.wait_indirect_dma semaphore(%arg14 : memref<!tpu.dma_semaphore, #tpu.memory_space<semaphore_mem>>) src(%dma_wait3A_404 : memref<128x128xf32, #tpu.memory_space<vmem>>) dst(%dma_wait3A_410 : memref<10112x128xf32, #tpu.memory_space<vmem_shared>>)
        %dma_wait3A_411 = arith.constant 0 : i32
        %dma_wait3A_412 = tpu.memref_slice %arg16[%dma_wait3A_411] : memref<256xf32, #tpu.memory_space<vmem>> -> memref<128xf32, #tpu.memory_space<vmem>>
        %dma_wait3A_413 = arith.constant 0 : i32
        %dma_wait3A_414 = tpu.memref_slice %arg9[%add3A_369, %dma_wait3A_413] : memref<40x128xi32, #tpu.memory_space<vmem>> -> memref<1x128xi32, #tpu.memory_space<vmem>>
        %dma_wait3A_415 = tpu.memref_squeeze %dma_wait3A_414 : memref<1x128xi32, #tpu.memory_space<vmem>> -> memref<128xi32, #tpu.memory_space<vmem>>
        %dma_wait3A_416 = arith.constant 0 : i32
        %dma_wait3A_417 = tpu.memref_slice %arg17[%dma_wait3A_416] : memref<10112xf32, #tpu.memory_space<vmem_shared>> -> memref<10112xf32, #tpu.memory_space<vmem_shared>>
        tpu.wait_indirect_dma semaphore(%arg14 : memref<!tpu.dma_semaphore, #tpu.memory_space<semaphore_mem>>) src(%dma_wait3A_412 : memref<128xf32, #tpu.memory_space<vmem>>) dst(%dma_wait3A_417 : memref<10112xf32, #tpu.memory_space<vmem_shared>>)
        %dma_wait3A_418 = arith.constant 128 : i32
        %dma_wait3A_419 = tpu.memref_slice %arg16[%dma_wait3A_418] : memref<256xf32, #tpu.memory_space<vmem>> -> memref<128xf32, #tpu.memory_space<vmem>>
        %dma_wait3A_420 = arith.constant 0 : i32
        %dma_wait3A_421 = tpu.memref_slice %arg9[%add3A_385, %dma_wait3A_420] : memref<40x128xi32, #tpu.memory_space<vmem>> -> memref<1x128xi32, #tpu.memory_space<vmem>>
        %dma_wait3A_422 = tpu.memref_squeeze %dma_wait3A_421 : memref<1x128xi32, #tpu.memory_space<vmem>> -> memref<128xi32, #tpu.memory_space<vmem>>
        %dma_wait3A_423 = arith.constant 0 : i32
        %dma_wait3A_424 = tpu.memref_slice %arg17[%dma_wait3A_423] : memref<10112xf32, #tpu.memory_space<vmem_shared>> -> memref<10112xf32, #tpu.memory_space<vmem_shared>>
        tpu.wait_indirect_dma semaphore(%arg14 : memref<!tpu.dma_semaphore, #tpu.memory_space<semaphore_mem>>) src(%dma_wait3A_419 : memref<128xf32, #tpu.memory_space<vmem>>) dst(%dma_wait3A_424 : memref<10112xf32, #tpu.memory_space<vmem_shared>>)
      }
      %scan3A_279 = arith.constant 20 : i32
    }
    %scan3A_254 = arith.constant 2 : i32
    %barrier3A_255 = arith.constant 0 : index
    tpu.barrier barrier_id(%barrier3A_255)
    "tpu.region"() ({
      %run_scoped3A = tpu.sem_alloc : memref<!tpu.dma_semaphore, #tpu.memory_space<semaphore_mem>>
      %dma_start3A = arith.constant 0 : i32
      %dma_start3A_263 = tpu.memref_slice %arg7[%arg0, %mul3A_2, %dma_start3A] : memref<2x10112x128xf32, #tpu.memory_space<hbm>> -> memref<1x632x128xf32, #tpu.memory_space<hbm>>
      %dma_start3A_264 = tpu.memref_squeeze %dma_start3A_263 : memref<1x632x128xf32, #tpu.memory_space<hbm>> -> memref<632x128xf32, #tpu.memory_space<hbm>>
      %dma_start3A_265 = arith.constant 0 : i32
      %dma_start3A_266 = tpu.memref_slice %arg12[%mul3A_2, %dma_start3A_265] : memref<10112x128xf32, #tpu.memory_space<vmem_shared>> -> memref<632x128xf32, #tpu.memory_space<vmem_shared>>
      tpu.enqueue_dma source(%dma_start3A_266 : memref<632x128xf32, #tpu.memory_space<vmem_shared>>) target(%dma_start3A_264 : memref<632x128xf32, #tpu.memory_space<hbm>>) target_semaphore(%run_scoped3A : memref<!tpu.dma_semaphore, #tpu.memory_space<semaphore_mem>>)
      %dma_wait3A = arith.constant 0 : i32
      %dma_wait3A_267 = tpu.memref_slice %arg7[%arg0, %mul3A_2, %dma_wait3A] : memref<2x10112x128xf32, #tpu.memory_space<hbm>> -> memref<1x632x128xf32, #tpu.memory_space<hbm>>
      %dma_wait3A_268 = tpu.memref_squeeze %dma_wait3A_267 : memref<1x632x128xf32, #tpu.memory_space<hbm>> -> memref<632x128xf32, #tpu.memory_space<hbm>>
      %dma_wait3A_269 = arith.constant 0 : i32
      %dma_wait3A_270 = tpu.memref_slice %arg12[%mul3A_2, %dma_wait3A_269] : memref<10112x128xf32, #tpu.memory_space<vmem_shared>> -> memref<632x128xf32, #tpu.memory_space<vmem_shared>>
      tpu.wait_dma2 semaphore(%run_scoped3A : memref<!tpu.dma_semaphore, #tpu.memory_space<semaphore_mem>>) src(%dma_wait3A_270 : memref<632x128xf32, #tpu.memory_space<vmem_shared>>) dst(%dma_wait3A_268 : memref<632x128xf32, #tpu.memory_space<hbm>>)
      tpu.yield
    }) : () -> ()
    %mul3A_256 = arith.constant 632 : i32
    %mul3A_257 = arith.muli %arg1, %mul3A_256 : i32
    "tpu.region"() ({
      %run_scoped3A = tpu.sem_alloc : memref<!tpu.dma_semaphore, #tpu.memory_space<semaphore_mem>>
      %dma_start3A = arith.constant 0 : i32
      %dma_start3A_263 = tpu.memref_slice %arg15[%dma_start3A] : memref<640xf32, #tpu.memory_space<vmem>> -> memref<632xf32, #tpu.memory_space<vmem>>
      %dma_start3A_264 = tpu.memref_slice %arg17[%mul3A_257] : memref<10112xf32, #tpu.memory_space<vmem_shared>> -> memref<632xf32, #tpu.memory_space<vmem_shared>>
      %dma_start3A_265 = arith.constant 0 : i32
      %dma_start3A_266 = tpu.memref_slice %arg15[%dma_start3A_265] : memref<640xf32, #tpu.memory_space<vmem>> -> memref<632xf32, #tpu.memory_space<vmem>>
      %dma_start3A_267 = tpu.memref_slice %arg17[%mul3A_257] : memref<10112xf32, #tpu.memory_space<vmem_shared>> -> memref<632xf32, #tpu.memory_space<vmem_shared>>
      tpu.enqueue_dma source(%dma_start3A_267 : memref<632xf32, #tpu.memory_space<vmem_shared>>) target(%dma_start3A_266 : memref<632xf32, #tpu.memory_space<vmem>>) target_semaphore(%run_scoped3A : memref<!tpu.dma_semaphore, #tpu.memory_space<semaphore_mem>>)
      %dma_wait3A = arith.constant 0 : i32
      %dma_wait3A_268 = tpu.memref_slice %arg15[%dma_wait3A] : memref<640xf32, #tpu.memory_space<vmem>> -> memref<632xf32, #tpu.memory_space<vmem>>
      %dma_wait3A_269 = tpu.memref_slice %arg17[%mul3A_257] : memref<10112xf32, #tpu.memory_space<vmem_shared>> -> memref<632xf32, #tpu.memory_space<vmem_shared>>
      %dma_wait3A_270 = arith.constant 0 : i32
      %dma_wait3A_271 = tpu.memref_slice %arg15[%dma_wait3A_270] : memref<640xf32, #tpu.memory_space<vmem>> -> memref<632xf32, #tpu.memory_space<vmem>>
      %dma_wait3A_272 = tpu.memref_slice %arg17[%mul3A_257] : memref<10112xf32, #tpu.memory_space<vmem_shared>> -> memref<632xf32, #tpu.memory_space<vmem_shared>>
      tpu.wait_dma2 semaphore(%run_scoped3A : memref<!tpu.dma_semaphore, #tpu.memory_space<semaphore_mem>>) src(%dma_wait3A_272 : memref<632xf32, #tpu.memory_space<vmem_shared>>) dst(%dma_wait3A_271 : memref<632xf32, #tpu.memory_space<vmem>>)
      tpu.yield
    }) : () -> ()
    %mul3A_258 = arith.constant 10112 : i32
    %mul3A_259 = arith.muli %arg0, %mul3A_258 : i32
    %mul3A_260 = arith.constant 632 : i32
    %mul3A_261 = arith.muli %arg1, %mul3A_260 : i32
    %add3A_262 = arith.addi %mul3A_259, %mul3A_261 : i32
    "tpu.region"() ({
      %run_scoped3A = tpu.sem_alloc : memref<!tpu.dma_semaphore, #tpu.memory_space<semaphore_mem>>
      %dma_start3A = arith.constant 0 : i32
      %dma_start3A_263 = tpu.memref_slice %arg15[%dma_start3A] : memref<640xf32, #tpu.memory_space<vmem>> -> memref<632xf32, #tpu.memory_space<vmem>>
      %dma_start3A_264 = tpu.memref_slice %arg8[%add3A_262] : memref<20224xf32, #tpu.memory_space<hbm>> -> memref<632xf32, #tpu.memory_space<hbm>>
      %dma_start3A_265 = tpu.memref_slice %arg8[%add3A_262] : memref<20224xf32, #tpu.memory_space<hbm>> -> memref<632xf32, #tpu.memory_space<hbm>>
      %dma_start3A_266 = arith.constant 0 : i32
      %dma_start3A_267 = tpu.memref_slice %arg15[%dma_start3A_266] : memref<640xf32, #tpu.memory_space<vmem>> -> memref<632xf32, #tpu.memory_space<vmem>>
      tpu.enqueue_dma source(%dma_start3A_267 : memref<632xf32, #tpu.memory_space<vmem>>) target(%dma_start3A_265 : memref<632xf32, #tpu.memory_space<hbm>>) target_semaphore(%run_scoped3A : memref<!tpu.dma_semaphore, #tpu.memory_space<semaphore_mem>>)
      %dma_wait3A = arith.constant 0 : i32
      %dma_wait3A_268 = tpu.memref_slice %arg15[%dma_wait3A] : memref<640xf32, #tpu.memory_space<vmem>> -> memref<632xf32, #tpu.memory_space<vmem>>
      %dma_wait3A_269 = tpu.memref_slice %arg8[%add3A_262] : memref<20224xf32, #tpu.memory_space<hbm>> -> memref<632xf32, #tpu.memory_space<hbm>>
      %dma_wait3A_270 = tpu.memref_slice %arg8[%add3A_262] : memref<20224xf32, #tpu.memory_space<hbm>> -> memref<632xf32, #tpu.memory_space<hbm>>
      %dma_wait3A_271 = arith.constant 0 : i32
      %dma_wait3A_272 = tpu.memref_slice %arg15[%dma_wait3A_271] : memref<640xf32, #tpu.memory_space<vmem>> -> memref<632xf32, #tpu.memory_space<vmem>>
      tpu.wait_dma2 semaphore(%run_scoped3A : memref<!tpu.dma_semaphore, #tpu.memory_space<semaphore_mem>>) src(%dma_wait3A_272 : memref<632xf32, #tpu.memory_space<vmem>>) dst(%dma_wait3A_270 : memref<632xf32, #tpu.memory_space<hbm>>)
      tpu.yield
    }) : () -> ()
    return
  }
}

module attributes {stable_mosaic.version = 14 : i64} {
  func.func @_dis_body(%arg0: memref<2x10112xf32, #tpu.memory_space<vmem>>, %arg1: memref<1x10112xf32, #tpu.memory_space<vmem>>) attributes {dimension_semantics = [], scalar_prefetch = 0 : i64, scratch_operands = 0 : i64, tpu.core_type = #tpu.core_type<tc>} {
    %get3A = arith.constant 0 : index
    %get3A_0 = arith.constant 0 : index
    %get3A_1 = vector.load %arg0[%get3A, %get3A_0] : memref<2x10112xf32, #tpu.memory_space<vmem>>, vector<1x10112xf32>
    %get3A_2 = vector.shape_cast %get3A_1 : vector<1x10112xf32> to vector<10112xf32>
    %get3A_3 = arith.constant 1 : index
    %get3A_4 = arith.constant 0 : index
    %get3A_5 = vector.load %arg0[%get3A_3, %get3A_4] : memref<2x10112xf32, #tpu.memory_space<vmem>>, vector<1x10112xf32>
    %get3A_6 = vector.shape_cast %get3A_5 : vector<1x10112xf32> to vector<10112xf32>
    %add3A = arith.addf %get3A_2, %get3A_6 : vector<10112xf32>
    %add3A_7 = arith.constant 1.000000e+00 : f32
    %add3A_8 = vector.broadcast %add3A_7 : f32 to vector<10112xf32>
    %add3A_9 = arith.addf %add3A, %add3A_8 : vector<10112xf32>
    %rsqrt3A = math.rsqrt %add3A_9 : vector<10112xf32>
    %iota3A = tpu.iota {dimensions = array<i32: 1>} : vector<1x10112xi32>
    %lt3A = arith.constant 10000 : i32
    %lt3A_10 = vector.broadcast %lt3A : i32 to vector<1x10112xi32>
    %lt3A_11 = arith.cmpi slt, %iota3A, %lt3A_10 : vector<1x10112xi32>
    %jit3A = arith.constant 0.000000e+00 : f32
    %broadcast_in_dim3A = vector.shape_cast %rsqrt3A : vector<10112xf32> to vector<1x10112xf32>
    %broadcast_in_dim3A_12 = vector.broadcast %jit3A : f32 to vector<1x10112xf32>
    %select_n3A = arith.select %lt3A_11, %broadcast_in_dim3A, %broadcast_in_dim3A_12 : vector<1x10112xi1>, vector<1x10112xf32>
    %swap3A = arith.constant 0 : index
    %swap3A_13 = arith.constant 0 : index
    %swap3A_14 = vector.load %arg1[%swap3A, %swap3A_13] : memref<1x10112xf32, #tpu.memory_space<vmem>>, vector<1x10112xf32>
    tpu.vector_store %arg1[%swap3A, %swap3A_13], %select_n3A {strides = array<i32>} : memref<1x10112xf32, #tpu.memory_space<vmem>>, vector<1x10112xf32>,
    return
  }
}

module attributes {stable_mosaic.version = 14 : i64} {
  func.func @_mid_body(%arg0: i32, %arg1: memref<2x1000x128xf32, #tpu.memory_space<vmem>>, %arg2: memref<1000x1xf32, #tpu.memory_space<vmem>>, %arg3: memref<1x128xf32, #tpu.memory_space<vmem>>, %arg4: memref<128x128xf32, #tpu.memory_space<vmem>>, %arg5: memref<1000x128xf32, #tpu.memory_space<vmem>>) attributes {dimension_semantics = [#tpu.dimension_semantics<arbitrary>], iteration_bounds = array<i64: 10>, scalar_prefetch = 0 : i64, scratch_operands = 0 : i64, tpu.core_type = #tpu.core_type<tc>, window_params = [{transform_indices = @transform_0, window_bounds = array<i64: 2, 1000, 128>}, {transform_indices = @transform_1, window_bounds = array<i64: 1000, 1>}, {pipeline_mode = #tpu.pipeline_mode<synchronous>, transform_indices = @transform_2, window_bounds = array<i64: 1, 128>}, {pipeline_mode = #tpu.pipeline_mode<synchronous>, transform_indices = @transform_3, window_bounds = array<i64: 128, 128>}, {transform_indices = @transform_4, window_bounds = array<i64: 1000, 128>}]} {
    %get3A = arith.constant 0 : index
    %get3A_0 = arith.constant 0 : index
    %get3A_1 = arith.constant 0 : index
    %get3A_2 = vector.load %arg1[%get3A, %get3A_0, %get3A_1] : memref<2x1000x128xf32, #tpu.memory_space<vmem>>, vector<1x1000x128xf32>
    %get3A_3 = vector.shape_cast %get3A_2 : vector<1x1000x128xf32> to vector<1000x128xf32>
    %get3A_4 = arith.constant 1 : index
    %get3A_5 = arith.constant 0 : index
    %get3A_6 = arith.constant 0 : index
    %get3A_7 = vector.load %arg1[%get3A_4, %get3A_5, %get3A_6] : memref<2x1000x128xf32, #tpu.memory_space<vmem>>, vector<1x1000x128xf32>
    %get3A_8 = vector.shape_cast %get3A_7 : vector<1x1000x128xf32> to vector<1000x128xf32>
    %add3A = arith.addf %get3A_3, %get3A_8 : vector<1000x128xf32>
    %get3A_9 = arith.constant 0 : index
    %get3A_10 = arith.constant 0 : index
    %get3A_11 = vector.load %arg2[%get3A_9, %get3A_10] : memref<1000x1xf32, #tpu.memory_space<vmem>>, vector<1000x1xf32>
    %mul3A = vector.broadcast %get3A_11 : vector<1000x1xf32> to vector<1000x128xf32>
    %mul3A_12 = arith.mulf %add3A, %mul3A : vector<1000x128xf32>
    %get3A_13 = arith.constant 0 : index
    %get3A_14 = arith.constant 0 : index
    %get3A_15 = vector.load %arg3[%get3A_13, %get3A_14] : memref<1x128xf32, #tpu.memory_space<vmem>>, vector<1x128xf32>
    %add3A_16 = vector.broadcast %get3A_15 : vector<1x128xf32> to vector<1000x128xf32>
    %add3A_17 = arith.addf %mul3A_12, %add3A_16 : vector<1000x128xf32>
    %max3A = arith.constant 0.000000e+00 : f32
    %max3A_18 = vector.broadcast %max3A : f32 to vector<1000x128xf32>
    %max3A_19 = arith.maximumf %add3A_17, %max3A_18 : vector<1000x128xf32>
    %get3A_20 = arith.constant 0 : index
    %get3A_21 = arith.constant 0 : index
    %get3A_22 = vector.load %arg4[%get3A_20, %get3A_21] : memref<128x128xf32, #tpu.memory_space<vmem>>, vector<128x128xf32>
    %dot_general3A = arith.constant dense<0.000000e+00> : vector<1000x128xf32>
    %dot_general3A_23 = tpu.matmul %max3A_19, %get3A_22, %dot_general3A {dimension_numbers = #tpu.dot_dimension_numbers<[1], [0], [0], [1], [0, 0, 1, 1], [], []>, transpose_lhs_hint = false} : vector<1000x128xf32>, vector<128x128xf32>, vector<1000x128xf32> -> vector<1000x128xf32>
    %get3A_24 = arith.constant 0 : index
    %get3A_25 = arith.constant 0 : index
    %get3A_26 = vector.load %arg2[%get3A_24, %get3A_25] : memref<1000x1xf32, #tpu.memory_space<vmem>>, vector<1000x1xf32>
    %mul3A_27 = vector.broadcast %get3A_26 : vector<1000x1xf32> to vector<1000x128xf32>
    %mul3A_28 = arith.mulf %dot_general3A_23, %mul3A_27 : vector<1000x128xf32>
    %swap3A = arith.constant 0 : index
    %swap3A_29 = arith.constant 0 : index
    %swap3A_30 = vector.load %arg5[%swap3A, %swap3A_29] : memref<1000x128xf32, #tpu.memory_space<vmem>>, vector<1000x128xf32>
    tpu.vector_store %arg5[%swap3A, %swap3A_29], %mul3A_28 {strides = array<i32>} : memref<1000x128xf32, #tpu.memory_space<vmem>>, vector<1000x128xf32>,
    return
  }
  func.func @transform_0(%arg0: i32) -> (i32, i32, i32) {
    %c0_i32 = arith.constant 0 : i32
    %c0_i32_0 = arith.constant 0 : i32
    %c0_i32_1 = arith.constant 0 : i32
    return %c0_i32, %arg0, %c0_i32_0 : i32, i32, i32
  }
  func.func @transform_1(%arg0: i32) -> (i32, i32) {
    %c0_i32 = arith.constant 0 : i32
    %c0_i32_0 = arith.constant 0 : i32
    return %arg0, %c0_i32 : i32, i32
  }
  func.func @transform_2(%arg0: i32) -> (i32, i32) {
    %c0_i32 = arith.constant 0 : i32
    %c0_i32_0 = arith.constant 0 : i32
    %c0_i32_1 = arith.constant 0 : i32
    return %c0_i32, %c0_i32_0 : i32, i32
  }
  func.func @transform_3(%arg0: i32) -> (i32, i32) {
    %c0_i32 = arith.constant 0 : i32
    %c0_i32_0 = arith.constant 0 : i32
    %c0_i32_1 = arith.constant 0 : i32
    return %c0_i32, %c0_i32_0 : i32, i32
  }
  func.func @transform_4(%arg0: i32) -> (i32, i32) {
    %c0_i32 = arith.constant 0 : i32
    %c0_i32_0 = arith.constant 0 : i32
    return %arg0, %c0_i32 : i32, i32
  }
}

module attributes {stable_mosaic.version = 14 : i64} {
  func.func @_mm1_body(%arg0: i32, %arg1: memref<632x128xf32, #tpu.memory_space<vmem>>, %arg2: memref<128x128xf32, #tpu.memory_space<vmem>>, %arg3: memref<632x1xf32, #tpu.memory_space<vmem>>, %arg4: memref<632x128xf32, #tpu.memory_space<vmem>>) attributes {dimension_semantics = [#tpu.dimension_semantics<arbitrary>], iteration_bounds = array<i64: 16>, scalar_prefetch = 0 : i64, scratch_operands = 0 : i64, tpu.core_type = #tpu.core_type<tc>, window_params = [{transform_indices = @transform_0, window_bounds = array<i64: 632, 128>}, {pipeline_mode = #tpu.pipeline_mode<synchronous>, transform_indices = @transform_1, window_bounds = array<i64: 128, 128>}, {transform_indices = @transform_2, window_bounds = array<i64: 632, 1>}, {transform_indices = @transform_3, window_bounds = array<i64: 632, 128>}]} {
    %get3A = arith.constant 0 : index
    %get3A_0 = arith.constant 0 : index
    %get3A_1 = vector.load %arg1[%get3A, %get3A_0] : memref<632x128xf32, #tpu.memory_space<vmem>>, vector<632x128xf32>
    %get3A_2 = arith.constant 0 : index
    %get3A_3 = arith.constant 0 : index
    %get3A_4 = vector.load %arg2[%get3A_2, %get3A_3] : memref<128x128xf32, #tpu.memory_space<vmem>>, vector<128x128xf32>
    %dot_general3A = arith.constant dense<0.000000e+00> : vector<632x128xf32>
    %dot_general3A_5 = tpu.matmul %get3A_1, %get3A_4, %dot_general3A {dimension_numbers = #tpu.dot_dimension_numbers<[1], [0], [0], [1], [0, 0, 1, 1], [], []>, transpose_lhs_hint = false} : vector<632x128xf32>, vector<128x128xf32>, vector<632x128xf32> -> vector<632x128xf32>
    %get3A_6 = arith.constant 0 : index
    %get3A_7 = arith.constant 0 : index
    %get3A_8 = vector.load %arg3[%get3A_6, %get3A_7] : memref<632x1xf32, #tpu.memory_space<vmem>>, vector<632x1xf32>
    %mul3A = vector.broadcast %get3A_8 : vector<632x1xf32> to vector<632x128xf32>
    %mul3A_9 = arith.mulf %dot_general3A_5, %mul3A : vector<632x128xf32>
    %swap3A = arith.constant 0 : index
    %swap3A_10 = arith.constant 0 : index
    %swap3A_11 = vector.load %arg4[%swap3A, %swap3A_10] : memref<632x128xf32, #tpu.memory_space<vmem>>, vector<632x128xf32>
    tpu.vector_store %arg4[%swap3A, %swap3A_10], %mul3A_9 {strides = array<i32>} : memref<632x128xf32, #tpu.memory_space<vmem>>, vector<632x128xf32>,
    return
  }
  func.func @transform_0(%arg0: i32) -> (i32, i32) {
    %c0_i32 = arith.constant 0 : i32
    %c0_i32_0 = arith.constant 0 : i32
    return %arg0, %c0_i32 : i32, i32
  }
  func.func @transform_1(%arg0: i32) -> (i32, i32) {
    %c0_i32 = arith.constant 0 : i32
    %c0_i32_0 = arith.constant 0 : i32
    %c0_i32_1 = arith.constant 0 : i32
    return %c0_i32, %c0_i32_0 : i32, i32
  }
  func.func @transform_2(%arg0: i32) -> (i32, i32) {
    %c0_i32 = arith.constant 0 : i32
    %c0_i32_0 = arith.constant 0 : i32
    return %arg0, %c0_i32 : i32, i32
  }
  func.func @transform_3(%arg0: i32) -> (i32, i32) {
    %c0_i32 = arith.constant 0 : i32
    %c0_i32_0 = arith.constant 0 : i32
    return %arg0, %c0_i32 : i32, i32
  }
}

module attributes {stable_mosaic.version = 14 : i64} {
  func.func @_fin_body(%arg0: i32, %arg1: memref<2x1000x128xf32, #tpu.memory_space<vmem>>, %arg2: memref<1000x1xf32, #tpu.memory_space<vmem>>, %arg3: memref<1x128xf32, #tpu.memory_space<vmem>>, %arg4: memref<2x1000x1xf32, #tpu.memory_space<vmem>>, %arg5: memref<128x10xf32, #tpu.memory_space<vmem>>, %arg6: memref<1x10xf32, #tpu.memory_space<vmem>>, %arg7: memref<1x10xf32, #tpu.memory_space<vmem>>, %arg8: memref<1x128xf32, #tpu.memory_space<vmem>>) attributes {dimension_semantics = [#tpu.dimension_semantics<arbitrary>], iteration_bounds = array<i64: 10>, scalar_prefetch = 0 : i64, scratch_operands = 1 : i64, tpu.core_type = #tpu.core_type<tc>, window_params = [{transform_indices = @transform_0, window_bounds = array<i64: 2, 1000, 128>}, {transform_indices = @transform_1, window_bounds = array<i64: 1000, 1>}, {pipeline_mode = #tpu.pipeline_mode<synchronous>, transform_indices = @transform_2, window_bounds = array<i64: 1, 128>}, {transform_indices = @transform_3, window_bounds = array<i64: 2, 1000, 1>}, {pipeline_mode = #tpu.pipeline_mode<synchronous>, transform_indices = @transform_4, window_bounds = array<i64: 128, 10>}, {pipeline_mode = #tpu.pipeline_mode<synchronous>, transform_indices = @transform_5, window_bounds = array<i64: 1, 10>}, {pipeline_mode = #tpu.pipeline_mode<synchronous>, transform_indices = @transform_6, window_bounds = array<i64: 1, 10>}]} {
    %eq3A = arith.constant 0 : i32
    %eq3A_0 = arith.cmpi eq, %arg0, %eq3A : i32
    %convert_element_type3A = arith.extui %eq3A_0 : i1 to i32
    %cond3A = arith.constant 0 : i32
    %cond3A_1 = arith.cmpi ne, %convert_element_type3A, %cond3A : i32
    scf.if %cond3A_1 {
      %broadcast_in_dim3A_49 = arith.constant 0.000000e+00 : f32
      %broadcast_in_dim3A_50 = vector.broadcast %broadcast_in_dim3A_49 : f32 to vector<1x128xf32>
      %swap3A_51 = arith.constant 0 : index
      %swap3A_52 = arith.constant 0 : index
      %swap3A_53 = vector.load %arg8[%swap3A_51, %swap3A_52] : memref<1x128xf32, #tpu.memory_space<vmem>>, vector<1x128xf32>
      tpu.vector_store %arg8[%swap3A_51, %swap3A_52], %broadcast_in_dim3A_50 {strides = array<i32>} : memref<1x128xf32, #tpu.memory_space<vmem>>, vector<1x128xf32>,
    } else {
    }
    %get3A = arith.constant 0 : index
    %get3A_2 = arith.constant 0 : index
    %get3A_3 = arith.constant 0 : index
    %get3A_4 = vector.load %arg1[%get3A, %get3A_2, %get3A_3] : memref<2x1000x128xf32, #tpu.memory_space<vmem>>, vector<1x1000x128xf32>
    %get3A_5 = vector.shape_cast %get3A_4 : vector<1x1000x128xf32> to vector<1000x128xf32>
    %get3A_6 = arith.constant 1 : index
    %get3A_7 = arith.constant 0 : index
    %get3A_8 = arith.constant 0 : index
    %get3A_9 = vector.load %arg1[%get3A_6, %get3A_7, %get3A_8] : memref<2x1000x128xf32, #tpu.memory_space<vmem>>, vector<1x1000x128xf32>
    %get3A_10 = vector.shape_cast %get3A_9 : vector<1x1000x128xf32> to vector<1000x128xf32>
    %add3A = arith.addf %get3A_5, %get3A_10 : vector<1000x128xf32>
    %get3A_11 = arith.constant 0 : index
    %get3A_12 = arith.constant 0 : index
    %get3A_13 = vector.load %arg2[%get3A_11, %get3A_12] : memref<1000x1xf32, #tpu.memory_space<vmem>>, vector<1000x1xf32>
    %mul3A = vector.broadcast %get3A_13 : vector<1000x1xf32> to vector<1000x128xf32>
    %mul3A_14 = arith.mulf %add3A, %mul3A : vector<1000x128xf32>
    %get3A_15 = arith.constant 0 : index
    %get3A_16 = arith.constant 0 : index
    %get3A_17 = vector.load %arg3[%get3A_15, %get3A_16] : memref<1x128xf32, #tpu.memory_space<vmem>>, vector<1x128xf32>
    %add3A_18 = vector.broadcast %get3A_17 : vector<1x128xf32> to vector<1000x128xf32>
    %add3A_19 = arith.addf %mul3A_14, %add3A_18 : vector<1000x128xf32>
    %max3A = arith.constant 0.000000e+00 : f32
    %max3A_20 = vector.broadcast %max3A : f32 to vector<1000x128xf32>
    %max3A_21 = arith.maximumf %add3A_19, %max3A_20 : vector<1000x128xf32>
    %get3A_22 = arith.constant 0 : index
    %get3A_23 = arith.constant 0 : index
    %get3A_24 = arith.constant 0 : index
    %get3A_25 = vector.load %arg4[%get3A_22, %get3A_23, %get3A_24] : memref<2x1000x1xf32, #tpu.memory_space<vmem>>, vector<1x1000x1xf32>
    %get3A_26 = vector.shape_cast %get3A_25 : vector<1x1000x1xf32> to vector<1000x1xf32>
    %get3A_27 = arith.constant 1 : index
    %get3A_28 = arith.constant 0 : index
    %get3A_29 = arith.constant 0 : index
    %get3A_30 = vector.load %arg4[%get3A_27, %get3A_28, %get3A_29] : memref<2x1000x1xf32, #tpu.memory_space<vmem>>, vector<1x1000x1xf32>
    %get3A_31 = vector.shape_cast %get3A_30 : vector<1x1000x1xf32> to vector<1000x1xf32>
    %add3A_32 = arith.addf %get3A_26, %get3A_31 : vector<1000x1xf32>
    %add3A_33 = arith.addf %add3A_32, %get3A_13 : vector<1000x1xf32>
    %mul3A_34 = arith.mulf %get3A_13, %add3A_33 : vector<1000x1xf32>
    %get3A_35 = arith.constant 0 : index
    %get3A_36 = arith.constant 0 : index
    %get3A_37 = vector.load %arg8[%get3A_35, %get3A_36] : memref<1x128xf32, #tpu.memory_space<vmem>>, vector<1x128xf32>
    %mul3A_38 = vector.broadcast %mul3A_34 : vector<1000x1xf32> to vector<1000x128xf32>
    %mul3A_39 = arith.mulf %max3A_21, %mul3A_38 : vector<1000x128xf32>
    %reduce_sum3A = arith.constant dense<0.000000e+00> : vector<128xf32>
    %reduce_sum3A_40 = vector.multi_reduction <add>, %mul3A_39, %reduce_sum3A [0] : vector<1000x128xf32> to vector<128xf32>
    %broadcast_in_dim3A = vector.shape_cast %reduce_sum3A_40 : vector<128xf32> to vector<1x128xf32>
    %add3A_41 = arith.addf %get3A_37, %broadcast_in_dim3A : vector<1x128xf32>
    %swap3A = arith.constant 0 : index
    %swap3A_42 = arith.constant 0 : index
    %swap3A_43 = vector.load %arg8[%swap3A, %swap3A_42] : memref<1x128xf32, #tpu.memory_space<vmem>>, vector<1x128xf32>
    tpu.vector_store %arg8[%swap3A, %swap3A_42], %add3A_41 {strides = array<i32>} : memref<1x128xf32, #tpu.memory_space<vmem>>, vector<1x128xf32>,
    %eq3A_44 = arith.constant 9 : i32
    %eq3A_45 = arith.cmpi eq, %arg0, %eq3A_44 : i32
    %convert_element_type3A_46 = arith.extui %eq3A_45 : i1 to i32
    %cond3A_47 = arith.constant 0 : i32
    %cond3A_48 = arith.cmpi ne, %convert_element_type3A_46, %cond3A_47 : i32
    scf.if %cond3A_48 {
      %get3A_49 = arith.constant 0 : index
      %get3A_50 = arith.constant 0 : index
      %get3A_51 = vector.load %arg8[%get3A_49, %get3A_50] : memref<1x128xf32, #tpu.memory_space<vmem>>, vector<1x128xf32>
      %mul3A_52 = arith.constant 9.99999974E-5 : f32
      %mul3A_53 = vector.broadcast %mul3A_52 : f32 to vector<1x128xf32>
      %mul3A_54 = arith.mulf %get3A_51, %mul3A_53 : vector<1x128xf32>
      %get3A_55 = arith.constant 0 : index
      %get3A_56 = arith.constant 0 : index
      %get3A_57 = vector.load %arg5[%get3A_55, %get3A_56] : memref<128x10xf32, #tpu.memory_space<vmem>>, vector<128x10xf32>
      %dot_general3A = arith.constant dense<0.000000e+00> : vector<1x10xf32>
      %dot_general3A_58 = tpu.matmul %mul3A_54, %get3A_57, %dot_general3A {dimension_numbers = #tpu.dot_dimension_numbers<[1], [0], [0], [1], [0, 0, 1, 1], [], []>, transpose_lhs_hint = false} : vector<1x128xf32>, vector<128x10xf32>, vector<1x10xf32> -> vector<1x10xf32>
      %get3A_59 = arith.constant 0 : index
      %get3A_60 = arith.constant 0 : index
      %get3A_61 = vector.load %arg6[%get3A_59, %get3A_60] : memref<1x10xf32, #tpu.memory_space<vmem>>, vector<1x10xf32>
      %add3A_62 = arith.addf %dot_general3A_58, %get3A_61 : vector<1x10xf32>
      %reduce_max3A = arith.constant dense<0xFF800000> : vector<1xf32>
      %reduce_max3A_63 = vector.multi_reduction <maximumf>, %add3A_62, %reduce_max3A [1] : vector<1x10xf32> to vector<1xf32>
      %broadcast_in_dim3A_64 = vector.shape_cast %reduce_max3A_63 : vector<1xf32> to vector<1x1xf32>
      %sub3A = vector.broadcast %broadcast_in_dim3A_64 : vector<1x1xf32> to vector<1x10xf32>
      %sub3A_65 = arith.subf %add3A_62, %sub3A : vector<1x10xf32>
      %exp3A = math.exp %sub3A_65 : vector<1x10xf32>
      %reduce_sum3A_66 = arith.constant dense<0.000000e+00> : vector<1xf32>
      %reduce_sum3A_67 = vector.multi_reduction <add>, %exp3A, %reduce_sum3A_66 [1] : vector<1x10xf32> to vector<1xf32>
      %broadcast_in_dim3A_68 = vector.shape_cast %reduce_sum3A_67 : vector<1xf32> to vector<1x1xf32>
      %log3A = math.log %broadcast_in_dim3A_68 : vector<1x1xf32>
      %add3A_69 = arith.addf %log3A, %broadcast_in_dim3A_64 : vector<1x1xf32>
      %sub3A_70 = vector.broadcast %add3A_69 : vector<1x1xf32> to vector<1x10xf32>
      %sub3A_71 = arith.subf %add3A_62, %sub3A_70 : vector<1x10xf32>
      %swap3A_72 = arith.constant 0 : index
      %swap3A_73 = arith.constant 0 : index
      %swap3A_74 = vector.load %arg7[%swap3A_72, %swap3A_73] : memref<1x10xf32, #tpu.memory_space<vmem>>, vector<1x10xf32>
      tpu.vector_store %arg7[%swap3A_72, %swap3A_73], %sub3A_71 {strides = array<i32>} : memref<1x10xf32, #tpu.memory_space<vmem>>, vector<1x10xf32>,
    } else {
    }
    return
  }
  func.func @transform_0(%arg0: i32) -> (i32, i32, i32) {
    %c0_i32 = arith.constant 0 : i32
    %c0_i32_0 = arith.constant 0 : i32
    %c0_i32_1 = arith.constant 0 : i32
    return %c0_i32, %arg0, %c0_i32_0 : i32, i32, i32
  }
  func.func @transform_1(%arg0: i32) -> (i32, i32) {
    %c0_i32 = arith.constant 0 : i32
    %c0_i32_0 = arith.constant 0 : i32
    return %arg0, %c0_i32 : i32, i32
  }
  func.func @transform_2(%arg0: i32) -> (i32, i32) {
    %c0_i32 = arith.constant 0 : i32
    %c0_i32_0 = arith.constant 0 : i32
    %c0_i32_1 = arith.constant 0 : i32
    return %c0_i32, %c0_i32_0 : i32, i32
  }
  func.func @transform_3(%arg0: i32) -> (i32, i32, i32) {
    %c0_i32 = arith.constant 0 : i32
    %c0_i32_0 = arith.constant 0 : i32
    %c0_i32_1 = arith.constant 0 : i32
    return %c0_i32, %arg0, %c0_i32_0 : i32, i32, i32
  }
  func.func @transform_4(%arg0: i32) -> (i32, i32) {
    %c0_i32 = arith.constant 0 : i32
    %c0_i32_0 = arith.constant 0 : i32
    %c0_i32_1 = arith.constant 0 : i32
    return %c0_i32, %c0_i32_0 : i32, i32
  }
  func.func @transform_5(%arg0: i32) -> (i32, i32) {
    %c0_i32 = arith.constant 0 : i32
    %c0_i32_0 = arith.constant 0 : i32
    %c0_i32_1 = arith.constant 0 : i32
    return %c0_i32, %c0_i32_0 : i32, i32
  }
  func.func @transform_6(%arg0: i32) -> (i32, i32) {
    %c0_i32 = arith.constant 0 : i32
    %c0_i32_0 = arith.constant 0 : i32
    %c0_i32_1 = arith.constant 0 : i32
    return %c0_i32, %c0_i32_0 : i32, i32
  }
}

</mosaic_0001>

<sc_bundles>
// kernel: kernel.12.cloned.1.call-start
scs
__scs_entry_jumppad:
0x0: {  	(pc) =	sbr.rel $0x88, $3  }
0x1: {  	(tag) =	ssettag $0x0;
	lr =	simm.s32 $0x1  }
0x2: {  	[smem:$0x3F99] =	sst lr;
	_ =	strace $0xD0000000  }
0x3: {  	_ = 	snop  }
0x4: {  	_ = 	snop  }
0x5: {  	_ = 	snop  }
0x6: {  	_ = 	snop  }
0x7: {  	_ = 	snop  }
__scs_overlays_trampoline_lowered:
0x8: {  	[smem:$0x3FA8] =	sst s0  }
0x9: {  	[smem:$0x3FA9] =	sst s1  }
0xa: {  	[smem:$0x3FAA] =	sst s2  }
0xb: {  	[smem:$0x3FAB] =	sst s3  }
0xc: {  	[smem:$0x3FAC] =	sst s4  }
0xd: {  	[smem:$0x3FAD] =	sst s5  }
0xe: {  	[smem:$0x3FAE] =	sst s6  }
0xf: {  	[smem:$0x3FAF] =	sst s7  }
0x10: {  	[smem:$0x3FB0] =	sst s8  }
0x11: {  	[smem:$0x3FB1] =	sst s9;
	s0 =	simm.s32 @!p0 $0x0  }
0x12: {  	s1 =	sld [smem:$0x3F97];
	s0 =	simm.s32 @p0 $0x1  }
0x13: {  	[smem:$0x3FB2] =	sst s0;
	s0 =	simm.s32 @!p1 $0x0  }
0x14: {  	s2 =	sld [smem:$0x3F96];
	s0 =	simm.s32 @p1 $0x1  }
0x15: {  	[smem:$0x3FB3] =	sst s0;
	s0 =	simm.s32 @!p2 $0x0  }
0x16: {  	s3 =	sld [smem:$0x3FDB];
	s0 =	simm.s32 @p2 $0x1  }
0x17: {  	s4 =	simm.s32 $0x1BF5;
	[smem:$0x3FB5] =	sst s0  }
0x18: {  	s0 =	sld [smem:$0x3F98];
	_ =	swait.ge [sflag:s4], $0x0  }
0x19: {  	s7 =	sld [smem:$0x3F99]  }
0x1a: {  	s8 =	sadd.s32 $0xFFFFE003, lr  }
0x1b: {  	s9 =	sadd.s32 $0xFFFFFEF7, lr;
	s5 =	simm.s32 $0xFFFFFFFF;
	p2 =	slt.u32 s8, $0xFFFFF086  }
0x1c: {  	p1 =	slt.u32 s9, $0xF7A;
	s5 =	simm.s32 @!p2 $0x0  }
0x1d: {  	s5 =	simm.s32 @p1 $0x1;
	p0 =	seq.s32 s7, s2  }
0x1e: {  	s7 =	smul.u32 @!p0 $0xF7A, s2;
	p2 =	seq.s32 @!p0 s5, $0x0  }
0x1f: {  	s9 =	smul.u32 $0xF7A, s1;
	s8 =	simm.s32 @!p0 $0x1BF5;
	p2 =	por !p2, p0  }
0x20: {  	[sflag:s8] =	ssyncset.s32 @!p0 $0xFFFFF086;
	s6 =	sadd.s32 @!p0 s3, s7;
	s7 =	simm.s32 @!p0 $0x108  }
0x21: {  	s3 =	sadd.s32 s3, s9;
	s6 =	sadd.s32 @!p0 $0x88, s6;
	s7 =	simm.s32 @p2 $0x1082  }
0x22: {  	[simem:s7], [sflag:s8] =	dma.local @!p0 [hbm:s6], $0xF7A  }
0x23: {  	s9 =	sor.u32 $0xD0000000, s2;
	s6 =	simm.s32 $0x108;
	_ =	swait.ge @!p0 [sflag:s8], $0x0  }
0x24: {  	s3 =	sadd.s32 $0x88, s3;
	s6 =	simm.s32 @!p1 $0x1082;
	[sflag:s4] =	ssyncset.s32 $0xFFFFF086  }
0x25: {  	[simem:s6], [sflag:s4] =	dma.local [hbm:s3], $0xF7A  }
0x26: {  	[smem:$0x3F99] =	sst s1;
	(tag) =	ssettag s2;
	_ =	strace s9  }
0x27: {  	s1 =	sld [smem:$0x3FA9]  }
0x28: {  	s2 =	sld [smem:$0x3FAA]  }
0x29: {  	s4 =	sld [smem:$0x3FAC]  }
0x2a: {  	p0 =	seq.s32 s5, $0x0;
	s5 =	sld [smem:$0x3FAD]  }
0x2b: {  	s6 =	sld [smem:$0x3FAE]  }
0x2c: {  	s7 =	sld [smem:$0x3FAF]  }
0x2d: {  	s3 =	simm.s32 $0x108;
	s8 =	sld [smem:$0x3FB0]  }
0x2e: {  	s3 =	simm.s32 @!p0 $0x1082;
	s9 =	sld [smem:$0x3FB1]  }
0x2f: {  	lr =	sadd.s32 s0, s3;
	s0 =	sld [smem:$0x3FA8]  }
0x30: {  	s3 =	sld [smem:$0x3FAB]  }
0x31: {  	[smem:$0x3FB4] =	sst s10  }
0x32: {  	s10 =	sld [smem:$0x3FB2];
	_ =	sdelay $0x3  }
0x33: {  	p0 =	seq.s32 s10, $0x1;
	s10 =	sld [smem:$0x3FB4];
	_ =	sdelay $0x3  }
0x34: {  	[smem:$0x3FB4] =	sst s10  }
0x35: {  	s10 =	sld [smem:$0x3FB3];
	_ =	sdelay $0x3  }
0x36: {  	p1 =	seq.s32 s10, $0x1;
	s10 =	sld [smem:$0x3FB4];
	_ =	sdelay $0x3  }
0x37: {  	[smem:$0x3FB4] =	sst s10  }
0x38: {  	s10 =	sld [smem:$0x3FB5]  }
0x39: {  	_ = 	snop;
	(pc) =	sbr.ind lr, $3  }
0x3a: {  	_ = 	snop  }
0x3b: {  	_ = 	snop  }
0x3c: {  	p2 =	seq.s32 s10, $0x1;
	s10 =	sld [smem:$0x3FB4]  }
0x3d: {  	_ =	shalt  }
0x3e: {  	_ =	shalt  }
0x3f: {  	_ =	shalt  }
0x40: {  	_ =	shalt  }
0x41: {  	_ =	shalt  }
0x42: {  	_ =	shalt  }
0x43: {  	_ =	shalt  }
0x44: {  	_ =	shalt  }
0x45: {  	_ =	shalt  }
0x46: {  	_ =	shalt  }
0x47: {  	_ =	shalt  }
0x48: {  	_ =	shalt  }
0x49: {  	_ =	shalt  }
0x4a: {  	_ =	shalt  }
0x4b: {  	_ =	shalt  }
0x4c: {  	_ =	shalt  }
0x4d: {  	_ =	shalt  }
0x4e: {  	_ =	shalt  }
0x4f: {  	_ =	shalt  }
0x50: {  	_ =	shalt  }
0x51: {  	_ =	shalt  }
0x52: {  	_ =	shalt  }
0x53: {  	_ =	shalt  }
0x54: {  	_ =	shalt  }
0x55: {  	_ =	shalt  }
0x56: {  	_ =	shalt  }
0x57: {  	_ =	shalt  }
0x58: {  	_ =	shalt  }
0x59: {  	_ =	shalt  }
0x5a: {  	_ =	shalt  }
0x5b: {  	_ =	shalt  }
0x5c: {  	_ =	shalt  }
0x5d: {  	_ =	shalt  }
0x5e: {  	_ =	shalt  }
0x5f: {  	_ =	shalt  }
0x60: {  	_ =	shalt  }
0x61: {  	_ =	shalt  }
0x62: {  	_ =	shalt  }
0x63: {  	_ =	shalt  }
0x64: {  	_ =	shalt  }
0x65: {  	_ =	shalt  }
0x66: {  	_ =	shalt  }
0x67: {  	_ =	shalt  }
0x68: {  	_ =	shalt  }
0x69: {  	_ =	shalt  }
0x6a: {  	_ =	shalt  }
0x6b: {  	_ =	shalt  }
0x6c: {  	_ =	shalt  }
0x6d: {  	_ =	shalt  }
0x6e: {  	_ =	shalt  }
0x6f: {  	_ =	shalt  }
0x70: {  	_ =	shalt  }
0x71: {  	_ =	shalt  }
0x72: {  	_ =	shalt  }
0x73: {  	_ =	shalt  }
0x74: {  	_ =	shalt  }
0x75: {  	_ =	shalt  }
0x76: {  	_ =	shalt  }
0x77: {  	_ =	shalt  }
0x78: {  	_ =	shalt  }
0x79: {  	_ =	shalt  }
0x7a: {  	_ =	shalt  }
0x7b: {  	_ =	shalt  }
0x7c: {  	_ =	shalt  }
0x7d: {  	_ =	shalt  }
0x7e: {  	_ =	shalt  }
0x7f: {  	_ =	shalt  }
0x80: {  	_ =	shalt  }
0x81: {  	_ =	shalt  }
0x82: {  	_ =	shalt  }
0x83: {  	_ =	shalt  }
0x84: {  	_ =	shalt  }
0x85: {  	_ =	shalt  }
0x86: {  	_ =	shalt  }
0x87: {  	_ =	shalt  }
.Lfunc_end0:
.L_simem_size_0:
called_computation.1_lowered:
.L_overlay_start_0:
0x88: {  	s2 =	sld [smem:$0x3FD9]  }
0x89: {  	s3 =	sld [smem:$0x3FFE];
	_ =	sdelay $0x1  }
0x8a: {  	s1 =	srdreg.scid  }
0x8b: {  	s0 =	sand.u32 $0x1, s1  }
0x8c: {  	s16 =	sshll.u32 s0, $0xA;
	s2 =	sadd.s32 s3, s2  }
0x8d: {  	s2 =	sadd.s32 s2, s16  }
0x8e: {  	[smem:$0x3FC0] =	sst s2  }
0x8f: {  	_ = 	snop  }
0x90: {  	(tm) =	ssettm $0x1  }
0x91: {  	s17 =	sld [smem:$0x3FFB];
	_ =	sdelay $0x3  }
0x92: {  	_ =	strace s17  }
0x93: {  	s2 =	sld [smem:$0x3FFC];
	_ =	sdelay $0x3  }
0x94: {  	_ =	strace s2  }
0x95: {  	s2 =	sld [smem:$0x3FFD];
	_ =	sdelay $0x3  }
0x96: {  	_ =	strace s2  }
0x97: {  	_ =	strace $0x8FFFFFFF  }
0x98: {  	s18 =	sld [smem:$0x3FDB];
	_ =	sdelay $0x1  }
0x99: {  	s19 =	simm.s32 $_scs_section_size  }
0x9a: {  	s4 =	simm.s32 $_size__tile_overlayer_lowered;
	s5 =	simm.s32 $_tile_overlayer_lowered  }
0x9b: {  	s22 =	simm.s32 $0x1BFF;
	s21 =	sshll.u32 s5, $0x1;
	s2 =	sadd.s32 s19, s18  }
0x9c: {  	s6 =	simm.s32 $0x0;
	s20 =	sshll.u32 s4, $0x1;
	s4 =	sadd.s32 s21, s2  }
0x9d: {  	[timem:s6], [sflag:s22] =	dma.local [hbm:s4], s20  }
0x9e: {  	_ =	swait.ge [sflag:s22], s20  }
0x9f: {  	s3 =	ssub.s32 $0x0, s20;
	[sflag:s22] =	ssyncset.done $0x0  }
0xa0: {  	[sflag:s22] =	ssyncadd.s32 s3;
	_ =	sdelay $0x1  }
0xa1: {  	s23 =	simm.s32 $0x1B8B  }
0xa2: {  	_ =	swait.ge [sflag:s23], $0x1  }
0xa3: {  	[sflag:s23] =	ssyncset.done $0x0  }
0xa4: {  	s25 =	simm.s32 $0x1B8E;
	s24 =	sld [smem:$0x3FFE];
	[sflag:s23] =	ssyncadd.s32 $0xFFFFFFFF  }
0xa5: {  	s26 =	simm.s32 $execute0_lowered;
	[smem:$0x3FD2] =	sst s25  }
0xa6: {  	s4 =	sshll.u32 s26, $0x1;
	_ =	strace $0x80000049;
	[dreg:$0x1] =	wrdreg $0xFFFFFFFF  }
0xa7: {  	s28 =	simm.s32 $_size_execute0_lowered;
	s2 =	sadd.s32 s2, s4;
	[dreg:$0x0] =	wrdreg $0x0  }
0xa8: {  	s4 =	sshll.u32 s28, $0x1;
	[dreg:$0x2] =	wrdreg s2  }
0xa9: {  	[dreg:$0x3] =	wrdreg s4  }
0xaa: {  	[dreg:$0x4] =	wrdreg $0xC0  }
0xab: {  	_ =	task [dreg:s6], $0x5FFFF  }
0xac: {  	[dreg:$0x1] =	wrdreg $0xFFFFFFFF  }
0xad: {  	[dreg:$0x0] =	wrdreg $0x60  }
0xae: {  	[dreg:$0x2] =	wrdreg s24  }
0xaf: {  	[dreg:$0x3] =	wrdreg $0xA8000  }
0xb0: {  	[dreg:$0x4] =	wrdreg $0x1E7800  }
0xb1: {  	[dreg:$0x5] =	wrdreg $0x9  }
0xb2: {  	_ =	task.clear_ibuf [dreg:s6], $0x6FFFF;
	_ =	strace $0x90000049  }
0xb3: {  	s29 =	simm.s32 $0x9;
	_ =	strace $0x8000004B  }
0xb4: {  	_ =	swait.ge [sflag:s29], $0x1  }
0xb5: {  	[sflag:s29] =	ssyncadd.s32 $0xFFFFFFFF  }
0xb6: {  	_ =	strace $0x9000004B  }
0xb7: {  	_ =	sfence  }
0xb8: {  	s30 =	sld [smem:$0x0];
	_ =	sdelay $0x2  }
0xb9: {  	s31 =	sshll.u32 s1, $0xD;
	s1 =	sshrl.u32 s1, $0x2  }
0xba: {  	s3 =	sand.u32 $0x4000, s31;
	s1 =	sadd.s32 s1, s30  }
0xbb: {  	s0 =	sor.u32 s3, s0;
	s1 =	sshll.u32 s1, $0x11  }
0xbc: {  	s0 =	sor.u32 s1, s0  }
0xbd: {  	s0 =	sadd.s32 $0x8F2B, s0  }
0xbe: {  	[sflag:s0] =	ssyncadd.remote.s32 $0x1  }
0xbf: {  	_ =	sfence.sel $0xFFFF  }
0xc0: {  	[dreg:$0x0] =	wrdreg $0xFFFFFFFF;
	(pc) =	sbr.abs _section_cstart, $3  }
0xc1: {  	[dreg:$0x1] =	wrdreg $0xFFFFFFFF  }
0xc2: {  	_ =	task.clear_ibuf [dreg:s6], $0x2FFFF;
	_ =	strace $0x9FFFFFFF  }
0xc3: {  	(tm) =	ssettm $0x7FFFFFFF  }
tec
execute0_lowered:
.L_overlay_start_1:
0x0: {  	(tag) =	ssettag $0x1  }
0x1: {  	s0 =	rddreg [dreg:$0x0]  }
0x2: {  	s1 =	rddreg [dreg:$0x1]  }
0x3: {  	s2 =	rddreg [dreg:$0x2];
	s3 =	srdreg.scid;
	s4 =	simm.s32 $0x0  }
0x4: {  	s28 =	simm.s32 $0x6800;
	s29 =	simm.s32 $0x1E680;
	s8 =	sand.u32 $0x1, s3  }
0x5: {  	s30 =	simm.s32 $0x1E700;
	s3 =	stileid.u32;
	s9 =	smul.u32 $0x13C000, s8  }
0x6: {  	s31 =	simm.s32 $0x1;
	[smem:$0x7FF] =	sst s4;
	s10 =	smul.u32 $0x13C00, s3  }
0x7: {  	s11 =	sadd.s32 $0xC200, s0;
	s13 =	sadd.s32 $0x2200, s0;
	s12 =	smul.u32 $0x278, s3  }
0x8: {  	s5 =	sadd.s32 $0x16800, s0;
	s6 =	sadd.s32 $0x16200, s0;
	s14 =	smul.u32 $0x2780, s8  }
0x9: {  	s7 =	sadd.s32 $0x3E000, s0;
	_ =	strace $0x8000004A;
	s16 =	smul.u32 $0x4F000, s3  }
0xa: {  	s23 =	ssub.s32 $0x2, s8;
	s24 =	sshll.u32 s3, $0x1;
	s26 =	smul.u32 $0x2780, s3  }
0xb: {  	p0 =	seq.s32 s8, $0x1;
	s15 =	sshrl.u32 s23, $0x1;
	s9 =	sadd.s32 s10, s9  }
0xc: {  	s22 =	sadd.s32 s12, s14;
	s14 =	ssub.s32 s23, s15;
	s25 =	sshrl.u32 s16, $0x2  }
0xd: {  	s16 =	sadd.s32 s5, s26;
	s9 =	sshrl.u32 s9, $0x3;
	s10 =	sshrl.u32 s22, $0x3  }
0xe: {  	[dreg:$0x4] =	wrdreg s16;
	s22 =	smax.u32 s14, $0x1;
	s9 =	sadd.s32 s9, s0  }
0xf: {  	s0 =	sadd.s32 s10, s0;
	s10 =	sor.u32 s8, s24;
	s8 =	sadd.s32 s25, s1  }
0x10: {  	[dreg:$0x7] =	wrdreg s22;
	s22 =	simm.s32 $0x1E400;
	s18 =	sadd.s32 $0x4000, s8  }
0x11: {  	s19 =	sadd.s32 $0x8000, s8;
	s20 =	sadd.s32 $0xC000, s8;
	s9 =	sadd.s32 $0x3E800, s9  }
0x12: {  	s21 =	sadd.s32 $0x10000, s8;
	s0 =	sadd.s32 $0x8D800, s0;
	[dreg:$0x5] =	wrdreg s9  }
0x13: {  	s17 =	smul.u32 $0x500, s10;
	s10 =	sadd.s32 s12, s2;
	[dreg:$0x6] =	wrdreg s0  }
0x14: {  	s18 =	sshrl.u32 @p0 s18, $0x3;
	s19 =	sshrl.u32 @p0 s19, $0x3;
	s20 =	sshrl.u32 @p0 s20, $0x3  }
0x15: {  	s21 =	sshrl.u32 @p0 s21, $0x3;
	s0 =	simm.s32 $0x2;
	s23 =	sadd.s32 s11, s17  }
0x16: {  	s24 =	sadd.s32 $0x280, s17;
	s25 =	sadd.s32 s13, s17;
	[dreg:$0x8] =	wrdreg s23  }
0x17: {  	s9 =	simm.s32 $0x0;
	[dreg:$0x9] =	wrdreg s25;
	s26 =	sadd.s32 s11, s24  }
0x18: {  	s17 =	sadd.s32 s13, s24;
	s23 =	simm.s32 $0x3;
	s24 =	simm.s32 $0x1400  }
0x19: {  	v0 =	vimm.f32 $0.0e+00;
	s25 =	simm.s32 $0x80;
	[dreg:$0xa] =	wrdreg s26;
	s26 =	simm.s32 $0x2800  }
.LBB2_1:
0x1a: {  	s11 =	sshll.u32 @p0 s3, $0x6  }
0x1b: {  	s12 =	sshrl.u32 @p0 s8, $0x3;
	s11 =	sor.u32 @p0 $0x1C03, s11  }
0x1c: {  	[spmem:s12], [sflag:s11] =	dma.local @p0 [hbm:s7], $0x800  }
0x1d: {  	s12 =	simm.s32 @p0 $0x3  }
0x1e: {  	_ =	swait.ge @p0 [sflag:s12], $0x800  }
0x1f: {  	[sflag:s12] =	ssyncset.done @p0 $0x0  }
0x20: {  	[sflag:s12] =	ssyncadd.s32 @p0 $0xFFFFF800  }
0x21: {  	[spmem:s18], [sflag:s11] =	dma.local @p0 [hbm:s7], $0x800  }
0x22: {  	_ =	swait.ge @p0 [sflag:s12], $0x800  }
0x23: {  	[sflag:s12] =	ssyncset.done @p0 $0x0  }
0x24: {  	[sflag:s12] =	ssyncadd.s32 @p0 $0xFFFFF800  }
0x25: {  	[spmem:s19], [sflag:s11] =	dma.local @p0 [hbm:s7], $0x800  }
0x26: {  	_ =	swait.ge @p0 [sflag:s12], $0x800  }
0x27: {  	[sflag:s12] =	ssyncset.done @p0 $0x0  }
0x28: {  	[sflag:s12] =	ssyncadd.s32 @p0 $0xFFFFF800  }
0x29: {  	[spmem:s20], [sflag:s11] =	dma.local @p0 [hbm:s7], $0x800  }
0x2a: {  	_ =	swait.ge @p0 [sflag:s12], $0x800  }
0x2b: {  	[sflag:s12] =	ssyncset.done @p0 $0x0  }
0x2c: {  	[sflag:s12] =	ssyncadd.s32 @p0 $0xFFFFF800  }
0x2d: {  	[spmem:s21], [sflag:s11] =	dma.local @p0 [hbm:s7], $0x780  }
0x2e: {  	s11 =	sshll.u32 @!p0 s3, $0x6;
	_ =	swait.ge @p0 [sflag:s12], $0x780  }
0x2f: {  	s11 =	sor.u32 @!p0 $0x1C03, s11;
	[sflag:s12] =	ssyncset.done @p0 $0x0  }
0x30: {  	s13 =	rddreg [dreg:$0x4];
	[sflag:s12] =	ssyncadd.s32 @p0 $0xFFFFF880;
	s12 =	sshrl.u32 @!p0 s8, $0x3  }
0x31: {  	[spmem:s12], [sflag:s11] =	dma.local @!p0 [hbm:s13], $0x2780  }
0x32: {  	s11 =	simm.s32 @!p0 $0x3  }
0x33: {  	_ =	swait.ge @!p0 [sflag:s11], $0x2780  }
0x34: {  	[sflag:s11] =	ssyncset.done @!p0 $0x0  }
0x35: {  	[sflag:s11] =	ssyncadd.s32 @!p0 $0xFFFFD880  }
0x36: {  	[tilespmem:$0x1E400] =	vst v0  }
0x37: {  	[tilespmem:$0x1E410] =	vst v0  }
0x38: {  	[tilespmem:$0x1E420] =	vst v0  }
0x39: {  	[tilespmem:$0x1E430] =	vst v0  }
0x3a: {  	[tilespmem:$0x1E440] =	vst v0  }
0x3b: {  	[tilespmem:$0x1E450] =	vst v0  }
0x3c: {  	[tilespmem:$0x1E460] =	vst v0  }
0x3d: {  	[tilespmem:$0x1E470] =	vst v0  }
0x3e: {  	[tilespmem:$0x1E480] =	vst v0  }
0x3f: {  	[tilespmem:$0x1E490] =	vst v0  }
0x40: {  	[tilespmem:$0x1E4A0] =	vst v0  }
0x41: {  	[tilespmem:$0x1E4B0] =	vst v0  }
0x42: {  	[tilespmem:$0x1E4C0] =	vst v0  }
0x43: {  	[tilespmem:$0x1E4D0] =	vst v0  }
0x44: {  	[tilespmem:$0x1E4E0] =	vst v0  }
0x45: {  	[tilespmem:$0x1E4F0] =	vst v0  }
0x46: {  	[tilespmem:$0x1E500] =	vst v0  }
0x47: {  	[tilespmem:$0x1E510] =	vst v0  }
0x48: {  	[tilespmem:$0x1E520] =	vst v0  }
0x49: {  	[tilespmem:$0x1E530] =	vst v0  }
0x4a: {  	[tilespmem:$0x1E540] =	vst v0  }
0x4b: {  	[tilespmem:$0x1E550] =	vst v0  }
0x4c: {  	[tilespmem:$0x1E560] =	vst v0  }
0x4d: {  	[tilespmem:$0x1E570] =	vst v0  }
0x4e: {  	[tilespmem:$0x1E580] =	vst v0  }
0x4f: {  	[tilespmem:$0x1E590] =	vst v0  }
0x50: {  	[tilespmem:$0x1E5A0] =	vst v0  }
0x51: {  	[tilespmem:$0x1E5B0] =	vst v0  }
0x52: {  	[tilespmem:$0x1E5C0] =	vst v0  }
0x53: {  	[tilespmem:$0x1E5D0] =	vst v0  }
0x54: {  	[tilespmem:$0x1E5E0] =	vst v0  }
0x55: {  	[tilespmem:$0x1E5F0] =	vst v0  }
0x56: {  	[tilespmem:$0x1E600] =	vst v0  }
0x57: {  	[tilespmem:$0x1E610] =	vst v0  }
0x58: {  	[tilespmem:$0x1E620] =	vst v0  }
0x59: {  	[tilespmem:$0x1E630] =	vst v0  }
0x5a: {  	[tilespmem:$0x1E640] =	vst v0  }
0x5b: {  	[tilespmem:$0x1E650] =	vst v0  }
0x5c: {  	[tilespmem:$0x1E660] =	vst v0  }
0x5d: {  	[tilespmem:$0x1E670] =	vst v0  }
0x5e: {  	[spmem:s10] =	stream.linear.scatter [tilespmem:s22], [sflag:$0x3], $0x278, $0x38;
	[tilespmem:$0x1E9F8] =	vst v63  }
0x5f: {  	_ =	swait.ge [sflag:s23], $0x278  }
0x60: {  	[sflag:s23] =	ssyncset.done $0x0  }
0x61: {  	[sflag:s23] =	ssyncadd.s32 $0xFFFFFD88  }
0x62: {  	[bflag:$0x0] =	sbarrier.arrive $0xFFFF  }
0x63: {  	s15 =	rddreg [dreg:$0x8]  }
0x64: {  	[tilespmem:s4], [sflag:$0x3] =	stream.linear.gather [hbm4b:s15+s4], $0x1400, $0x38;
	[tilespmem:$0x1E9F8] =	vst v63  }
0x65: {  	_ =	swait.ge [sflag:s23], $0x1400  }
0x66: {  	[sflag:s23] =	ssyncset.done $0x0  }
0x67: {  	s16 =	rddreg [dreg:$0x9];
	[sflag:s23] =	ssyncadd.s32 $0xFFFFEC00  }
0x68: {  	[tilespmem:s24], [sflag:$0x3] =	stream.linear.gather [hbm4b:s16+s4], $0x1400, $0x38;
	[tilespmem:$0x1E9F8] =	vst v63  }
0x69: {  	_ =	swait.ge [sflag:s23], $0x1400  }
0x6a: {  	[sflag:s23] =	ssyncset.done $0x0  }
0x6b: {  	s12 =	simm.s32 $0x0;
	[sflag:s23] =	ssyncadd.s32 $0xFFFFEC00  }
0x6c: {  	[tilespmem:s26], [sflag:$0x1] =	stream.indirect.gather [hbm4b:s5+s25], $0x80, s12, s25, $0xb8;
	[tilespmem:$0x1E9F8] =	vst v63  }
0x6d: {  	s15 =	simm.s32 $0x80  }
0x6e: {  	[tilespmem:s28], [sflag:$0x1] =	stream.indirect.gather [hbm4b:s5+s25], $0x80, s15, s25, $0xb8;
	[tilespmem:$0x1E9F8] =	vst v63  }
0x6f: {  	s16 =	simm.s32 $0x1400  }
0x70: {  	[tilespmem:s29], [sflag:$0x1] =	stream.indirect.gather [hbm4b:s6+s25], $0x1, s16, s25, $0xb8;
	[tilespmem:$0x1E9F8] =	vst v63  }
0x71: {  	s14 =	simm.s32 $0x1480  }
0x72: {  	[tilespmem:s30], [sflag:$0x1] =	stream.indirect.gather [hbm4b:s6+s25], $0x1, s14, s25, $0xb8;
	[tilespmem:$0x1E9F8] =	vst v63  }
0x73: {  	_ =	swait.ge [sflag:s31], $0x4000  }
0x74: {  	[sflag:s31] =	ssyncset.done $0x0  }
0x75: {  	[sflag:s31] =	ssyncadd.s32 $0xFFFFC000  }
0x76: {  	[spmem:s1] =	stream.indirect.scatter.add.f32 [tilespmem:s26], [sflag:$0x2], $0x80, s16, s25, $0xb8;
	[tilespmem:$0x1E9F8] =	vst v63  }
0x77: {  	_ =	swait.ge [sflag:s31], $0x4000  }
0x78: {  	[sflag:s31] =	ssyncset.done $0x0  }
0x79: {  	[sflag:s31] =	ssyncadd.s32 $0xFFFFC000  }
0x7a: {  	[spmem:s1] =	stream.indirect.scatter.add.f32 [tilespmem:s28], [sflag:$0x2], $0x80, s14, s25, $0xb8;
	[tilespmem:$0x1E9F8] =	vst v63  }
0x7b: {  	_ =	swait.ge [sflag:s31], $0x80  }
0x7c: {  	[sflag:s31] =	ssyncset.done $0x0  }
0x7d: {  	[sflag:s31] =	ssyncadd.s32 $0xFFFFFF80  }
0x7e: {  	[spmem:s2] =	stream.indirect.scatter.add.f32 [tilespmem:s29], [sflag:$0x2], $0x1, s12, s25, $0xb8;
	[tilespmem:$0x1E9F8] =	vst v63  }
0x7f: {  	_ =	swait.ge [sflag:s31], $0x80  }
0x80: {  	[sflag:s31] =	ssyncset.done $0x0  }
0x81: {  	[sflag:s31] =	ssyncadd.s32 $0xFFFFFF80  }
0x82: {  	[spmem:s2] =	stream.indirect.scatter.add.f32 [tilespmem:s30], [sflag:$0x2], $0x1, s15, s25, $0xb8;
	[tilespmem:$0x1E9F8] =	vst v63  }
0x83: {  	_ =	swait.ge [sflag:s0], $0x4000  }
0x84: {  	[sflag:s0] =	ssyncset.done $0x0  }
0x85: {  	[sflag:s0] =	ssyncadd.s32 $0xFFFFC000  }
0x86: {  	_ =	swait.ge [sflag:s0], $0x4000  }
0x87: {  	[sflag:s0] =	ssyncset.done $0x0  }
0x88: {  	[sflag:s0] =	ssyncadd.s32 $0xFFFFC000  }
0x89: {  	_ =	swait.ge [sflag:s0], $0x80  }
0x8a: {  	[sflag:s0] =	ssyncset.done $0x0  }
0x8b: {  	[sflag:s0] =	ssyncadd.s32 $0xFFFFFF80  }
0x8c: {  	_ =	swait.ge [sflag:s0], $0x80  }
0x8d: {  	s11 =	simm.s32 $0x400;
	s12 =	simm.s32 $0x800;
	[sflag:s0] =	ssyncset.done $0x0  }
.LBB2_2:
0x8e: {  	s14 =	sshra.s32 s11, $0x2  }
0x8f: {  	[sflag:s0] =	ssyncadd.s32 $0xFFFFFF80;
	s11 =	smov.u32 s12;
	s13 =	sadd.s32 $0x400, s12  }
0x90: {  	[tilespmem:s26], [sflag:$0x1] =	stream.indirect.gather [hbm4b:s5+s25], $0x80, s14, s25, $0xb8;
	[tilespmem:$0x1E9F8] =	vst v63  }
0x91: {  	p1 =	sne.s32 s12, $0x4C00;
	s12 =	sadd.s32 $0x80, s14  }
0x92: {  	[tilespmem:s28], [sflag:$0x1] =	stream.indirect.gather [hbm4b:s5+s25], $0x80, s12, s25, $0xb8;
	[tilespmem:$0x1E9F8] =	vst v63  }
0x93: {  	s15 =	sadd.s32 $0x1400, s14  }
0x94: {  	[tilespmem:s29], [sflag:$0x1] =	stream.indirect.gather [hbm4b:s6+s25], $0x1, s15, s25, $0xb8;
	[tilespmem:$0x1E9F8] =	vst v63  }
0x95: {  	s16 =	sadd.s32 $0x1480, s14  }
0x96: {  	[tilespmem:s30], [sflag:$0x1] =	stream.indirect.gather [hbm4b:s6+s25], $0x1, s16, s25, $0xb8;
	[tilespmem:$0x1E9F8] =	vst v63  }
0x97: {  	_ =	swait.ge [sflag:s31], $0x4000  }
0x98: {  	[sflag:s31] =	ssyncset.done $0x0  }
0x99: {  	[sflag:s31] =	ssyncadd.s32 $0xFFFFC000  }
0x9a: {  	[spmem:s1] =	stream.indirect.scatter.add.f32 [tilespmem:s26], [sflag:$0x2], $0x80, s15, s25, $0xb8;
	[tilespmem:$0x1E9F8] =	vst v63  }
0x9b: {  	_ =	swait.ge [sflag:s31], $0x4000  }
0x9c: {  	[sflag:s31] =	ssyncset.done $0x0  }
0x9d: {  	[sflag:s31] =	ssyncadd.s32 $0xFFFFC000  }
0x9e: {  	[spmem:s1] =	stream.indirect.scatter.add.f32 [tilespmem:s28], [sflag:$0x2], $0x80, s16, s25, $0xb8;
	[tilespmem:$0x1E9F8] =	vst v63  }
0x9f: {  	_ =	swait.ge [sflag:s31], $0x80  }
0xa0: {  	[sflag:s31] =	ssyncset.done $0x0  }
0xa1: {  	[sflag:s31] =	ssyncadd.s32 $0xFFFFFF80  }
0xa2: {  	[spmem:s2] =	stream.indirect.scatter.add.f32 [tilespmem:s29], [sflag:$0x2], $0x1, s14, s25, $0xb8;
	[tilespmem:$0x1E9F8] =	vst v63  }
0xa3: {  	_ =	swait.ge [sflag:s31], $0x80  }
0xa4: {  	[sflag:s31] =	ssyncset.done $0x0  }
0xa5: {  	[sflag:s31] =	ssyncadd.s32 $0xFFFFFF80  }
0xa6: {  	[spmem:s2] =	stream.indirect.scatter.add.f32 [tilespmem:s30], [sflag:$0x2], $0x1, s12, s25, $0xb8;
	[tilespmem:$0x1E9F8] =	vst v63  }
0xa7: {  	_ =	swait.ge [sflag:s0], $0x4000  }
0xa8: {  	[sflag:s0] =	ssyncset.done $0x0  }
0xa9: {  	[sflag:s0] =	ssyncadd.s32 $0xFFFFC000  }
0xaa: {  	_ =	swait.ge [sflag:s0], $0x4000  }
0xab: {  	[sflag:s0] =	ssyncset.done $0x0  }
0xac: {  	[sflag:s0] =	ssyncadd.s32 $0xFFFFC000  }
.Ltmp0:
0xad: {  	_ =	swait.ge [sflag:s0], $0x80;
	(pc) =	sbr.rel @p1 .LBB2_2-.Ltmp0, $4  }
0xae: {  	[sflag:s0] =	ssyncset.done $0x0  }
0xaf: {  	[sflag:s0] =	ssyncadd.s32 $0xFFFFFF80  }
0xb0: {  	_ =	swait.ge [sflag:s0], $0x80  }
0xb1: {  	s12 =	smov.u32 s13;
	[sflag:s0] =	ssyncset.done $0x0  }
0xb2: {  	s11 =	sshra.s32 s11, $0x2;
	[sflag:s0] =	ssyncadd.s32 $0xFFFFFF80  }
0xb3: {  	[tilespmem:s26], [sflag:$0x1] =	stream.indirect.gather [hbm4b:s5+s25], $0x80, s11, s25, $0xb8;
	[tilespmem:$0x1E9F8] =	vst v63  }
0xb4: {  	s12 =	sadd.s32 $0x80, s11  }
0xb5: {  	[tilespmem:s28], [sflag:$0x1] =	stream.indirect.gather [hbm4b:s5+s25], $0x80, s12, s25, $0xb8;
	[tilespmem:$0x1E9F8] =	vst v63  }
0xb6: {  	s13 =	sadd.s32 $0x1400, s11  }
0xb7: {  	[tilespmem:s29], [sflag:$0x1] =	stream.indirect.gather [hbm4b:s6+s25], $0x1, s13, s25, $0xb8;
	[tilespmem:$0x1E9F8] =	vst v63  }
0xb8: {  	s14 =	sadd.s32 $0x1480, s11  }
0xb9: {  	[tilespmem:s30], [sflag:$0x1] =	stream.indirect.gather [hbm4b:s6+s25], $0x1, s14, s25, $0xb8;
	[tilespmem:$0x1E9F8] =	vst v63  }
0xba: {  	_ =	swait.ge [sflag:s31], $0x4000  }
0xbb: {  	[sflag:s31] =	ssyncset.done $0x0  }
0xbc: {  	[sflag:s31] =	ssyncadd.s32 $0xFFFFC000  }
0xbd: {  	[spmem:s1] =	stream.indirect.scatter.add.f32 [tilespmem:s26], [sflag:$0x2], $0x80, s13, s25, $0xb8;
	[tilespmem:$0x1E9F8] =	vst v63  }
0xbe: {  	_ =	swait.ge [sflag:s31], $0x4000  }
0xbf: {  	[sflag:s31] =	ssyncset.done $0x0  }
0xc0: {  	[sflag:s31] =	ssyncadd.s32 $0xFFFFC000  }
0xc1: {  	[spmem:s1] =	stream.indirect.scatter.add.f32 [tilespmem:s28], [sflag:$0x2], $0x80, s14, s25, $0xb8;
	[tilespmem:$0x1E9F8] =	vst v63  }
0xc2: {  	_ =	swait.ge [sflag:s31], $0x80  }
0xc3: {  	[sflag:s31] =	ssyncset.done $0x0  }
0xc4: {  	[sflag:s31] =	ssyncadd.s32 $0xFFFFFF80  }
0xc5: {  	[spmem:s2] =	stream.indirect.scatter.add.f32 [tilespmem:s29], [sflag:$0x2], $0x1, s11, s25, $0xb8;
	[tilespmem:$0x1E9F8] =	vst v63  }
0xc6: {  	_ =	swait.ge [sflag:s31], $0x80  }
0xc7: {  	[sflag:s31] =	ssyncset.done $0x0  }
0xc8: {  	[sflag:s31] =	ssyncadd.s32 $0xFFFFFF80  }
0xc9: {  	[spmem:s2] =	stream.indirect.scatter.add.f32 [tilespmem:s30], [sflag:$0x2], $0x1, s12, s25, $0xb8;
	[tilespmem:$0x1E9F8] =	vst v63  }
0xca: {  	_ =	swait.ge [sflag:s0], $0x4000  }
0xcb: {  	[sflag:s0] =	ssyncset.done $0x0  }
0xcc: {  	[sflag:s0] =	ssyncadd.s32 $0xFFFFC000  }
0xcd: {  	_ =	swait.ge [sflag:s0], $0x4000  }
0xce: {  	[sflag:s0] =	ssyncset.done $0x0  }
0xcf: {  	[sflag:s0] =	ssyncadd.s32 $0xFFFFC000  }
0xd0: {  	_ =	swait.ge [sflag:s0], $0x80  }
0xd1: {  	[sflag:s0] =	ssyncset.done $0x0  }
0xd2: {  	[sflag:s0] =	ssyncadd.s32 $0xFFFFFF80  }
0xd3: {  	_ =	swait.ge [sflag:s0], $0x80  }
0xd4: {  	[sflag:s0] =	ssyncset.done $0x0  }
0xd5: {  	s13 =	simm.s32 $0x0;
	s14 =	rddreg [dreg:$0xa];
	[sflag:s0] =	ssyncadd.s32 $0xFFFFFF80  }
0xd6: {  	[tilespmem:s13], [sflag:$0x3] =	stream.linear.gather [hbm4b:s14+s13], $0x1400, $0x38;
	[tilespmem:$0x1E9F8] =	vst v63  }
0xd7: {  	_ =	swait.ge [sflag:s23], $0x1400  }
0xd8: {  	[sflag:s23] =	ssyncset.done $0x0  }
0xd9: {  	[sflag:s23] =	ssyncadd.s32 $0xFFFFEC00  }
0xda: {  	[tilespmem:s24], [sflag:$0x3] =	stream.linear.gather [hbm4b:s17+s13], $0x1400, $0x38;
	[tilespmem:$0x1E9F8] =	vst v63  }
0xdb: {  	_ =	swait.ge [sflag:s23], $0x1400  }
0xdc: {  	[sflag:s23] =	ssyncset.done $0x0  }
0xdd: {  	s11 =	simm.s32 $0x0;
	[sflag:s23] =	ssyncadd.s32 $0xFFFFEC00  }
0xde: {  	[tilespmem:s26], [sflag:$0x1] =	stream.indirect.gather [hbm4b:s5+s25], $0x80, s11, s25, $0xb8;
	[tilespmem:$0x1E9F8] =	vst v63  }
0xdf: {  	s12 =	simm.s32 $0x80  }
0xe0: {  	[tilespmem:s28], [sflag:$0x1] =	stream.indirect.gather [hbm4b:s5+s25], $0x80, s12, s25, $0xb8;
	[tilespmem:$0x1E9F8] =	vst v63  }
0xe1: {  	s15 =	simm.s32 $0x1400  }
0xe2: {  	[tilespmem:s29], [sflag:$0x1] =	stream.indirect.gather [hbm4b:s6+s25], $0x1, s15, s25, $0xb8;
	[tilespmem:$0x1E9F8] =	vst v63  }
0xe3: {  	s16 =	simm.s32 $0x1480  }
0xe4: {  	[tilespmem:s30], [sflag:$0x1] =	stream.indirect.gather [hbm4b:s6+s25], $0x1, s16, s25, $0xb8;
	[tilespmem:$0x1E9F8] =	vst v63  }
0xe5: {  	_ =	swait.ge [sflag:s31], $0x4000  }
0xe6: {  	[sflag:s31] =	ssyncset.done $0x0  }
0xe7: {  	[sflag:s31] =	ssyncadd.s32 $0xFFFFC000  }
0xe8: {  	[spmem:s1] =	stream.indirect.scatter.add.f32 [tilespmem:s26], [sflag:$0x2], $0x80, s15, s25, $0xb8;
	[tilespmem:$0x1E9F8] =	vst v63  }
0xe9: {  	_ =	swait.ge [sflag:s31], $0x4000  }
0xea: {  	[sflag:s31] =	ssyncset.done $0x0  }
0xeb: {  	[sflag:s31] =	ssyncadd.s32 $0xFFFFC000  }
0xec: {  	[spmem:s1] =	stream.indirect.scatter.add.f32 [tilespmem:s28], [sflag:$0x2], $0x80, s16, s25, $0xb8;
	[tilespmem:$0x1E9F8] =	vst v63  }
0xed: {  	_ =	swait.ge [sflag:s31], $0x80  }
0xee: {  	[sflag:s31] =	ssyncset.done $0x0  }
0xef: {  	[sflag:s31] =	ssyncadd.s32 $0xFFFFFF80  }
0xf0: {  	[spmem:s2] =	stream.indirect.scatter.add.f32 [tilespmem:s29], [sflag:$0x2], $0x1, s11, s25, $0xb8;
	[tilespmem:$0x1E9F8] =	vst v63  }
0xf1: {  	_ =	swait.ge [sflag:s31], $0x80  }
0xf2: {  	[sflag:s31] =	ssyncset.done $0x0  }
0xf3: {  	[sflag:s31] =	ssyncadd.s32 $0xFFFFFF80  }
0xf4: {  	[spmem:s2] =	stream.indirect.scatter.add.f32 [tilespmem:s30], [sflag:$0x2], $0x1, s12, s25, $0xb8;
	[tilespmem:$0x1E9F8] =	vst v63  }
0xf5: {  	_ =	swait.ge [sflag:s0], $0x4000  }
0xf6: {  	[sflag:s0] =	ssyncset.done $0x0  }
0xf7: {  	[sflag:s0] =	ssyncadd.s32 $0xFFFFC000  }
0xf8: {  	_ =	swait.ge [sflag:s0], $0x4000  }
0xf9: {  	[sflag:s0] =	ssyncset.done $0x0  }
0xfa: {  	[sflag:s0] =	ssyncadd.s32 $0xFFFFC000  }
0xfb: {  	_ =	swait.ge [sflag:s0], $0x80  }
0xfc: {  	[sflag:s0] =	ssyncset.done $0x0  }
0xfd: {  	[sflag:s0] =	ssyncadd.s32 $0xFFFFFF80  }
0xfe: {  	_ =	swait.ge [sflag:s0], $0x80  }
0xff: {  	s13 =	simm.s32 $0x800;
	s11 =	simm.s32 $0x400;
	[sflag:s0] =	ssyncset.done $0x0  }
.LBB2_4:
0x100: {  	s14 =	sshra.s32 s11, $0x2  }
0x101: {  	[sflag:s0] =	ssyncadd.s32 $0xFFFFFF80;
	s11 =	smov.u32 s13;
	s12 =	sadd.s32 $0x400, s13  }
0x102: {  	[tilespmem:s26], [sflag:$0x1] =	stream.indirect.gather [hbm4b:s5+s25], $0x80, s14, s25, $0xb8;
	[tilespmem:$0x1E9F8] =	vst v63  }
0x103: {  	p1 =	sne.s32 s13, $0x4C00;
	s13 =	sadd.s32 $0x80, s14  }
0x104: {  	[tilespmem:s28], [sflag:$0x1] =	stream.indirect.gather [hbm4b:s5+s25], $0x80, s13, s25, $0xb8;
	[tilespmem:$0x1E9F8] =	vst v63  }
0x105: {  	s15 =	sadd.s32 $0x1400, s14  }
0x106: {  	[tilespmem:s29], [sflag:$0x1] =	stream.indirect.gather [hbm4b:s6+s25], $0x1, s15, s25, $0xb8;
	[tilespmem:$0x1E9F8] =	vst v63  }
0x107: {  	s16 =	sadd.s32 $0x1480, s14  }
0x108: {  	[tilespmem:s30], [sflag:$0x1] =	stream.indirect.gather [hbm4b:s6+s25], $0x1, s16, s25, $0xb8;
	[tilespmem:$0x1E9F8] =	vst v63  }
0x109: {  	_ =	swait.ge [sflag:s31], $0x4000  }
0x10a: {  	[sflag:s31] =	ssyncset.done $0x0  }
0x10b: {  	[sflag:s31] =	ssyncadd.s32 $0xFFFFC000  }
0x10c: {  	[spmem:s1] =	stream.indirect.scatter.add.f32 [tilespmem:s26], [sflag:$0x2], $0x80, s15, s25, $0xb8;
	[tilespmem:$0x1E9F8] =	vst v63  }
0x10d: {  	_ =	swait.ge [sflag:s31], $0x4000  }
0x10e: {  	[sflag:s31] =	ssyncset.done $0x0  }
0x10f: {  	[sflag:s31] =	ssyncadd.s32 $0xFFFFC000  }
0x110: {  	[spmem:s1] =	stream.indirect.scatter.add.f32 [tilespmem:s28], [sflag:$0x2], $0x80, s16, s25, $0xb8;
	[tilespmem:$0x1E9F8] =	vst v63  }
0x111: {  	_ =	swait.ge [sflag:s31], $0x80  }
0x112: {  	[sflag:s31] =	ssyncset.done $0x0  }
0x113: {  	[sflag:s31] =	ssyncadd.s32 $0xFFFFFF80  }
0x114: {  	[spmem:s2] =	stream.indirect.scatter.add.f32 [tilespmem:s29], [sflag:$0x2], $0x1, s14, s25, $0xb8;
	[tilespmem:$0x1E9F8] =	vst v63  }
0x115: {  	_ =	swait.ge [sflag:s31], $0x80  }
0x116: {  	[sflag:s31] =	ssyncset.done $0x0  }
0x117: {  	[sflag:s31] =	ssyncadd.s32 $0xFFFFFF80  }
0x118: {  	[spmem:s2] =	stream.indirect.scatter.add.f32 [tilespmem:s30], [sflag:$0x2], $0x1, s13, s25, $0xb8;
	[tilespmem:$0x1E9F8] =	vst v63  }
0x119: {  	_ =	swait.ge [sflag:s0], $0x4000  }
0x11a: {  	[sflag:s0] =	ssyncset.done $0x0  }
0x11b: {  	[sflag:s0] =	ssyncadd.s32 $0xFFFFC000  }
0x11c: {  	_ =	swait.ge [sflag:s0], $0x4000  }
0x11d: {  	[sflag:s0] =	ssyncset.done $0x0  }
0x11e: {  	[sflag:s0] =	ssyncadd.s32 $0xFFFFC000  }
.Ltmp1:
0x11f: {  	_ =	swait.ge [sflag:s0], $0x80;
	(pc) =	sbr.rel @p1 .LBB2_4-.Ltmp1, $4  }
0x120: {  	[sflag:s0] =	ssyncset.done $0x0  }
0x121: {  	[sflag:s0] =	ssyncadd.s32 $0xFFFFFF80  }
0x122: {  	_ =	swait.ge [sflag:s0], $0x80  }
0x123: {  	s13 =	smov.u32 s12;
	[sflag:s0] =	ssyncset.done $0x0  }
0x124: {  	s11 =	sshra.s32 s11, $0x2;
	[sflag:s0] =	ssyncadd.s32 $0xFFFFFF80  }
0x125: {  	[tilespmem:s26], [sflag:$0x1] =	stream.indirect.gather [hbm4b:s5+s25], $0x80, s11, s25, $0xb8;
	[tilespmem:$0x1E9F8] =	vst v63  }
0x126: {  	s12 =	sadd.s32 $0x80, s11  }
0x127: {  	[tilespmem:s28], [sflag:$0x1] =	stream.indirect.gather [hbm4b:s5+s25], $0x80, s12, s25, $0xb8;
	[tilespmem:$0x1E9F8] =	vst v63  }
0x128: {  	s13 =	sadd.s32 $0x1400, s11  }
0x129: {  	[tilespmem:s29], [sflag:$0x1] =	stream.indirect.gather [hbm4b:s6+s25], $0x1, s13, s25, $0xb8;
	[tilespmem:$0x1E9F8] =	vst v63  }
0x12a: {  	s14 =	sadd.s32 $0x1480, s11  }
0x12b: {  	[tilespmem:s30], [sflag:$0x1] =	stream.indirect.gather [hbm4b:s6+s25], $0x1, s14, s25, $0xb8;
	[tilespmem:$0x1E9F8] =	vst v63  }
0x12c: {  	_ =	swait.ge [sflag:s31], $0x4000  }
0x12d: {  	[sflag:s31] =	ssyncset.done $0x0  }
0x12e: {  	[sflag:s31] =	ssyncadd.s32 $0xFFFFC000  }
0x12f: {  	[spmem:s1] =	stream.indirect.scatter.add.f32 [tilespmem:s26], [sflag:$0x2], $0x80, s13, s25, $0xb8;
	[tilespmem:$0x1E9F8] =	vst v63  }
0x130: {  	_ =	swait.ge [sflag:s31], $0x4000  }
0x131: {  	[sflag:s31] =	ssyncset.done $0x0  }
0x132: {  	[sflag:s31] =	ssyncadd.s32 $0xFFFFC000  }
0x133: {  	[spmem:s1] =	stream.indirect.scatter.add.f32 [tilespmem:s28], [sflag:$0x2], $0x80, s14, s25, $0xb8;
	[tilespmem:$0x1E9F8] =	vst v63  }
0x134: {  	_ =	swait.ge [sflag:s31], $0x80  }
0x135: {  	[sflag:s31] =	ssyncset.done $0x0  }
0x136: {  	[sflag:s31] =	ssyncadd.s32 $0xFFFFFF80  }
0x137: {  	[spmem:s2] =	stream.indirect.scatter.add.f32 [tilespmem:s29], [sflag:$0x2], $0x1, s11, s25, $0xb8;
	[tilespmem:$0x1E9F8] =	vst v63  }
0x138: {  	_ =	swait.ge [sflag:s31], $0x80  }
0x139: {  	[sflag:s31] =	ssyncset.done $0x0  }
0x13a: {  	[sflag:s31] =	ssyncadd.s32 $0xFFFFFF80  }
0x13b: {  	[spmem:s2] =	stream.indirect.scatter.add.f32 [tilespmem:s30], [sflag:$0x2], $0x1, s12, s25, $0xb8;
	[tilespmem:$0x1E9F8] =	vst v63  }
0x13c: {  	_ =	swait.ge [sflag:s0], $0x4000  }
0x13d: {  	[sflag:s0] =	ssyncset.done $0x0  }
0x13e: {  	[sflag:s0] =	ssyncadd.s32 $0xFFFFC000  }
0x13f: {  	_ =	swait.ge [sflag:s0], $0x4000  }
0x140: {  	[sflag:s0] =	ssyncset.done $0x0  }
0x141: {  	[sflag:s0] =	ssyncadd.s32 $0xFFFFC000  }
0x142: {  	_ =	swait.ge [sflag:s0], $0x80  }
0x143: {  	[sflag:s0] =	ssyncset.done $0x0  }
0x144: {  	[sflag:s0] =	ssyncadd.s32 $0xFFFFFF80  }
0x145: {  	_ =	swait.ge [sflag:s0], $0x80  }
0x146: {  	[sflag:s0] =	ssyncset.done $0x0  }
0x147: {  	[sflag:s0] =	ssyncadd.s32 $0xFFFFFF80  }
0x148: {  	s12 =	sshll.u32 s3, $0x6;
	[bflag:$0x0] =	sbarrier.arrive $0xFFFF  }
0x149: {  	s13 =	sshrl.u32 s8, $0x3;
	s11 =	sor.u32 $0x1C03, s12;
	s14 =	rddreg [dreg:$0x5]  }
0x14a: {  	[hbm:s14], [sflag:s11] =	dma.local [spmem:s13], $0x2780  }
0x14b: {  	_ =	swait.ge [sflag:s23], $0x2780  }
0x14c: {  	[sflag:s23] =	ssyncset.done $0x0  }
0x14d: {  	[sflag:s23] =	ssyncadd.s32 $0xFFFFD880  }
0x14e: {  	[tilespmem:s22], [sflag:$0x3] =	stream.linear.gather [spmem:s10], $0x278, $0x38;
	[tilespmem:$0x1E9F8] =	vst v63  }
0x14f: {  	_ =	swait.ge [sflag:s23], $0x278  }
0x150: {  	[sflag:s23] =	ssyncset.done $0x0  }
0x151: {  	s15 =	rddreg [dreg:$0x6];
	[sflag:s23] =	ssyncadd.s32 $0xFFFFFD88  }
0x152: {  	[hbm4b:s15+s4] =	stream.linear.scatter [tilespmem:s22], [sflag:$0x3], $0x278, $0x38;
	[tilespmem:$0x1E9F8] =	vst v63  }
0x153: {  	_ =	swait.ge [sflag:s23], $0x278  }
0x154: {  	s9 =	sadd.s32 $0x1, s9;
	s16 =	rddreg [dreg:$0x7]  }
0x155: {  	p1 =	sne.s32 s9, s16  }
.Ltmp2:
0x156: {  	_ = 	snop;
	(pc) =	sbr.rel @p1 .LBB2_1-.Ltmp2, $3  }
0x157: {  	_ =	sdelay $0x1  }
0x158: {  	[sflag:s23] =	ssyncset.done $0x0  }
0x159: {  	[sflag:s23] =	ssyncadd.s32 $0xFFFFFD88  }
0x15a: {  	_ =	sfence.sel $0x180000  }
0x15b: {  	[bflag:$0x0] =	sbarrier.arrive $0xFFFF  }
0x15c: {  	_ =	strace $0x9000004A  }
0x15d: {  	[bflag:$0x2] =	sbarrier.arrive $0xFFFF  }
0x15e: {  	p0 =	sne.s32 s3, $0x0;
	s0 =	rddreg [dreg:$0x3]  }
0x15f: {  	s0 =	sadd.s32 @!p0 $0x100000, s0  }
0x160: {  	[sflag:s0] =	ssyncadd.tile.s32 @!p0 $0x1;
	_ =	shalt  }
.Lfunc_end2:
_tile_overlayer_lowered:
.L_overlay_start_2:
0x161: {  	(tag) =	ssettag $0x2  }
0x162: {  	s0 =	rddreg [dreg:$0x0];
	s2 =	stileid.u32  }
0x163: {  	s1 =	rddreg [dreg:$0x1];
	p0 =	sne.s32 s2, $0x0  }
0x164: {  	s3 =	rddreg [dreg:$0x2];
	[bflag:$0x3] =	sbarrier.arrive $0xFFFF;
	s2 =	simm.s32 @!p0 $0x1C03  }
0x165: {  	[timem:s3], [sflag:s2] =	dma.local @!p0 [hbm:s0], s1  }
0x166: {  	s0 =	simm.s32 @!p0 $0x3  }
0x167: {  	_ =	swait.ge @!p0 [sflag:s0], s1  }
0x168: {  	s1 =	ssub.s32 @!p0 $0x0, s1;
	[sflag:s0] =	ssyncset.done @!p0 $0x0  }
0x169: {  	[sflag:s0] =	ssyncadd.s32 @!p0 s1  }
0x16a: {  	[bflag:$0x3] =	sbarrier.arrive $0xFFFF  }
0x16b: {  	_ =	shalt  }

// kernel: kernel.15.cloned.1.call-start
scs
__scs_entry_jumppad:
0x0: {  	(pc) =	sbr.rel $0x88, $3  }
0x1: {  	(tag) =	ssettag $0x0;
	lr =	simm.s32 $0x1  }
0x2: {  	[smem:$0x3F99] =	sst lr;
	_ =	strace $0xD0000000  }
0x3: {  	_ = 	snop  }
0x4: {  	_ = 	snop  }
0x5: {  	_ = 	snop  }
0x6: {  	_ = 	snop  }
0x7: {  	_ = 	snop  }
__scs_overlays_trampoline_lowered:
0x8: {  	[smem:$0x3FA8] =	sst s0  }
0x9: {  	[smem:$0x3FA9] =	sst s1  }
0xa: {  	[smem:$0x3FAA] =	sst s2  }
0xb: {  	[smem:$0x3FAB] =	sst s3  }
0xc: {  	[smem:$0x3FAC] =	sst s4  }
0xd: {  	[smem:$0x3FAD] =	sst s5  }
0xe: {  	[smem:$0x3FAE] =	sst s6  }
0xf: {  	[smem:$0x3FAF] =	sst s7  }
0x10: {  	[smem:$0x3FB0] =	sst s8  }
0x11: {  	[smem:$0x3FB1] =	sst s9;
	s0 =	simm.s32 @!p0 $0x0  }
0x12: {  	s1 =	sld [smem:$0x3F97];
	s0 =	simm.s32 @p0 $0x1  }
0x13: {  	[smem:$0x3FB2] =	sst s0;
	s0 =	simm.s32 @!p1 $0x0  }
0x14: {  	s2 =	sld [smem:$0x3F96];
	s0 =	simm.s32 @p1 $0x1  }
0x15: {  	[smem:$0x3FB3] =	sst s0;
	s0 =	simm.s32 @!p2 $0x0  }
0x16: {  	s3 =	sld [smem:$0x3FDB];
	s0 =	simm.s32 @p2 $0x1  }
0x17: {  	s4 =	simm.s32 $0x1BF5;
	[smem:$0x3FB5] =	sst s0  }
0x18: {  	s0 =	sld [smem:$0x3F98];
	_ =	swait.ge [sflag:s4], $0x0  }
0x19: {  	s7 =	sld [smem:$0x3F99]  }
0x1a: {  	s8 =	sadd.s32 $0xFFFFE003, lr  }
0x1b: {  	s9 =	sadd.s32 $0xFFFFFEF7, lr;
	s5 =	simm.s32 $0xFFFFFFFF;
	p2 =	slt.u32 s8, $0xFFFFF086  }
0x1c: {  	p1 =	slt.u32 s9, $0xF7A;
	s5 =	simm.s32 @!p2 $0x0  }
0x1d: {  	s5 =	simm.s32 @p1 $0x1;
	p0 =	seq.s32 s7, s2  }
0x1e: {  	s7 =	smul.u32 @!p0 $0xF7A, s2;
	p2 =	seq.s32 @!p0 s5, $0x0  }
0x1f: {  	s9 =	smul.u32 $0xF7A, s1;
	s8 =	simm.s32 @!p0 $0x1BF5;
	p2 =	por !p2, p0  }
0x20: {  	[sflag:s8] =	ssyncset.s32 @!p0 $0xFFFFF086;
	s6 =	sadd.s32 @!p0 s3, s7;
	s7 =	simm.s32 @!p0 $0x108  }
0x21: {  	s3 =	sadd.s32 s3, s9;
	s6 =	sadd.s32 @!p0 $0x88, s6;
	s7 =	simm.s32 @p2 $0x1082  }
0x22: {  	[simem:s7], [sflag:s8] =	dma.local @!p0 [hbm:s6], $0xF7A  }
0x23: {  	s9 =	sor.u32 $0xD0000000, s2;
	s6 =	simm.s32 $0x108;
	_ =	swait.ge @!p0 [sflag:s8], $0x0  }
0x24: {  	s3 =	sadd.s32 $0x88, s3;
	s6 =	simm.s32 @!p1 $0x1082;
	[sflag:s4] =	ssyncset.s32 $0xFFFFF086  }
0x25: {  	[simem:s6], [sflag:s4] =	dma.local [hbm:s3], $0xF7A  }
0x26: {  	[smem:$0x3F99] =	sst s1;
	(tag) =	ssettag s2;
	_ =	strace s9  }
0x27: {  	s1 =	sld [smem:$0x3FA9]  }
0x28: {  	s2 =	sld [smem:$0x3FAA]  }
0x29: {  	s4 =	sld [smem:$0x3FAC]  }
0x2a: {  	p0 =	seq.s32 s5, $0x0;
	s5 =	sld [smem:$0x3FAD]  }
0x2b: {  	s6 =	sld [smem:$0x3FAE]  }
0x2c: {  	s7 =	sld [smem:$0x3FAF]  }
0x2d: {  	s3 =	simm.s32 $0x108;
	s8 =	sld [smem:$0x3FB0]  }
0x2e: {  	s3 =	simm.s32 @!p0 $0x1082;
	s9 =	sld [smem:$0x3FB1]  }
0x2f: {  	lr =	sadd.s32 s0, s3;
	s0 =	sld [smem:$0x3FA8]  }
0x30: {  	s3 =	sld [smem:$0x3FAB]  }
0x31: {  	[smem:$0x3FB4] =	sst s10  }
0x32: {  	s10 =	sld [smem:$0x3FB2];
	_ =	sdelay $0x3  }
0x33: {  	p0 =	seq.s32 s10, $0x1;
	s10 =	sld [smem:$0x3FB4];
	_ =	sdelay $0x3  }
0x34: {  	[smem:$0x3FB4] =	sst s10  }
0x35: {  	s10 =	sld [smem:$0x3FB3];
	_ =	sdelay $0x3  }
0x36: {  	p1 =	seq.s32 s10, $0x1;
	s10 =	sld [smem:$0x3FB4];
	_ =	sdelay $0x3  }
0x37: {  	[smem:$0x3FB4] =	sst s10  }
0x38: {  	s10 =	sld [smem:$0x3FB5]  }
0x39: {  	_ = 	snop;
	(pc) =	sbr.ind lr, $3  }
0x3a: {  	_ = 	snop  }
0x3b: {  	_ = 	snop  }
0x3c: {  	p2 =	seq.s32 s10, $0x1;
	s10 =	sld [smem:$0x3FB4]  }
0x3d: {  	_ =	shalt  }
0x3e: {  	_ =	shalt  }
0x3f: {  	_ =	shalt  }
0x40: {  	_ =	shalt  }
0x41: {  	_ =	shalt  }
0x42: {  	_ =	shalt  }
0x43: {  	_ =	shalt  }
0x44: {  	_ =	shalt  }
0x45: {  	_ =	shalt  }
0x46: {  	_ =	shalt  }
0x47: {  	_ =	shalt  }
0x48: {  	_ =	shalt  }
0x49: {  	_ =	shalt  }
0x4a: {  	_ =	shalt  }
0x4b: {  	_ =	shalt  }
0x4c: {  	_ =	shalt  }
0x4d: {  	_ =	shalt  }
0x4e: {  	_ =	shalt  }
0x4f: {  	_ =	shalt  }
0x50: {  	_ =	shalt  }
0x51: {  	_ =	shalt  }
0x52: {  	_ =	shalt  }
0x53: {  	_ =	shalt  }
0x54: {  	_ =	shalt  }
0x55: {  	_ =	shalt  }
0x56: {  	_ =	shalt  }
0x57: {  	_ =	shalt  }
0x58: {  	_ =	shalt  }
0x59: {  	_ =	shalt  }
0x5a: {  	_ =	shalt  }
0x5b: {  	_ =	shalt  }
0x5c: {  	_ =	shalt  }
0x5d: {  	_ =	shalt  }
0x5e: {  	_ =	shalt  }
0x5f: {  	_ =	shalt  }
0x60: {  	_ =	shalt  }
0x61: {  	_ =	shalt  }
0x62: {  	_ =	shalt  }
0x63: {  	_ =	shalt  }
0x64: {  	_ =	shalt  }
0x65: {  	_ =	shalt  }
0x66: {  	_ =	shalt  }
0x67: {  	_ =	shalt  }
0x68: {  	_ =	shalt  }
0x69: {  	_ =	shalt  }
0x6a: {  	_ =	shalt  }
0x6b: {  	_ =	shalt  }
0x6c: {  	_ =	shalt  }
0x6d: {  	_ =	shalt  }
0x6e: {  	_ =	shalt  }
0x6f: {  	_ =	shalt  }
0x70: {  	_ =	shalt  }
0x71: {  	_ =	shalt  }
0x72: {  	_ =	shalt  }
0x73: {  	_ =	shalt  }
0x74: {  	_ =	shalt  }
0x75: {  	_ =	shalt  }
0x76: {  	_ =	shalt  }
0x77: {  	_ =	shalt  }
0x78: {  	_ =	shalt  }
0x79: {  	_ =	shalt  }
0x7a: {  	_ =	shalt  }
0x7b: {  	_ =	shalt  }
0x7c: {  	_ =	shalt  }
0x7d: {  	_ =	shalt  }
0x7e: {  	_ =	shalt  }
0x7f: {  	_ =	shalt  }
0x80: {  	_ =	shalt  }
0x81: {  	_ =	shalt  }
0x82: {  	_ =	shalt  }
0x83: {  	_ =	shalt  }
0x84: {  	_ =	shalt  }
0x85: {  	_ =	shalt  }
0x86: {  	_ =	shalt  }
0x87: {  	_ =	shalt  }
.Lfunc_end0:
.L_simem_size_0:
called_computation.2_lowered:
.L_overlay_start_0:
0x88: {  	s2 =	sld [smem:$0x3FD9]  }
0x89: {  	s3 =	sld [smem:$0x3FFE];
	_ =	sdelay $0x1  }
0x8a: {  	s1 =	srdreg.scid  }
0x8b: {  	s0 =	sand.u32 $0x1, s1  }
0x8c: {  	s16 =	sshll.u32 s0, $0xA;
	s2 =	sadd.s32 s3, s2  }
0x8d: {  	s2 =	sadd.s32 s2, s16  }
0x8e: {  	[smem:$0x3FC0] =	sst s2  }
0x8f: {  	_ = 	snop  }
0x90: {  	(tm) =	ssettm $0x1  }
0x91: {  	s17 =	sld [smem:$0x3FFB];
	_ =	sdelay $0x3  }
0x92: {  	_ =	strace s17  }
0x93: {  	s2 =	sld [smem:$0x3FFC];
	_ =	sdelay $0x3  }
0x94: {  	_ =	strace s2  }
0x95: {  	s2 =	sld [smem:$0x3FFD];
	_ =	sdelay $0x3  }
0x96: {  	_ =	strace s2  }
0x97: {  	_ =	strace $0x8FFFFFFF  }
0x98: {  	s18 =	sld [smem:$0x3FDB];
	_ =	sdelay $0x1  }
0x99: {  	s19 =	simm.s32 $_scs_section_size  }
0x9a: {  	s4 =	simm.s32 $_size__tile_overlayer_lowered;
	s5 =	simm.s32 $_tile_overlayer_lowered  }
0x9b: {  	s22 =	simm.s32 $0x1BFF;
	s21 =	sshll.u32 s5, $0x1;
	s2 =	sadd.s32 s19, s18  }
0x9c: {  	s6 =	simm.s32 $0x0;
	s20 =	sshll.u32 s4, $0x1;
	s4 =	sadd.s32 s21, s2  }
0x9d: {  	[timem:s6], [sflag:s22] =	dma.local [hbm:s4], s20  }
0x9e: {  	_ =	swait.ge [sflag:s22], s20  }
0x9f: {  	s3 =	ssub.s32 $0x0, s20;
	[sflag:s22] =	ssyncset.done $0x0  }
0xa0: {  	[sflag:s22] =	ssyncadd.s32 s3;
	_ =	sdelay $0x1  }
0xa1: {  	s23 =	simm.s32 $0x1B8B  }
0xa2: {  	_ =	swait.ge [sflag:s23], $0x1  }
0xa3: {  	[sflag:s23] =	ssyncset.done $0x0  }
0xa4: {  	s25 =	simm.s32 $0x1B8E;
	s24 =	sld [smem:$0x3FFE];
	[sflag:s23] =	ssyncadd.s32 $0xFFFFFFFF  }
0xa5: {  	s26 =	simm.s32 $execute0_lowered;
	[smem:$0x3FD2] =	sst s25  }
0xa6: {  	s4 =	sshll.u32 s26, $0x1;
	_ =	strace $0x8000004C;
	[dreg:$0x1] =	wrdreg $0xFFFFFFFF  }
0xa7: {  	s28 =	simm.s32 $_size_execute0_lowered;
	s2 =	sadd.s32 s2, s4;
	[dreg:$0x0] =	wrdreg $0x0  }
0xa8: {  	s4 =	sshll.u32 s28, $0x1;
	[dreg:$0x2] =	wrdreg s2  }
0xa9: {  	[dreg:$0x3] =	wrdreg s4  }
0xaa: {  	[dreg:$0x4] =	wrdreg $0xC0  }
0xab: {  	_ =	task [dreg:s6], $0x5FFFF  }
0xac: {  	[dreg:$0x1] =	wrdreg $0xFFFFFFFF  }
0xad: {  	[dreg:$0x0] =	wrdreg $0x60  }
0xae: {  	[dreg:$0x2] =	wrdreg s24  }
0xaf: {  	[dreg:$0x3] =	wrdreg $0xA8000  }
0xb0: {  	[dreg:$0x4] =	wrdreg $0x9  }
0xb1: {  	_ =	task.clear_ibuf [dreg:s6], $0x5FFFF;
	_ =	strace $0x9000004C  }
0xb2: {  	s29 =	simm.s32 $0x9;
	_ =	strace $0x8000004E  }
0xb3: {  	_ =	swait.ge [sflag:s29], $0x1  }
0xb4: {  	[sflag:s29] =	ssyncadd.s32 $0xFFFFFFFF  }
0xb5: {  	_ =	strace $0x9000004E  }
0xb6: {  	_ =	sfence  }
0xb7: {  	s30 =	sld [smem:$0x0];
	_ =	sdelay $0x2  }
0xb8: {  	s31 =	sshll.u32 s1, $0xD;
	s1 =	sshrl.u32 s1, $0x2  }
0xb9: {  	s3 =	sand.u32 $0x4000, s31;
	s1 =	sadd.s32 s1, s30  }
0xba: {  	s0 =	sor.u32 s3, s0;
	s1 =	sshll.u32 s1, $0x11  }
0xbb: {  	s0 =	sor.u32 s1, s0  }
0xbc: {  	s0 =	sadd.s32 $0x8F2B, s0  }
0xbd: {  	[sflag:s0] =	ssyncadd.remote.s32 $0x1  }
0xbe: {  	_ =	sfence.sel $0xFFFF  }
0xbf: {  	[dreg:$0x0] =	wrdreg $0xFFFFFFFF;
	(pc) =	sbr.abs _section_cstart, $3  }
0xc0: {  	[dreg:$0x1] =	wrdreg $0xFFFFFFFF  }
0xc1: {  	_ =	task.clear_ibuf [dreg:s6], $0x2FFFF;
	_ =	strace $0x9FFFFFFF  }
0xc2: {  	(tm) =	ssettm $0x7FFFFFFF  }
0xc3: {  	_ =	shalt  }
tec
execute0_lowered:
.L_overlay_start_1:
0x0: {  	(tag) =	ssettag $0x1  }
0x1: {  	s0 =	rddreg [dreg:$0x0]  }
0x2: {  	s1 =	rddreg [dreg:$0x1];
	s2 =	srdreg.scid;
	s3 =	simm.s32 $0x0  }
0x3: {  	s22 =	simm.s32 $0x3;
	s23 =	simm.s32 $0x1400;
	s28 =	simm.s32 $0x1  }
0x4: {  	s29 =	simm.s32 $0x2;
	s6 =	sand.u32 $0x1, s2;
	s2 =	stileid.u32  }
0x5: {  	s30 =	simm.s32 $0x0;
	[smem:$0x7FF] =	sst s3;
	s4 =	smul.u32 $0x13C000, s6  }
0x6: {  	s12 =	sadd.s32 $0xC200, s0;
	s13 =	sadd.s32 $0x2200, s0;
	s5 =	smul.u32 $0x13C00, s2  }
0x7: {  	_ =	strace $0x8000004D;
	s24 =	ssub.s32 $0x2, s6;
	s8 =	smul.u32 $0x4F000, s2  }
0x8: {  	s10 =	sshll.u32 s2, $0x1;
	s11 =	smul.u32 $0x2780, s2;
	p0 =	seq.s32 s6, $0x1  }
0x9: {  	s9 =	sshrl.u32 s24, $0x1;
	s10 =	sor.u32 s6, s10;
	s14 =	sshll.u32 @p0 s2, $0x6  }
0xa: {  	s7 =	sadd.s32 s5, s4;
	s4 =	sadd.s32 $0x16800, s0;
	s5 =	sadd.s32 $0x3E000, s0  }
0xb: {  	s9 =	ssub.s32 s24, s9;
	s25 =	sshrl.u32 s8, $0x2;
	s26 =	smul.u32 $0x500, s10  }
0xc: {  	s14 =	sor.u32 @p0 $0x1C03, s14;
	s24 =	simm.s32 $0x80;
	s7 =	sshrl.u32 s7, $0x3  }
0xd: {  	s6 =	sadd.s32 s25, s1;
	s9 =	smax.u32 s9, $0x1;
	s25 =	simm.s32 $0x2800  }
0xe: {  	s0 =	sadd.s32 s7, s0;
	s7 =	sadd.s32 s4, s11;
	s16 =	sadd.s32 $0x4000, s6  }
0xf: {  	s17 =	sadd.s32 $0x8000, s6;
	s18 =	sadd.s32 $0xC000, s6;
	s19 =	sadd.s32 $0x10000, s6  }
0x10: {  	s10 =	sadd.s32 s12, s26;
	s31 =	sadd.s32 $0x280, s26;
	s11 =	sadd.s32 s13, s26  }
0x11: {  	s15 =	sshrl.u32 @p0 s6, $0x3;
	s21 =	sshrl.u32 @!p0 s6, $0x3;
	s26 =	simm.s32 $0x6800  }
0x12: {  	s8 =	sadd.s32 $0x3E800, s0;
	s12 =	sadd.s32 s12, s31;
	s13 =	sadd.s32 s13, s31  }
0x13: {  	s16 =	sshrl.u32 @p0 s16, $0x3;
	s17 =	sshrl.u32 @p0 s17, $0x3;
	s0 =	sshll.u32 @!p0 s2, $0x6  }
0x14: {  	s18 =	sshrl.u32 @p0 s18, $0x3;
	s19 =	sshrl.u32 @p0 s19, $0x3;
	s20 =	sor.u32 @!p0 $0x1C03, s0  }
.LBB2_1:
0x15: {  	[spmem:s15], [sflag:s14] =	dma.local @p0 [hbm:s5], $0x800  }
0x16: {  	s0 =	simm.s32 @p0 $0x3  }
0x17: {  	_ =	swait.ge @p0 [sflag:s0], $0x800  }
0x18: {  	[sflag:s0] =	ssyncset.done @p0 $0x0  }
0x19: {  	[sflag:s0] =	ssyncadd.s32 @p0 $0xFFFFF800  }
0x1a: {  	[spmem:s16], [sflag:s14] =	dma.local @p0 [hbm:s5], $0x800  }
0x1b: {  	_ =	swait.ge @p0 [sflag:s0], $0x800  }
0x1c: {  	[sflag:s0] =	ssyncset.done @p0 $0x0  }
0x1d: {  	[sflag:s0] =	ssyncadd.s32 @p0 $0xFFFFF800  }
0x1e: {  	[spmem:s17], [sflag:s14] =	dma.local @p0 [hbm:s5], $0x800  }
0x1f: {  	_ =	swait.ge @p0 [sflag:s0], $0x800  }
0x20: {  	[sflag:s0] =	ssyncset.done @p0 $0x0  }
0x21: {  	[sflag:s0] =	ssyncadd.s32 @p0 $0xFFFFF800  }
0x22: {  	[spmem:s18], [sflag:s14] =	dma.local @p0 [hbm:s5], $0x800  }
0x23: {  	_ =	swait.ge @p0 [sflag:s0], $0x800  }
0x24: {  	[sflag:s0] =	ssyncset.done @p0 $0x0  }
0x25: {  	[sflag:s0] =	ssyncadd.s32 @p0 $0xFFFFF800  }
0x26: {  	[spmem:s19], [sflag:s14] =	dma.local @p0 [hbm:s5], $0x780  }
0x27: {  	_ =	swait.ge @p0 [sflag:s0], $0x780  }
0x28: {  	[sflag:s0] =	ssyncset.done @p0 $0x0  }
0x29: {  	[sflag:s0] =	ssyncadd.s32 @p0 $0xFFFFF880;
	s0 =	simm.s32 @!p0 $0x3  }
0x2a: {  	[spmem:s21], [sflag:s20] =	dma.local @!p0 [hbm:s7], $0x2780  }
0x2b: {  	_ =	swait.ge @!p0 [sflag:s0], $0x2780  }
0x2c: {  	[sflag:s0] =	ssyncset.done @!p0 $0x0  }
0x2d: {  	[sflag:s0] =	ssyncadd.s32 @!p0 $0xFFFFD880  }
0x2e: {  	s3 =	simm.s32 $0x0;
	[bflag:$0x0] =	sbarrier.arrive $0xFFFF  }
0x2f: {  	[tilespmem:s3], [sflag:$0x3] =	stream.linear.gather [hbm4b:s10+s3], $0x1400, $0x38;
	[tilespmem:$0x1E400] =	vst v63  }
0x30: {  	_ =	swait.ge [sflag:s22], $0x1400  }
0x31: {  	[sflag:s22] =	ssyncset.done $0x0  }
0x32: {  	[sflag:s22] =	ssyncadd.s32 $0xFFFFEC00  }
0x33: {  	[tilespmem:s23], [sflag:$0x3] =	stream.linear.gather [hbm4b:s11+s3], $0x1400, $0x38;
	[tilespmem:$0x1E400] =	vst v63  }
0x34: {  	_ =	swait.ge [sflag:s22], $0x1400  }
0x35: {  	[sflag:s22] =	ssyncset.done $0x0  }
0x36: {  	s2 =	simm.s32 $0x0;
	[sflag:s22] =	ssyncadd.s32 $0xFFFFEC00  }
0x37: {  	[tilespmem:s25], [sflag:$0x1] =	stream.indirect.gather [hbm4b:s4+s24], $0x80, s2, s24, $0xb8;
	[tilespmem:$0x1E400] =	vst v63  }
0x38: {  	s3 =	simm.s32 $0x80  }
0x39: {  	[tilespmem:s26], [sflag:$0x1] =	stream.indirect.gather [hbm4b:s4+s24], $0x80, s3, s24, $0xb8;
	[tilespmem:$0x1E400] =	vst v63  }
0x3a: {  	_ =	swait.ge [sflag:s28], $0x4000  }
0x3b: {  	[sflag:s28] =	ssyncset.done $0x0  }
0x3c: {  	s2 =	simm.s32 $0x1400;
	[sflag:s28] =	ssyncadd.s32 $0xFFFFC000  }
0x3d: {  	[spmem:s1] =	stream.indirect.scatter.add.f32 [tilespmem:s25], [sflag:$0x2], $0x80, s2, s24, $0xb8;
	[tilespmem:$0x1E400] =	vst v63  }
0x3e: {  	_ =	swait.ge [sflag:s28], $0x4000  }
0x3f: {  	[sflag:s28] =	ssyncset.done $0x0  }
0x40: {  	s3 =	simm.s32 $0x1480;
	[sflag:s28] =	ssyncadd.s32 $0xFFFFC000  }
0x41: {  	[spmem:s1] =	stream.indirect.scatter.add.f32 [tilespmem:s26], [sflag:$0x2], $0x80, s3, s24, $0xb8;
	[tilespmem:$0x1E400] =	vst v63  }
0x42: {  	_ =	swait.ge [sflag:s29], $0x4000  }
0x43: {  	[sflag:s29] =	ssyncset.done $0x0  }
0x44: {  	[sflag:s29] =	ssyncadd.s32 $0xFFFFC000  }
0x45: {  	_ =	swait.ge [sflag:s29], $0x4000  }
0x46: {  	s31 =	simm.s32 $0x400;
	s0 =	simm.s32 $0x800;
	[sflag:s29] =	ssyncset.done $0x0  }
.LBB2_2:
0x47: {  	s2 =	sshra.s32 s31, $0x2  }
0x48: {  	[sflag:s29] =	ssyncadd.s32 $0xFFFFC000;
	s31 =	smov.u32 s0;
	s3 =	sadd.s32 $0x400, s0  }
0x49: {  	[tilespmem:s25], [sflag:$0x1] =	stream.indirect.gather [hbm4b:s4+s24], $0x80, s2, s24, $0xb8;
	[tilespmem:$0x1E400] =	vst v63  }
0x4a: {  	p1 =	sne.s32 s0, $0x4C00;
	s0 =	sadd.s32 $0x80, s2  }
0x4b: {  	[tilespmem:s26], [sflag:$0x1] =	stream.indirect.gather [hbm4b:s4+s24], $0x80, s0, s24, $0xb8;
	[tilespmem:$0x1E400] =	vst v63  }
0x4c: {  	_ =	swait.ge [sflag:s28], $0x4000  }
0x4d: {  	[sflag:s28] =	ssyncset.done $0x0  }
0x4e: {  	s0 =	sadd.s32 $0x1400, s2;
	[sflag:s28] =	ssyncadd.s32 $0xFFFFC000  }
0x4f: {  	[spmem:s1] =	stream.indirect.scatter.add.f32 [tilespmem:s25], [sflag:$0x2], $0x80, s0, s24, $0xb8;
	[tilespmem:$0x1E400] =	vst v63  }
0x50: {  	_ =	swait.ge [sflag:s28], $0x4000  }
0x51: {  	[sflag:s28] =	ssyncset.done $0x0  }
0x52: {  	s0 =	sadd.s32 $0x1480, s2;
	[sflag:s28] =	ssyncadd.s32 $0xFFFFC000  }
0x53: {  	[spmem:s1] =	stream.indirect.scatter.add.f32 [tilespmem:s26], [sflag:$0x2], $0x80, s0, s24, $0xb8;
	[tilespmem:$0x1E400] =	vst v63  }
.Ltmp0:
0x54: {  	_ =	swait.ge [sflag:s29], $0x4000;
	(pc) =	sbr.rel @p1 .LBB2_2-.Ltmp0, $4  }
0x55: {  	[sflag:s29] =	ssyncset.done $0x0  }
0x56: {  	[sflag:s29] =	ssyncadd.s32 $0xFFFFC000  }
0x57: {  	_ =	swait.ge [sflag:s29], $0x4000  }
0x58: {  	s0 =	smov.u32 s3;
	[sflag:s29] =	ssyncset.done $0x0  }
0x59: {  	s0 =	sshra.s32 s31, $0x2;
	[sflag:s29] =	ssyncadd.s32 $0xFFFFC000  }
0x5a: {  	[tilespmem:s25], [sflag:$0x1] =	stream.indirect.gather [hbm4b:s4+s24], $0x80, s0, s24, $0xb8;
	[tilespmem:$0x1E400] =	vst v63  }
0x5b: {  	s2 =	sadd.s32 $0x80, s0  }
0x5c: {  	[tilespmem:s26], [sflag:$0x1] =	stream.indirect.gather [hbm4b:s4+s24], $0x80, s2, s24, $0xb8;
	[tilespmem:$0x1E400] =	vst v63  }
0x5d: {  	_ =	swait.ge [sflag:s28], $0x4000  }
0x5e: {  	[sflag:s28] =	ssyncset.done $0x0  }
0x5f: {  	s3 =	sadd.s32 $0x1400, s0;
	[sflag:s28] =	ssyncadd.s32 $0xFFFFC000  }
0x60: {  	[spmem:s1] =	stream.indirect.scatter.add.f32 [tilespmem:s25], [sflag:$0x2], $0x80, s3, s24, $0xb8;
	[tilespmem:$0x1E400] =	vst v63  }
0x61: {  	_ =	swait.ge [sflag:s28], $0x4000  }
0x62: {  	[sflag:s28] =	ssyncset.done $0x0  }
0x63: {  	s0 =	sadd.s32 $0x1480, s0;
	[sflag:s28] =	ssyncadd.s32 $0xFFFFC000  }
0x64: {  	[spmem:s1] =	stream.indirect.scatter.add.f32 [tilespmem:s26], [sflag:$0x2], $0x80, s0, s24, $0xb8;
	[tilespmem:$0x1E400] =	vst v63  }
0x65: {  	_ =	swait.ge [sflag:s29], $0x4000  }
0x66: {  	[sflag:s29] =	ssyncset.done $0x0  }
0x67: {  	[sflag:s29] =	ssyncadd.s32 $0xFFFFC000  }
0x68: {  	_ =	swait.ge [sflag:s29], $0x4000  }
0x69: {  	[sflag:s29] =	ssyncset.done $0x0  }
0x6a: {  	s3 =	simm.s32 $0x0;
	[sflag:s29] =	ssyncadd.s32 $0xFFFFC000  }
0x6b: {  	[tilespmem:s3], [sflag:$0x3] =	stream.linear.gather [hbm4b:s12+s3], $0x1400, $0x38;
	[tilespmem:$0x1E400] =	vst v63  }
0x6c: {  	_ =	swait.ge [sflag:s22], $0x1400  }
0x6d: {  	[sflag:s22] =	ssyncset.done $0x0  }
0x6e: {  	[sflag:s22] =	ssyncadd.s32 $0xFFFFEC00  }
0x6f: {  	[tilespmem:s23], [sflag:$0x3] =	stream.linear.gather [hbm4b:s13+s3], $0x1400, $0x38;
	[tilespmem:$0x1E400] =	vst v63  }
0x70: {  	_ =	swait.ge [sflag:s22], $0x1400  }
0x71: {  	[sflag:s22] =	ssyncset.done $0x0  }
0x72: {  	s2 =	simm.s32 $0x0;
	[sflag:s22] =	ssyncadd.s32 $0xFFFFEC00  }
0x73: {  	[tilespmem:s25], [sflag:$0x1] =	stream.indirect.gather [hbm4b:s4+s24], $0x80, s2, s24, $0xb8;
	[tilespmem:$0x1E400] =	vst v63  }
0x74: {  	s3 =	simm.s32 $0x80  }
0x75: {  	[tilespmem:s26], [sflag:$0x1] =	stream.indirect.gather [hbm4b:s4+s24], $0x80, s3, s24, $0xb8;
	[tilespmem:$0x1E400] =	vst v63  }
0x76: {  	_ =	swait.ge [sflag:s28], $0x4000  }
0x77: {  	[sflag:s28] =	ssyncset.done $0x0  }
0x78: {  	s2 =	simm.s32 $0x1400;
	[sflag:s28] =	ssyncadd.s32 $0xFFFFC000  }
0x79: {  	[spmem:s1] =	stream.indirect.scatter.add.f32 [tilespmem:s25], [sflag:$0x2], $0x80, s2, s24, $0xb8;
	[tilespmem:$0x1E400] =	vst v63  }
0x7a: {  	_ =	swait.ge [sflag:s28], $0x4000  }
0x7b: {  	[sflag:s28] =	ssyncset.done $0x0  }
0x7c: {  	s3 =	simm.s32 $0x1480;
	[sflag:s28] =	ssyncadd.s32 $0xFFFFC000  }
0x7d: {  	[spmem:s1] =	stream.indirect.scatter.add.f32 [tilespmem:s26], [sflag:$0x2], $0x80, s3, s24, $0xb8;
	[tilespmem:$0x1E400] =	vst v63  }
0x7e: {  	_ =	swait.ge [sflag:s29], $0x4000  }
0x7f: {  	[sflag:s29] =	ssyncset.done $0x0  }
0x80: {  	[sflag:s29] =	ssyncadd.s32 $0xFFFFC000  }
0x81: {  	_ =	swait.ge [sflag:s29], $0x4000  }
0x82: {  	s31 =	simm.s32 $0x400;
	s0 =	simm.s32 $0x800;
	[sflag:s29] =	ssyncset.done $0x0  }
.LBB2_4:
0x83: {  	s2 =	sshra.s32 s31, $0x2  }
0x84: {  	[sflag:s29] =	ssyncadd.s32 $0xFFFFC000;
	s31 =	smov.u32 s0;
	s3 =	sadd.s32 $0x400, s0  }
0x85: {  	[tilespmem:s25], [sflag:$0x1] =	stream.indirect.gather [hbm4b:s4+s24], $0x80, s2, s24, $0xb8;
	[tilespmem:$0x1E400] =	vst v63  }
0x86: {  	p1 =	sne.s32 s0, $0x4C00;
	s0 =	sadd.s32 $0x80, s2  }
0x87: {  	[tilespmem:s26], [sflag:$0x1] =	stream.indirect.gather [hbm4b:s4+s24], $0x80, s0, s24, $0xb8;
	[tilespmem:$0x1E400] =	vst v63  }
0x88: {  	_ =	swait.ge [sflag:s28], $0x4000  }
0x89: {  	[sflag:s28] =	ssyncset.done $0x0  }
0x8a: {  	s0 =	sadd.s32 $0x1400, s2;
	[sflag:s28] =	ssyncadd.s32 $0xFFFFC000  }
0x8b: {  	[spmem:s1] =	stream.indirect.scatter.add.f32 [tilespmem:s25], [sflag:$0x2], $0x80, s0, s24, $0xb8;
	[tilespmem:$0x1E400] =	vst v63  }
0x8c: {  	_ =	swait.ge [sflag:s28], $0x4000  }
0x8d: {  	[sflag:s28] =	ssyncset.done $0x0  }
0x8e: {  	s0 =	sadd.s32 $0x1480, s2;
	[sflag:s28] =	ssyncadd.s32 $0xFFFFC000  }
0x8f: {  	[spmem:s1] =	stream.indirect.scatter.add.f32 [tilespmem:s26], [sflag:$0x2], $0x80, s0, s24, $0xb8;
	[tilespmem:$0x1E400] =	vst v63  }
.Ltmp1:
0x90: {  	_ =	swait.ge [sflag:s29], $0x4000;
	(pc) =	sbr.rel @p1 .LBB2_4-.Ltmp1, $4  }
0x91: {  	[sflag:s29] =	ssyncset.done $0x0  }
0x92: {  	[sflag:s29] =	ssyncadd.s32 $0xFFFFC000  }
0x93: {  	_ =	swait.ge [sflag:s29], $0x4000  }
0x94: {  	s0 =	smov.u32 s3;
	[sflag:s29] =	ssyncset.done $0x0  }
0x95: {  	s0 =	sshra.s32 s31, $0x2;
	[sflag:s29] =	ssyncadd.s32 $0xFFFFC000  }
0x96: {  	[tilespmem:s25], [sflag:$0x1] =	stream.indirect.gather [hbm4b:s4+s24], $0x80, s0, s24, $0xb8;
	[tilespmem:$0x1E400] =	vst v63  }
0x97: {  	s2 =	sadd.s32 $0x80, s0  }
0x98: {  	[tilespmem:s26], [sflag:$0x1] =	stream.indirect.gather [hbm4b:s4+s24], $0x80, s2, s24, $0xb8;
	[tilespmem:$0x1E400] =	vst v63  }
0x99: {  	_ =	swait.ge [sflag:s28], $0x4000  }
0x9a: {  	[sflag:s28] =	ssyncset.done $0x0  }
0x9b: {  	s31 =	sadd.s32 $0x1400, s0;
	[sflag:s28] =	ssyncadd.s32 $0xFFFFC000  }
0x9c: {  	[spmem:s1] =	stream.indirect.scatter.add.f32 [tilespmem:s25], [sflag:$0x2], $0x80, s31, s24, $0xb8;
	[tilespmem:$0x1E400] =	vst v63  }
0x9d: {  	_ =	swait.ge [sflag:s28], $0x4000  }
0x9e: {  	[sflag:s28] =	ssyncset.done $0x0  }
0x9f: {  	s0 =	sadd.s32 $0x1480, s0;
	[sflag:s28] =	ssyncadd.s32 $0xFFFFC000  }
0xa0: {  	[spmem:s1] =	stream.indirect.scatter.add.f32 [tilespmem:s26], [sflag:$0x2], $0x80, s0, s24, $0xb8;
	[tilespmem:$0x1E400] =	vst v63  }
0xa1: {  	_ =	swait.ge [sflag:s29], $0x4000  }
0xa2: {  	[sflag:s29] =	ssyncset.done $0x0  }
0xa3: {  	[sflag:s29] =	ssyncadd.s32 $0xFFFFC000  }
0xa4: {  	s30 =	sadd.s32 $0x1, s30;
	_ =	swait.ge [sflag:s29], $0x4000  }
0xa5: {  	s3 =	stileid.u32;
	p1 =	sne.s32 s30, s9;
	[sflag:s29] =	ssyncset.done $0x0  }
0xa6: {  	s31 =	sshrl.u32 s6, $0x3;
	s0 =	sshll.u32 s3, $0x6;
	[sflag:s29] =	ssyncadd.s32 $0xFFFFC000  }
.Ltmp2:
0xa7: {  	s0 =	sor.u32 $0x1C03, s0;
	[bflag:$0x0] =	sbarrier.arrive $0xFFFF;
	(pc) =	sbr.rel @p1 .LBB2_1-.Ltmp2, $4  }
0xa8: {  	[hbm:s8], [sflag:s0] =	dma.local [spmem:s31], $0x2780  }
0xa9: {  	_ =	swait.ge [sflag:s22], $0x2780  }
0xaa: {  	[sflag:s22] =	ssyncset.done $0x0  }
0xab: {  	[sflag:s22] =	ssyncadd.s32 $0xFFFFD880  }
0xac: {  	_ =	sfence.sel $0x180000  }
0xad: {  	[bflag:$0x0] =	sbarrier.arrive $0xFFFF  }
0xae: {  	_ =	strace $0x9000004D  }
0xaf: {  	s0 =	stileid.u32;
	[bflag:$0x2] =	sbarrier.arrive $0xFFFF  }
0xb0: {  	p0 =	sne.s32 s0, $0x0;
	s0 =	rddreg [dreg:$0x2]  }
0xb1: {  	s0 =	sadd.s32 @!p0 $0x100000, s0  }
0xb2: {  	[sflag:s0] =	ssyncadd.tile.s32 @!p0 $0x1;
	_ =	shalt  }
.Lfunc_end2:
_tile_overlayer_lowered:
.L_overlay_start_2:
0xb3: {  	(tag) =	ssettag $0x2  }
0xb4: {  	s0 =	rddreg [dreg:$0x0];
	s2 =	stileid.u32  }
0xb5: {  	s1 =	rddreg [dreg:$0x1];
	p0 =	sne.s32 s2, $0x0  }
0xb6: {  	s3 =	rddreg [dreg:$0x2];
	[bflag:$0x3] =	sbarrier.arrive $0xFFFF;
	s2 =	simm.s32 @!p0 $0x1C03  }
0xb7: {  	[timem:s3], [sflag:s2] =	dma.local @!p0 [hbm:s0], s1  }
0xb8: {  	s0 =	simm.s32 @!p0 $0x3  }
0xb9: {  	_ =	swait.ge @!p0 [sflag:s0], s1  }
0xba: {  	s1 =	ssub.s32 @!p0 $0x0, s1;
	[sflag:s0] =	ssyncset.done @!p0 $0x0  }
0xbb: {  	[sflag:s0] =	ssyncadd.s32 @!p0 s1  }
0xbc: {  	[bflag:$0x3] =	sbarrier.arrive $0xFFFF  }
0xbd: {  	_ =	shalt  }

// kernel: kernel.9.cloned.1.call-start
scs
__scs_entry_jumppad:
0x0: {  	(pc) =	sbr.rel $0x88, $3  }
0x1: {  	(tag) =	ssettag $0x0;
	lr =	simm.s32 $0x1  }
0x2: {  	[smem:$0x3F99] =	sst lr;
	_ =	strace $0xD0000000  }
0x3: {  	_ = 	snop  }
0x4: {  	_ = 	snop  }
0x5: {  	_ = 	snop  }
0x6: {  	_ = 	snop  }
0x7: {  	_ = 	snop  }
__scs_overlays_trampoline_lowered:
0x8: {  	[smem:$0x3FA8] =	sst s0  }
0x9: {  	[smem:$0x3FA9] =	sst s1  }
0xa: {  	[smem:$0x3FAA] =	sst s2  }
0xb: {  	[smem:$0x3FAB] =	sst s3  }
0xc: {  	[smem:$0x3FAC] =	sst s4  }
0xd: {  	[smem:$0x3FAD] =	sst s5  }
0xe: {  	[smem:$0x3FAE] =	sst s6  }
0xf: {  	[smem:$0x3FAF] =	sst s7  }
0x10: {  	[smem:$0x3FB0] =	sst s8  }
0x11: {  	[smem:$0x3FB1] =	sst s9;
	s0 =	simm.s32 @!p0 $0x0  }
0x12: {  	s1 =	sld [smem:$0x3F97];
	s0 =	simm.s32 @p0 $0x1  }
0x13: {  	[smem:$0x3FB2] =	sst s0;
	s0 =	simm.s32 @!p1 $0x0  }
0x14: {  	s2 =	sld [smem:$0x3F96];
	s0 =	simm.s32 @p1 $0x1  }
0x15: {  	[smem:$0x3FB3] =	sst s0;
	s0 =	simm.s32 @!p2 $0x0  }
0x16: {  	s3 =	sld [smem:$0x3FDB];
	s0 =	simm.s32 @p2 $0x1  }
0x17: {  	s4 =	simm.s32 $0x1BF5;
	[smem:$0x3FB5] =	sst s0  }
0x18: {  	s0 =	sld [smem:$0x3F98];
	_ =	swait.ge [sflag:s4], $0x0  }
0x19: {  	s7 =	sld [smem:$0x3F99]  }
0x1a: {  	s8 =	sadd.s32 $0xFFFFE003, lr  }
0x1b: {  	s9 =	sadd.s32 $0xFFFFFEF7, lr;
	s5 =	simm.s32 $0xFFFFFFFF;
	p2 =	slt.u32 s8, $0xFFFFF086  }
0x1c: {  	p1 =	slt.u32 s9, $0xF7A;
	s5 =	simm.s32 @!p2 $0x0  }
0x1d: {  	s5 =	simm.s32 @p1 $0x1;
	p0 =	seq.s32 s7, s2  }
0x1e: {  	s7 =	smul.u32 @!p0 $0xF7A, s2;
	p2 =	seq.s32 @!p0 s5, $0x0  }
0x1f: {  	s9 =	smul.u32 $0xF7A, s1;
	s8 =	simm.s32 @!p0 $0x1BF5;
	p2 =	por !p2, p0  }
0x20: {  	[sflag:s8] =	ssyncset.s32 @!p0 $0xFFFFF086;
	s6 =	sadd.s32 @!p0 s3, s7;
	s7 =	simm.s32 @!p0 $0x108  }
0x21: {  	s3 =	sadd.s32 s3, s9;
	s6 =	sadd.s32 @!p0 $0x88, s6;
	s7 =	simm.s32 @p2 $0x1082  }
0x22: {  	[simem:s7], [sflag:s8] =	dma.local @!p0 [hbm:s6], $0xF7A  }
0x23: {  	s9 =	sor.u32 $0xD0000000, s2;
	s6 =	simm.s32 $0x108;
	_ =	swait.ge @!p0 [sflag:s8], $0x0  }
0x24: {  	s3 =	sadd.s32 $0x88, s3;
	s6 =	simm.s32 @!p1 $0x1082;
	[sflag:s4] =	ssyncset.s32 $0xFFFFF086  }
0x25: {  	[simem:s6], [sflag:s4] =	dma.local [hbm:s3], $0xF7A  }
0x26: {  	[smem:$0x3F99] =	sst s1;
	(tag) =	ssettag s2;
	_ =	strace s9  }
0x27: {  	s1 =	sld [smem:$0x3FA9]  }
0x28: {  	s2 =	sld [smem:$0x3FAA]  }
0x29: {  	s4 =	sld [smem:$0x3FAC]  }
0x2a: {  	p0 =	seq.s32 s5, $0x0;
	s5 =	sld [smem:$0x3FAD]  }
0x2b: {  	s6 =	sld [smem:$0x3FAE]  }
0x2c: {  	s7 =	sld [smem:$0x3FAF]  }
0x2d: {  	s3 =	simm.s32 $0x108;
	s8 =	sld [smem:$0x3FB0]  }
0x2e: {  	s3 =	simm.s32 @!p0 $0x1082;
	s9 =	sld [smem:$0x3FB1]  }
0x2f: {  	lr =	sadd.s32 s0, s3;
	s0 =	sld [smem:$0x3FA8]  }
0x30: {  	s3 =	sld [smem:$0x3FAB]  }
0x31: {  	[smem:$0x3FB4] =	sst s10  }
0x32: {  	s10 =	sld [smem:$0x3FB2];
	_ =	sdelay $0x3  }
0x33: {  	p0 =	seq.s32 s10, $0x1;
	s10 =	sld [smem:$0x3FB4];
	_ =	sdelay $0x3  }
0x34: {  	[smem:$0x3FB4] =	sst s10  }
0x35: {  	s10 =	sld [smem:$0x3FB3];
	_ =	sdelay $0x3  }
0x36: {  	p1 =	seq.s32 s10, $0x1;
	s10 =	sld [smem:$0x3FB4];
	_ =	sdelay $0x3  }
0x37: {  	[smem:$0x3FB4] =	sst s10  }
0x38: {  	s10 =	sld [smem:$0x3FB5]  }
0x39: {  	_ = 	snop;
	(pc) =	sbr.ind lr, $3  }
0x3a: {  	_ = 	snop  }
0x3b: {  	_ = 	snop  }
0x3c: {  	p2 =	seq.s32 s10, $0x1;
	s10 =	sld [smem:$0x3FB4]  }
0x3d: {  	_ =	shalt  }
0x3e: {  	_ =	shalt  }
0x3f: {  	_ =	shalt  }
0x40: {  	_ =	shalt  }
0x41: {  	_ =	shalt  }
0x42: {  	_ =	shalt  }
0x43: {  	_ =	shalt  }
0x44: {  	_ =	shalt  }
0x45: {  	_ =	shalt  }
0x46: {  	_ =	shalt  }
0x47: {  	_ =	shalt  }
0x48: {  	_ =	shalt  }
0x49: {  	_ =	shalt  }
0x4a: {  	_ =	shalt  }
0x4b: {  	_ =	shalt  }
0x4c: {  	_ =	shalt  }
0x4d: {  	_ =	shalt  }
0x4e: {  	_ =	shalt  }
0x4f: {  	_ =	shalt  }
0x50: {  	_ =	shalt  }
0x51: {  	_ =	shalt  }
0x52: {  	_ =	shalt  }
0x53: {  	_ =	shalt  }
0x54: {  	_ =	shalt  }
0x55: {  	_ =	shalt  }
0x56: {  	_ =	shalt  }
0x57: {  	_ =	shalt  }
0x58: {  	_ =	shalt  }
0x59: {  	_ =	shalt  }
0x5a: {  	_ =	shalt  }
0x5b: {  	_ =	shalt  }
0x5c: {  	_ =	shalt  }
0x5d: {  	_ =	shalt  }
0x5e: {  	_ =	shalt  }
0x5f: {  	_ =	shalt  }
0x60: {  	_ =	shalt  }
0x61: {  	_ =	shalt  }
0x62: {  	_ =	shalt  }
0x63: {  	_ =	shalt  }
0x64: {  	_ =	shalt  }
0x65: {  	_ =	shalt  }
0x66: {  	_ =	shalt  }
0x67: {  	_ =	shalt  }
0x68: {  	_ =	shalt  }
0x69: {  	_ =	shalt  }
0x6a: {  	_ =	shalt  }
0x6b: {  	_ =	shalt  }
0x6c: {  	_ =	shalt  }
0x6d: {  	_ =	shalt  }
0x6e: {  	_ =	shalt  }
0x6f: {  	_ =	shalt  }
0x70: {  	_ =	shalt  }
0x71: {  	_ =	shalt  }
0x72: {  	_ =	shalt  }
0x73: {  	_ =	shalt  }
0x74: {  	_ =	shalt  }
0x75: {  	_ =	shalt  }
0x76: {  	_ =	shalt  }
0x77: {  	_ =	shalt  }
0x78: {  	_ =	shalt  }
0x79: {  	_ =	shalt  }
0x7a: {  	_ =	shalt  }
0x7b: {  	_ =	shalt  }
0x7c: {  	_ =	shalt  }
0x7d: {  	_ =	shalt  }
0x7e: {  	_ =	shalt  }
0x7f: {  	_ =	shalt  }
0x80: {  	_ =	shalt  }
0x81: {  	_ =	shalt  }
0x82: {  	_ =	shalt  }
0x83: {  	_ =	shalt  }
0x84: {  	_ =	shalt  }
0x85: {  	_ =	shalt  }
0x86: {  	_ =	shalt  }
0x87: {  	_ =	shalt  }
.Lfunc_end0:
.L_simem_size_0:
called_computation_lowered:
.L_overlay_start_0:
0x88: {  	s2 =	sld [smem:$0x3FD9]  }
0x89: {  	s3 =	sld [smem:$0x3FFE];
	_ =	sdelay $0x1  }
0x8a: {  	s1 =	srdreg.scid  }
0x8b: {  	s0 =	sand.u32 $0x1, s1  }
0x8c: {  	s16 =	sshll.u32 s0, $0xA;
	s2 =	sadd.s32 s3, s2  }
0x8d: {  	s2 =	sadd.s32 s2, s16  }
0x8e: {  	[smem:$0x3FC0] =	sst s2  }
0x8f: {  	_ = 	snop  }
0x90: {  	(tm) =	ssettm $0x1  }
0x91: {  	s17 =	sld [smem:$0x3FFB];
	_ =	sdelay $0x3  }
0x92: {  	_ =	strace s17  }
0x93: {  	s2 =	sld [smem:$0x3FFC];
	_ =	sdelay $0x3  }
0x94: {  	_ =	strace s2  }
0x95: {  	s2 =	sld [smem:$0x3FFD];
	_ =	sdelay $0x3  }
0x96: {  	_ =	strace s2  }
0x97: {  	_ =	strace $0x8FFFFFFF  }
0x98: {  	s18 =	sld [smem:$0x3FDB];
	_ =	sdelay $0x1  }
0x99: {  	s19 =	simm.s32 $_scs_section_size  }
0x9a: {  	s4 =	simm.s32 $_size__tile_overlayer_lowered;
	s5 =	simm.s32 $_tile_overlayer_lowered  }
0x9b: {  	s22 =	simm.s32 $0x1BFF;
	s21 =	sshll.u32 s5, $0x1;
	s2 =	sadd.s32 s19, s18  }
0x9c: {  	s6 =	simm.s32 $0x0;
	s20 =	sshll.u32 s4, $0x1;
	s4 =	sadd.s32 s21, s2  }
0x9d: {  	[timem:s6], [sflag:s22] =	dma.local [hbm:s4], s20  }
0x9e: {  	_ =	swait.ge [sflag:s22], s20  }
0x9f: {  	s3 =	ssub.s32 $0x0, s20;
	[sflag:s22] =	ssyncset.done $0x0  }
0xa0: {  	[sflag:s22] =	ssyncadd.s32 s3;
	_ =	sdelay $0x1  }
0xa1: {  	s23 =	simm.s32 $0x1B8B  }
0xa2: {  	_ =	swait.ge [sflag:s23], $0x1  }
0xa3: {  	[sflag:s23] =	ssyncset.done $0x0  }
0xa4: {  	s25 =	simm.s32 $0x1B8E;
	s24 =	sld [smem:$0x3FFE];
	[sflag:s23] =	ssyncadd.s32 $0xFFFFFFFF  }
0xa5: {  	s26 =	simm.s32 $execute0_lowered;
	[smem:$0x3FD2] =	sst s25  }
0xa6: {  	s4 =	sshll.u32 s26, $0x1;
	_ =	strace $0x80000046;
	[dreg:$0x1] =	wrdreg $0xFFFFFFFF  }
0xa7: {  	s28 =	simm.s32 $_size_execute0_lowered;
	s2 =	sadd.s32 s2, s4;
	[dreg:$0x0] =	wrdreg $0x0  }
0xa8: {  	s4 =	sshll.u32 s28, $0x1;
	[dreg:$0x2] =	wrdreg s2  }
0xa9: {  	[dreg:$0x3] =	wrdreg s4  }
0xaa: {  	[dreg:$0x4] =	wrdreg $0xC0  }
0xab: {  	_ =	task [dreg:s6], $0x5FFFF  }
0xac: {  	[dreg:$0x1] =	wrdreg $0xFFFFFFFF  }
0xad: {  	[dreg:$0x0] =	wrdreg $0x60  }
0xae: {  	[dreg:$0x2] =	wrdreg s24  }
0xaf: {  	[dreg:$0x3] =	wrdreg $0x2B000  }
0xb0: {  	[dreg:$0x4] =	wrdreg $0x9  }
0xb1: {  	_ =	task.clear_ibuf [dreg:s6], $0x5FFFF;
	_ =	strace $0x90000046  }
0xb2: {  	s29 =	simm.s32 $0x9;
	_ =	strace $0x80000048  }
0xb3: {  	_ =	swait.ge [sflag:s29], $0x1  }
0xb4: {  	[sflag:s29] =	ssyncadd.s32 $0xFFFFFFFF  }
0xb5: {  	_ =	strace $0x90000048  }
0xb6: {  	_ =	sfence  }
0xb7: {  	s30 =	sld [smem:$0x0];
	_ =	sdelay $0x2  }
0xb8: {  	s31 =	sshll.u32 s1, $0xD;
	s1 =	sshrl.u32 s1, $0x2  }
0xb9: {  	s3 =	sand.u32 $0x4000, s31;
	s1 =	sadd.s32 s1, s30  }
0xba: {  	s0 =	sor.u32 s3, s0;
	s1 =	sshll.u32 s1, $0x11  }
0xbb: {  	s0 =	sor.u32 s1, s0  }
0xbc: {  	s0 =	sadd.s32 $0x8F2B, s0  }
0xbd: {  	[sflag:s0] =	ssyncadd.remote.s32 $0x1  }
0xbe: {  	_ =	sfence.sel $0xFFFF  }
0xbf: {  	[dreg:$0x0] =	wrdreg $0xFFFFFFFF;
	(pc) =	sbr.abs _section_cstart, $3  }
0xc0: {  	[dreg:$0x1] =	wrdreg $0xFFFFFFFF  }
0xc1: {  	_ =	task.clear_ibuf [dreg:s6], $0x2FFFF;
	_ =	strace $0x9FFFFFFF  }
0xc2: {  	(tm) =	ssettm $0x7FFFFFFF  }
0xc3: {  	_ =	shalt  }
tec
execute0_lowered:
.L_overlay_start_1:
0x0: {  	(tag) =	ssettag $0x1  }
0x1: {  	s4 =	rddreg [dreg:$0x0]  }
0x2: {  	s2 =	rddreg [dreg:$0x1];
	s3 =	srdreg.scid  }
0x3: {  	s1 =	stileid.u32;
	s0 =	rddreg [dreg:$0x2];
	s10 =	simm.s32 $0x80  }
0x4: {  	s11 =	simm.s32 $0x2800;
	s12 =	simm.s32 $0x0;
	s5 =	sand.u32 $0x1, s3  }
0x5: {  	s6 =	smul.u32 $0x278, s1;
	s3 =	simm.s32 $0x0;
	s7 =	sshll.u32 s1, $0x1  }
0x6: {  	s8 =	smul.u32 $0x2780, s5;
	s7 =	sor.u32 s5, s7;
	s5 =	ssub.s32 $0x2, s5  }
0x7: {  	[smem:$0x7FF] =	sst s3;
	s7 =	smul.u32 $0x500, s7;
	s9 =	sshrl.u32 s5, $0x1  }
0x8: {  	_ =	strace $0x80000047;
	s8 =	sadd.s32 s6, s8;
	s9 =	ssub.s32 s5, s9  }
0x9: {  	s5 =	sadd.s32 s6, s2;
	s8 =	sshrl.u32 s8, $0x3;
	s7 =	sadd.s32 s7, s4  }
0xa: {  	s8 =	sadd.s32 s8, s4;
	s4 =	sadd.s32 $0x2200, s7;
	s7 =	smax.u32 s9, $0x1  }
0xb: {  	v0 =	vimm.f32 $1.000000000e+00;
	v1 =	vimm.f32 $0.0e+00;
	s9 =	simm.s32 $0x2880;
	s6 =	sadd.s32 $0x16200, s8;
	s8 =	simm.s32 $0x1  }
.LBB2_1:
0xc: {  	[tilespmem:s3], [sflag:$0x1] =	stream.linear.gather [hbm4b:s4+s3], $0x2800, $0x38;
	[tilespmem:$0x2D78] =	vst v63  }
0xd: {  	_ =	swait.ge [sflag:s8], $0x2800  }
0xe: {  	[sflag:s8] =	ssyncset.done $0x0  }
0xf: {  	[sflag:s8] =	ssyncadd.s32 $0xFFFFD800  }
0x10: {  	[tilespmem:$0x2800] =	vst v0  }
0x11: {  	[tilespmem:$0x2810] =	vst v0  }
0x12: {  	[tilespmem:$0x2820] =	vst v0  }
0x13: {  	[tilespmem:$0x2830] =	vst v0  }
0x14: {  	[tilespmem:$0x2840] =	vst v0  }
0x15: {  	[tilespmem:$0x2850] =	vst v0  }
0x16: {  	[tilespmem:$0x2860] =	vst v0  }
0x17: {  	[tilespmem:$0x2870] =	vst v0  }
0x18: {  	[tilespmem:$0x2880] =	vst v1  }
0x19: {  	[tilespmem:$0x2890] =	vst v1  }
0x1a: {  	[tilespmem:$0x28A0] =	vst v1  }
0x1b: {  	[tilespmem:$0x28B0] =	vst v1  }
0x1c: {  	[tilespmem:$0x28C0] =	vst v1  }
0x1d: {  	[tilespmem:$0x28D0] =	vst v1  }
0x1e: {  	[tilespmem:$0x28E0] =	vst v1  }
0x1f: {  	[tilespmem:$0x28F0] =	vst v1  }
0x20: {  	[tilespmem:$0x2900] =	vst v1  }
0x21: {  	[tilespmem:$0x2910] =	vst v1  }
0x22: {  	[tilespmem:$0x2920] =	vst v1  }
0x23: {  	[tilespmem:$0x2930] =	vst v1  }
0x24: {  	[tilespmem:$0x2940] =	vst v1  }
0x25: {  	[tilespmem:$0x2950] =	vst v1  }
0x26: {  	[tilespmem:$0x2960] =	vst v1  }
0x27: {  	[tilespmem:$0x2970] =	vst v1  }
0x28: {  	[tilespmem:$0x2980] =	vst v1  }
0x29: {  	[tilespmem:$0x2990] =	vst v1  }
0x2a: {  	[tilespmem:$0x29A0] =	vst v1  }
0x2b: {  	[tilespmem:$0x29B0] =	vst v1  }
0x2c: {  	[tilespmem:$0x29C0] =	vst v1  }
0x2d: {  	[tilespmem:$0x29D0] =	vst v1  }
0x2e: {  	[tilespmem:$0x29E0] =	vst v1  }
0x2f: {  	[tilespmem:$0x29F0] =	vst v1  }
0x30: {  	[tilespmem:$0x2A00] =	vst v1  }
0x31: {  	[tilespmem:$0x2A10] =	vst v1  }
0x32: {  	[tilespmem:$0x2A20] =	vst v1  }
0x33: {  	[tilespmem:$0x2A30] =	vst v1  }
0x34: {  	[tilespmem:$0x2A40] =	vst v1  }
0x35: {  	[tilespmem:$0x2A50] =	vst v1  }
0x36: {  	[tilespmem:$0x2A60] =	vst v1  }
0x37: {  	[tilespmem:$0x2A70] =	vst v1  }
0x38: {  	[tilespmem:$0x2A80] =	vst v1  }
0x39: {  	[tilespmem:$0x2A90] =	vst v1  }
0x3a: {  	[tilespmem:$0x2AA0] =	vst v1  }
0x3b: {  	[tilespmem:$0x2AB0] =	vst v1  }
0x3c: {  	[tilespmem:$0x2AC0] =	vst v1  }
0x3d: {  	[tilespmem:$0x2AD0] =	vst v1  }
0x3e: {  	[tilespmem:$0x2AE0] =	vst v1  }
0x3f: {  	[tilespmem:$0x2AF0] =	vst v1  }
0x40: {  	[spmem:s5] =	stream.linear.scatter [tilespmem:s9], [sflag:$0x1], $0x278, $0x38;
	[tilespmem:$0x2D78] =	vst v63  }
0x41: {  	_ =	swait.ge [sflag:s8], $0x278  }
0x42: {  	[sflag:s8] =	ssyncset.done $0x0  }
0x43: {  	[sflag:s8] =	ssyncadd.s32 $0xFFFFFD88  }
0x44: {  	s13 =	simm.s32 $0x0;
	[bflag:$0x0] =	sbarrier.arrive $0xFFFF  }
0x45: {  	[spmem:s2] =	stream.indirect.scatter.add.f32 [tilespmem:s11], [sflag:$0x1], $0x1, s13, s10, $0xb8;
	[tilespmem:$0x2D78] =	vst v63  }
0x46: {  	_ =	swait.ge [sflag:s8], $0x80  }
0x47: {  	s13 =	simm.s32 $0x200;
	[sflag:s8] =	ssyncset.done $0x0  }
.LBB2_2:
0x48: {  	s14 =	sshra.s32 s13, $0x2;
	[sflag:s8] =	ssyncadd.s32 $0xFFFFFF80;
	p0 =	sne.s32 s13, $0x9E00  }
0x49: {  	[spmem:s2] =	stream.indirect.scatter.add.f32 [tilespmem:s11], [sflag:$0x1], $0x1, s14, s10, $0xb8;
	[tilespmem:$0x2D78] =	vst v63  }
.Ltmp0:
0x4a: {  	_ = 	snop;
	(pc) =	sbr.rel @p0 .LBB2_2-.Ltmp0, $4  }
0x4b: {  	_ = 	snop  }
0x4c: {  	s13 =	sadd.s32 $0x200, s13  }
0x4d: {  	_ =	swait.ge [sflag:s8], $0x80  }
0x4e: {  	[sflag:s8] =	ssyncset.done $0x0  }
0x4f: {  	[sflag:s8] =	ssyncadd.s32 $0xFFFFFF80  }
0x50: {  	[bflag:$0x0] =	sbarrier.arrive $0xFFFF  }
0x51: {  	[tilespmem:s9], [sflag:$0x1] =	stream.linear.gather [spmem:s5], $0x278, $0x38;
	[tilespmem:$0x2D78] =	vst v63  }
0x52: {  	s12 =	sadd.s32 $0x1, s12;
	_ =	swait.ge [sflag:s8], $0x278  }
0x53: {  	p0 =	sne.s32 s12, s7;
	[sflag:s8] =	ssyncset.done $0x0  }
.Ltmp1:
0x54: {  	[sflag:s8] =	ssyncadd.s32 $0xFFFFFD88;
	(pc) =	sbr.rel @p0 .LBB2_1-.Ltmp1, $4  }
0x55: {  	[hbm4b:s6+s3] =	stream.linear.scatter [tilespmem:s9], [sflag:$0x1], $0x278, $0x38;
	[tilespmem:$0x2D78] =	vst v63  }
0x56: {  	_ =	swait.ge [sflag:s8], $0x278  }
0x57: {  	[sflag:s8] =	ssyncset.done $0x0  }
0x58: {  	[sflag:s8] =	ssyncadd.s32 $0xFFFFFD88  }
0x59: {  	_ =	sfence.sel $0x180000  }
0x5a: {  	[bflag:$0x0] =	sbarrier.arrive $0xFFFF  }
0x5b: {  	p0 =	sne.s32 s1, $0x0;
	_ =	strace $0x90000047  }
0x5c: {  	s0 =	sadd.s32 @!p0 $0x100000, s0;
	[bflag:$0x2] =	sbarrier.arrive $0xFFFF  }
0x5d: {  	[sflag:s0] =	ssyncadd.tile.s32 @!p0 $0x1;
	_ =	shalt  }
.Lfunc_end2:
_tile_overlayer_lowered:
.L_overlay_start_2:
0x5e: {  	(tag) =	ssettag $0x2  }
0x5f: {  	s0 =	rddreg [dreg:$0x0];
	s2 =	stileid.u32  }
0x60: {  	s1 =	rddreg [dreg:$0x1];
	p0 =	sne.s32 s2, $0x0  }
0x61: {  	s3 =	rddreg [dreg:$0x2];
	[bflag:$0x3] =	sbarrier.arrive $0xFFFF;
	s2 =	simm.s32 @!p0 $0x1C01  }
0x62: {  	[timem:s3], [sflag:s2] =	dma.local @!p0 [hbm:s0], s1  }
0x63: {  	s0 =	simm.s32 @!p0 $0x1  }
0x64: {  	_ =	swait.ge @!p0 [sflag:s0], s1  }
0x65: {  	s1 =	ssub.s32 @!p0 $0x0, s1;
	[sflag:s0] =	ssyncset.done @!p0 $0x0  }
0x66: {  	[sflag:s0] =	ssyncadd.s32 @!p0 s1  }
0x67: {  	[bflag:$0x3] =	sbarrier.arrive $0xFFFF  }
0x68: {  	_ =	shalt  }

</sc_bundles>
